<compile_context>
chip_gen: v7x
topology: tpu7x:2x2x1
jax: 0.10.2.dev20260603
libtpu: 0.0.44.dev20260713+nightly
codegen_flags: <defaults>
</compile_context>

<pallas_src>
import functools

import jax
import jax.numpy as jnp
from jax import lax
from jax.experimental import pallas as pl
from jax.experimental.pallas import tpu as pltpu
from jax.experimental.pallas import tpu_sc as plsc


B = 8
N = 2048
KNN = 20
MAX_V = 64
R = 256
RF = 1024
BN_COUNT = B * N


def _lrelu(v):
    return jnp.where(v >= 0, v, 0.2 * v)


def _align_kernel(prt_ref, pos_ref, neg_ref, ext_ref):
    proj = prt_ref[...]
    pos_ref[...] = jnp.sum((proj > 0).astype(jnp.int32), axis=2)
    neg_ref[...] = jnp.sum((proj < 0).astype(jnp.int32), axis=2)
    ext_ref[...] = jnp.max(proj, axis=2) - jnp.min(proj, axis=2)


def _pca_align(centered, evec, sem):
    proj = jnp.einsum('bnc,bck->bnk', centered, evec)
    pos, neg, ext = pl.pallas_call(
        _align_kernel,
        out_shape=[jax.ShapeDtypeStruct((B, 3), jnp.int32),
                   jax.ShapeDtypeStruct((B, 3), jnp.int32),
                   jax.ShapeDtypeStruct((B, 3), jnp.float32)],
    )(proj.transpose(0, 2, 1))
    sign = jnp.where(neg > pos, -1.0, 1.0).astype(jnp.float32)
    aligned = proj * sign[:, None, :]
    feats = jnp.concatenate([aligned, sem], axis=2)
    return feats, ext


def _topk_body(fr, ft, xx_r, xx_f, b):
    inner = -2.0 * jnp.dot(fr, ft, preferred_element_type=jnp.float32)
    work = -xx_r - inner - xx_f
    colid = jax.lax.broadcasted_iota(jnp.int32, work.shape, 1).astype(jnp.float32)
    cols = []
    for _ in range(KNN):
        m = jnp.max(work, axis=1, keepdims=True)
        cand = jnp.where(work == m, colid, jnp.float32(N))
        jf = jnp.min(cand, axis=1)
        cols.append(jf.astype(jnp.int32) + b * N)
        work = jnp.where(colid == jf[:, None], -jnp.inf, work)
    return jnp.stack(cols, axis=1)


def _topk_idx_kernel(fr_ref, ft_ref, xr_ref, xf_ref, idx_ref):
    idx_ref[0] = _topk_body(fr_ref[0], ft_ref[0], xr_ref[0, :, 0][:, None],
                            xf_ref[0], pl.program_id(0))


def _topk_inputs(f):
    xx = jnp.sum(f ** 2, axis=2, keepdims=True)
    return f.transpose(0, 2, 1), xx, xx.transpose(0, 2, 1)


def _topk_specs(C):
    return [
        pl.BlockSpec((1, R, C), lambda b, r: (b, r, 0)),
        pl.BlockSpec((1, C, N), lambda b, r: (b, 0, 0)),
        pl.BlockSpec((1, R, 1), lambda b, r: (b, r, 0)),
        pl.BlockSpec((1, 1, N), lambda b, r: (b, 0, 0)),
    ]


def _knn_topk_idx(f):
    C = f.shape[2]
    ft, xx, xxt = _topk_inputs(f)
    return pl.pallas_call(
        _topk_idx_kernel,
        grid=(B, N // R),
        in_specs=_topk_specs(C),
        out_specs=pl.BlockSpec((1, R, KNN), lambda b, r: (b, r, 0)),
        out_shape=jax.ShapeDtypeStruct((B, N, KNN), jnp.int32),
    )(f, ft, xx, xxt)


NW = 32
GCH = 80


def _make_sc_gather(C):
    S_total = BN_COUNT * KNN
    S = S_total // NW
    NCH = S // GCH

    mesh = plsc.VectorSubcoreMesh(core_axis_name="c", subcore_axis_name="s")

    @functools.partial(
        pl.kernel, mesh=mesh,
        out_type=jax.ShapeDtypeStruct((S_total, C), jnp.float32),
        compiler_params=pltpu.CompilerParams(use_tc_tiling_on_sc=False),
        scratch_types=[
            pltpu.VMEM((NCH, GCH), jnp.int32),
            pltpu.VMEM((2, GCH, C), jnp.float32),
            pltpu.SemaphoreType.DMA,
            pltpu.SemaphoreType.DMA,
        ],
    )
    def k(table_hbm, idx_hbm, out_hbm, idx_v, rows_v, sem0, sem1):
        wid = lax.axis_index("s") * 2 + lax.axis_index("c")
        base = wid * S
        pltpu.sync_copy(idx_hbm.at[wid], idx_v)
        sems = (sem0, sem1)

        def gather(ch, buf):
            return pltpu.make_async_copy(
                table_hbm.at[idx_v.at[ch]], rows_v.at[buf], sems[buf])

        gather(0, 0).start()

        def body(c2, _):
            for par in range(2):
                ch = c2 * 2 + par
                nxt = ch + 1

                @pl.when(nxt < NCH)
                def _():
                    gather(nxt, (par + 1) % 2).start()

                gather(ch, par).wait()
                pltpu.sync_copy(rows_v.at[par],
                                out_hbm.at[pl.ds(base + ch * GCH, GCH)])
            return 0

        lax.fori_loop(0, NCH // 2, body, 0)

    return k


def _sc_gather(table, idx_flat, C):
    idx3 = idx_flat.reshape(NW, (BN_COUNT * KNN) // (NW * GCH), GCH)
    return _make_sc_gather(C)(table, idx3)


def _ef_kernel(fc_ref, g_ref, w1_ref, hmax_ref, h_ref):
    RB = fc_ref.shape[0]
    xc = fc_ref[...]
    nbr = g_ref[...].reshape(RB * KNN, 16)[:, :5]
    xcr = jnp.broadcast_to(xc[:, None, :], (RB, KNN, 5)).reshape(RB * KNN, 5)
    ef = jnp.concatenate([xcr, nbr - xcr], axis=1)
    h = jnp.dot(ef, w1_ref[...], preferred_element_type=jnp.float32)
    hmax_ref[...] = jnp.max(h.reshape(RB, KNN, 32), axis=1)
    h_ref[...] = h


def _ef_stage(feats_flat, g1rows, W1):
    RB = 128
    grid = (BN_COUNT // RB,)
    call = pl.pallas_call(
        _ef_kernel,
        grid=grid,
        in_specs=[
            pl.BlockSpec((RB, 5), lambda i: (i, 0)),
            pl.BlockSpec((RB, KNN, 16), lambda i: (i, 0, 0)),
            pl.BlockSpec((10, 32), lambda i: (0, 0)),
        ],
        out_specs=[
            pl.BlockSpec((RB, 32), lambda i: (i, 0)),
            pl.BlockSpec((RB * KNN, 32), lambda i: (i, 0)),
        ],
        out_shape=[
            jax.ShapeDtypeStruct((BN_COUNT, 32), jnp.float32),
            jax.ShapeDtypeStruct((BN_COUNT * KNN, 32), jnp.float32),
        ],
    )
    return call(feats_flat, g1rows, W1)



def _ef2_kernel(fc_ref, g_ref, w2_ref, hmax_ref, hs_ref):
    i = pl.program_id(0)
    RB = fc_ref.shape[0]
    xc = fc_ref[...]
    nbr = g_ref[...].reshape(RB * KNN, 32)
    xcr = jnp.broadcast_to(xc[:, None, :], (RB, KNN, 32)).reshape(RB * KNN, 32)
    ef = jnp.concatenate([xcr, nbr - xcr], axis=1)
    h = jnp.dot(ef, w2_ref[...], preferred_element_type=jnp.float32)
    hmax_ref[...] = jnp.max(h.reshape(RB, KNN, 64), axis=1)
    z = jnp.zeros_like(jnp.sum(h, axis=0))
    part = jnp.stack([jnp.sum(h, axis=0), jnp.sum(h * h, axis=0),
                      z, z, z, z, z, z], axis=0)

    @pl.when(i == 0)
    def _():
        hs_ref[...] = part

    @pl.when(i != 0)
    def _():
        hs_ref[...] += part


def _ef2_stage(f1_flat, g2rows, W2):
    RB = 256
    grid = (BN_COUNT // RB,)
    return pl.pallas_call(
        _ef2_kernel,
        grid=grid,
        in_specs=[
            pl.BlockSpec((RB, 32), lambda i: (i, 0)),
            pl.BlockSpec((RB, KNN, 32), lambda i: (i, 0, 0)),
            pl.BlockSpec((64, 64), lambda i: (0, 0)),
        ],
        out_specs=[
            pl.BlockSpec((RB, 64), lambda i: (i, 0)),
            pl.BlockSpec((8, 64), lambda i: (0, 0)),
        ],
        out_shape=[
            jax.ShapeDtypeStruct((BN_COUNT, 64), jnp.float32),
            jax.ShapeDtypeStruct((8, 64), jnp.float32),
        ],
    )(f1_flat, g2rows, W2)


def _f1_kernel(hmax_ref, m_ref, v_ref, ws_ref, g_ref, bb_ref,
               f1_ref, sraw_ref, ss_ref):
    i = pl.program_id(0)
    h = hmax_ref[...]
    f1 = _lrelu((h - m_ref[...]) / jnp.sqrt(v_ref[...] + 1e-5)
                * g_ref[...] + bb_ref[...])
    f1_ref[...] = f1
    s = jnp.dot(f1, ws_ref[...], preferred_element_type=jnp.float32)
    sraw_ref[...] = s
    z = jnp.zeros_like(jnp.sum(s, axis=0))
    part = jnp.stack([jnp.sum(s, axis=0), jnp.sum(s * s, axis=0),
                      z, z, z, z, z, z], axis=0)

    @pl.when(i == 0)
    def _():
        ss_ref[...] = part

    @pl.when(i != 0)
    def _():
        ss_ref[...] += part


def _f1_stage(hmax, m1, v1, Ws, g1, b1):
    grid = (BN_COUNT // RF,)
    return pl.pallas_call(
        _f1_kernel,
        grid=grid,
        in_specs=[
            pl.BlockSpec((RF, 32), lambda i: (i, 0)),
            pl.BlockSpec((1, 32), lambda i: (0, 0)),
            pl.BlockSpec((1, 32), lambda i: (0, 0)),
            pl.BlockSpec((32, 64), lambda i: (0, 0)),
            pl.BlockSpec((1, 32), lambda i: (0, 0)),
            pl.BlockSpec((1, 32), lambda i: (0, 0)),
        ],
        out_specs=[
            pl.BlockSpec((RF, 32), lambda i: (i, 0)),
            pl.BlockSpec((RF, 64), lambda i: (i, 0)),
            pl.BlockSpec((8, 64), lambda i: (0, 0)),
        ],
        out_shape=[
            jax.ShapeDtypeStruct((BN_COUNT, 32), jnp.float32),
            jax.ShapeDtypeStruct((BN_COUNT, 64), jnp.float32),
            jax.ShapeDtypeStruct((8, 64), jnp.float32),
        ],
    )(hmax, m1, v1, Ws, g1, b1)


def _f2_kernel(f1_ref, hmax_ref, st_ref, sraw_ref, ss_ref,
               g2_ref, b2_ref, gs_ref, bs_ref, wp_ref, p_ref, ps_ref):
    i = pl.program_id(0)
    st = st_ref[...]
    cnt = BN_COUNT * KNN
    mean2 = st[0] / cnt
    var2 = st[1] / cnt - mean2 * mean2
    ss = ss_ref[...]
    mean_s = ss[0] / BN_COUNT
    var_s = ss[1] / BN_COUNT - mean_s * mean_s
    h = hmax_ref[...]
    f2 = _lrelu((h - mean2[None, :]) / jnp.sqrt(var2 + 1e-5)[None, :]
                * g2_ref[...] + b2_ref[...])
    f2 = f2 + ((sraw_ref[...] - mean_s[None, :]) / jnp.sqrt(var_s + 1e-5)[None, :]
               * gs_ref[...] + bs_ref[...])
    ms = jnp.concatenate([f1_ref[...], f2], axis=1)
    p = jnp.dot(ms, wp_ref[...], preferred_element_type=jnp.float32)
    p_ref[...] = p
    z = jnp.zeros_like(jnp.sum(p, axis=0))
    part = jnp.stack([jnp.sum(p, axis=0), jnp.sum(p * p, axis=0),
                      z, z, z, z, z, z], axis=0)

    @pl.when(i == 0)
    def _():
        ps_ref[...] = part

    @pl.when(i != 0)
    def _():
        ps_ref[...] += part


def _f2_stage(f1, hmax2, st2, sraw, ssums, g2, b2, gs, bs, Wp):
    grid = (BN_COUNT // RF,)
    return pl.pallas_call(
        _f2_kernel,
        grid=grid,
        in_specs=[
            pl.BlockSpec((RF, 32), lambda i: (i, 0)),
            pl.BlockSpec((RF, 64), lambda i: (i, 0)),
            pl.BlockSpec((8, 64), lambda i: (0, 0)),
            pl.BlockSpec((RF, 64), lambda i: (i, 0)),
            pl.BlockSpec((8, 64), lambda i: (0, 0)),
            pl.BlockSpec((1, 64), lambda i: (0, 0)),
            pl.BlockSpec((1, 64), lambda i: (0, 0)),
            pl.BlockSpec((1, 64), lambda i: (0, 0)),
            pl.BlockSpec((1, 64), lambda i: (0, 0)),
            pl.BlockSpec((96, 96), lambda i: (0, 0)),
        ],
        out_specs=[
            pl.BlockSpec((RF, 96), lambda i: (i, 0)),
            pl.BlockSpec((8, 96), lambda i: (0, 0)),
        ],
        out_shape=[
            jax.ShapeDtypeStruct((BN_COUNT, 96), jnp.float32),
            jax.ShapeDtypeStruct((8, 96), jnp.float32),
        ],
    )(f1, hmax2, st2, sraw, ssums, g2, b2, gs, bs, Wp)


def _pool_kernel(p_ref, ps_ref, gp_ref, bp_ref, mx_ref, av_ref):
    b = pl.program_id(0)
    r = pl.program_id(1)
    ps = ps_ref[...]
    mean_p = ps[0] / BN_COUNT
    var_p = ps[1] / BN_COUNT - mean_p * mean_p
    p = p_ref[0]
    ft = _lrelu((p - mean_p[None, :]) / jnp.sqrt(var_p + 1e-5)[None, :]
                * gp_ref[...] + bp_ref[...])
    bmx = jnp.max(ft, axis=0, keepdims=True)
    bav = jnp.sum(ft, axis=0, keepdims=True)

    @pl.when((b == 0) & (r == 0))
    def _():
        mx_ref[...] = jnp.full((B, 96), -jnp.inf, jnp.float32)
        av_ref[...] = jnp.zeros((B, 96), jnp.float32)

    mx_ref[pl.ds(b, 1), :] = jnp.maximum(mx_ref[pl.ds(b, 1), :], bmx)
    av_ref[pl.ds(b, 1), :] += bav


def _pool_stage(p, psums, gp, bp):
    p3 = p.reshape(B, N, 96)
    grid = (B, N // RF)
    return pl.pallas_call(
        _pool_kernel,
        grid=grid,
        in_specs=[
            pl.BlockSpec((1, RF, 96), lambda b, r: (b, r, 0)),
            pl.BlockSpec((8, 96), lambda b, r: (0, 0)),
            pl.BlockSpec((1, 96), lambda b, r: (0, 0)),
            pl.BlockSpec((1, 96), lambda b, r: (0, 0)),
        ],
        out_specs=[
            pl.BlockSpec((B, 96), lambda b, r: (0, 0)),
            pl.BlockSpec((B, 96), lambda b, r: (0, 0)),
        ],
        out_shape=[
            jax.ShapeDtypeStruct((B, 96), jnp.float32),
            jax.ShapeDtypeStruct((B, 96), jnp.float32),
        ],
    )(p3, psums, gp, bp)


def _tail_kernel(mx_ref, av_ref, pf_ref, wd1_ref, bd1_ref, gd_ref, bd_ref,
                 wd2_ref, bd2_ref, o_ref):
    gl = jnp.concatenate(
        [mx_ref[...], av_ref[...] / N, pf_ref[...]], axis=1)
    h = jnp.dot(gl, wd1_ref[...], preferred_element_type=jnp.float32) + bd1_ref[...]
    m = jnp.mean(h, axis=0, keepdims=True)
    v = jnp.mean((h - m) * (h - m), axis=0, keepdims=True)
    h = (h - m) / jnp.sqrt(v + 1e-5) * gd_ref[...] + bd_ref[...]
    h = _lrelu(h)
    o_ref[...] = jnp.tanh(
        jnp.dot(h, wd2_ref[...], preferred_element_type=jnp.float32) + bd2_ref[...])


def _tail(mx, av, pf, Wd1, bd1, gd, bd, Wd2, bd2):
    return pl.pallas_call(
        _tail_kernel,
        out_shape=jax.ShapeDtypeStruct((B, MAX_V * 4), jnp.float32),
    )(mx, av, pf, Wd1, bd1.reshape(1, -1), gd.reshape(1, -1),
      bd.reshape(1, -1), Wd2, bd2.reshape(1, -1))


def kernel(x, W1, g1, b1, W2, g2, b2, Ws, gs, bs, Wp, gp, bp, Wd1, bd1, gd, bd, Wd2, bd2):
    coords = x[:, :, :3]
    sem = x[:, :, 3:]

    centroid = jnp.mean(coords, axis=1, keepdims=True)
    centered = coords - centroid
    cov = jnp.einsum('bnc,bnd->bcd', centered, centered) / N
    ev, evec = jnp.linalg.eigh(cov)
    ev = jnp.flip(ev, axis=1)
    evec = jnp.flip(evec, axis=2)
    det = jnp.linalg.det(evec)
    col_sign = jnp.where(det[:, None] < 0,
                         jnp.array([1.0, 1.0, -1.0], dtype=jnp.float32),
                         jnp.ones(3, dtype=jnp.float32))
    evec = evec * col_sign[:, None, :]
    en = ev / (jnp.sum(ev, axis=1, keepdims=True) + 1e-8)

    feats, ext = _pca_align(centered, evec, sem)
    pca_feat = jnp.concatenate([en, ext], axis=1)

    feats_flat = feats.reshape(BN_COUNT, 5)
    idx1 = _knn_topk_idx(feats)
    feats16 = jnp.pad(feats_flat, ((0, 0), (0, 11)))
    g1rows = _sc_gather(feats16, idx1.reshape(BN_COUNT * KNN), 16)
    g1rows = g1rows.reshape(BN_COUNT, KNN, 16)
    hmax1, h1 = _ef_stage(feats_flat, g1rows, W1)
    h4 = h1.reshape(B, N, KNN, 32)
    m1 = jnp.mean(h4, axis=(0, 1, 2), keepdims=True)
    v1 = jnp.var(h4, axis=(0, 1, 2), keepdims=True)
    f1, sraw, ssums = _f1_stage(hmax1, m1.reshape(1, 32), v1.reshape(1, 32),
                                Ws, g1.reshape(1, 32), b1.reshape(1, 32))

    idx2 = _knn_topk_idx(f1.reshape(B, N, 32))
    g2rows = _sc_gather(f1, idx2.reshape(BN_COUNT * KNN), 32)
    g2rows = g2rows.reshape(BN_COUNT, KNN, 32)
    hmax2, st2 = _ef2_stage(f1, g2rows, W2)

    p, psums = _f2_stage(f1, hmax2, st2, sraw, ssums,
                         g2.reshape(1, 64), b2.reshape(1, 64),
                         gs.reshape(1, 64), bs.reshape(1, 64), Wp)

    mx, av = _pool_stage(p, psums, gp.reshape(1, 96), bp.reshape(1, 96))
    out = _tail(mx, av, pca_feat, Wd1, bd1, gd, bd, Wd2, bd2)
    return out.reshape(B, MAX_V, 4)

# --- scband reference (transcript-rebuilt; emitter-appended) ---
"""Pipeline reference for scband-basic-dgcnn-36679020708002 (READ-ONLY COPY).

The authoritative reference and input builder live on the scoring server;
editing this copy changes nothing except your own understanding.
"""

import jax, jax.numpy as jnp
import numpy as np

K = 20
MAX_V = 64


def _knn(x, k):
    inner = -2.0 * jnp.einsum('bnc,bmc->bnm', x, x)
    xx = jnp.sum(x ** 2, axis=2, keepdims=True)
    pd = -xx - inner - jnp.swapaxes(xx, 1, 2)
    _, idx = jax.lax.top_k(pd, k)
    return idx


def _lrelu(x):
    return jnp.where(x >= 0, x, 0.2 * x)


def _bn(h, gamma, beta, axes):
    m = jnp.mean(h, axis=axes, keepdims=True)
    v = jnp.var(h, axis=axes, keepdims=True)
    return (h - m) / jnp.sqrt(v + 1e-5) * gamma + beta


def _edge_conv(x, W, g, b, k):
    # x: [B, N, C]
    idx = _knn(x, k)                                   # [B, N, k]
    nbrs = jax.vmap(lambda xb, ib: xb[ib])(x, idx)     # gather [B, N, k, C]
    xc = jnp.broadcast_to(x[:, :, None, :], nbrs.shape)
    ef = jnp.concatenate([xc, nbrs - xc], axis=3)      # [B, N, k, 2C]
    h = ef @ W                                         # 1x1 conv == matmul
    h = _bn(h, g, b, (0, 1, 2))
    h = _lrelu(h)
    return jnp.max(h, axis=2)                          # max over k neighbors


def _pca(coords):
    B, N, _ = coords.shape
    centroid = jnp.mean(coords, axis=1, keepdims=True)
    centered = coords - centroid
    cov = jnp.einsum('bnc,bnd->bcd', centered, centered) / N
    ev, evec = jnp.linalg.eigh(cov)
    ev = jnp.flip(ev, axis=1)
    evec = jnp.flip(evec, axis=2)
    det = jnp.linalg.det(evec)
    col_sign = jnp.where(det[:, None] < 0, jnp.array([1.0, 1.0, -1.0], dtype=jnp.float32), jnp.ones(3, dtype=jnp.float32))
    evec = evec * col_sign[:, None, :]
    proj = jnp.einsum('bnc,bck->bnk', centered, evec)
    pos = jnp.sum(proj > 0, axis=1)
    neg = jnp.sum(proj < 0, axis=1)
    sign = jnp.where(neg > pos, -1.0, 1.0)
    evec = evec * sign[:, None, :]
    aligned = jnp.einsum('bnc,bck->bnk', centered, evec)
    en = ev / (jnp.sum(ev, axis=1, keepdims=True) + 1e-8)
    ext = jnp.max(aligned, axis=1) - jnp.min(aligned, axis=1)
    pca_feat = jnp.concatenate([en, ext], axis=1)
    return aligned, pca_feat


def setup_inputs(seed: int = 0) -> dict:
    key = jax.random.key(seed)
    ks = jax.random.split(key, 8)
    B, N = 8, 2048
    x = jax.random.normal(ks[0], (B, N, 5), dtype=jnp.float32)

    def w(k, shape):
        return jax.random.normal(k, shape, dtype=jnp.float32) * (1.0 / np.sqrt(shape[0]))

    bd2 = jnp.zeros(MAX_V * 4, dtype=jnp.float32).at[jnp.arange(MAX_V) * 4 + 3].set(-1.0)
    return {
        'x': x,
        'W1': w(ks[1], (10, 32)), 'g1': jnp.ones(32, jnp.float32), 'b1': jnp.zeros(32, jnp.float32),
        'W2': w(ks[2], (64, 64)), 'g2': jnp.ones(64, jnp.float32), 'b2': jnp.zeros(64, jnp.float32),
        'Ws': w(ks[3], (32, 64)), 'gs': jnp.ones(64, jnp.float32), 'bs': jnp.zeros(64, jnp.float32),
        'Wp': w(ks[4], (96, 96)), 'gp': jnp.ones(96, jnp.float32), 'bp': jnp.zeros(96, jnp.float32),
        'Wd1': w(ks[5], (198, 128)), 'bd1': jnp.zeros(128, jnp.float32),
        'gd': jnp.ones(128, jnp.float32), 'bd': jnp.zeros(128, jnp.float32),
        'Wd2': w(ks[6], (128, MAX_V * 4)), 'bd2': bd2,
    }


def reference(x, W1, g1, b1, W2, g2, b2, Ws, gs, bs, Wp, gp, bp, Wd1, bd1, gd, bd, Wd2, bd2):
    coords = x[:, :, :3]
    sem = x[:, :, 3:]
    aligned, pca_feat = _pca(coords)
    feats = jnp.concatenate([aligned, sem], axis=2)      # [B, N, 5]
    f1 = _edge_conv(feats, W1, g1, b1, K)                # [B, N, 32]
    sc = _bn(f1 @ Ws, gs, bs, (0, 1))                    # shortcut conv1d+BN
    f2 = _edge_conv(f1, W2, g2, b2, K) + sc              # [B, N, 64]
    ms = jnp.concatenate([f1, f2], axis=2)               # [B, N, 96]
    ft = _lrelu(_bn(ms @ Wp, gp, bp, (0, 1)))            # conv_post
    mx = jnp.max(ft, axis=1)
    av = jnp.mean(ft, axis=1)
    gl = jnp.concatenate([mx, av, pca_feat], axis=1)     # [B, 198]
    h = gl @ Wd1 + bd1
    h = _lrelu(_bn(h, gd, bd, (0,)))
    # dropout: identity (eval behavior)
    out = jnp.tanh(h @ Wd2 + bd2)
    return out.reshape(out.shape[0], MAX_V, 4)

if __name__ == "__main__":
    import jax
    _d = setup_inputs()
    print(jax.jit(kernel)(*tuple(_d.values())))

</pallas_src>

<mosaic_0001>
#map = affine_map<(d0, d1) -> (0, 0)>
#map1 = affine_map<(d0, d1) -> (0, 0, 0)>
module attributes {stable_mosaic.version = 14 : i64} {
  func.func @k(%arg0: i32, %arg1: i32, %arg2: memref<16384x16xf32, #tpu.memory_space<hbm>>, %arg3: memref<32x128x80xi32, #tpu.memory_space<hbm>>, %arg4: memref<327680x16xf32, #tpu.memory_space<hbm>>, %arg5: memref<128x80xi32, #tpu.memory_space<vmem>>, %arg6: memref<2x80x16xf32, #tpu.memory_space<vmem>>, %arg7: memref<!tpu.dma_semaphore, #tpu.memory_space<semaphore_mem>>, %arg8: memref<!tpu.dma_semaphore, #tpu.memory_space<semaphore_mem>>) attributes {dimension_semantics = [#tpu.dimension_semantics<core_parallel>, #tpu.dimension_semantics<subcore_parallel>], iteration_bounds = array<i64: 2, 16>, scalar_prefetch = 0 : i64, scratch_operands = 4 : i64, tpu.core_type = #tpu.core_type<sc_vector_subcore>, window_params = [{transform_indices = #map}, {transform_indices = #map1}, {transform_indices = #map}]} {
    %mul3A = arith.constant 2 : i32
    %mul3A_0 = arith.muli %arg1, %mul3A : i32
    %add3A = arith.addi %mul3A_0, %arg0 : i32
    %mul3A_1 = arith.constant 10240 : i32
    %mul3A_2 = arith.muli %add3A, %mul3A_1 : i32
    "tpu.region"() ({
      %run_scoped3A = tpu.sem_alloc : memref<!tpu.dma_semaphore, #tpu.memory_space<semaphore_mem>>
      %dma_start3A_20 = arith.constant 0 : i32
      %dma_start3A_21 = arith.constant 0 : i32
      %dma_start3A_22 = tpu.memref_slice %arg3[%add3A, %dma_start3A_20, %dma_start3A_21] : memref<32x128x80xi32, #tpu.memory_space<hbm>> -> memref<1x128x80xi32, #tpu.memory_space<hbm>>
      %dma_start3A_23 = tpu.memref_squeeze %dma_start3A_22 : memref<1x128x80xi32, #tpu.memory_space<hbm>> -> memref<128x80xi32, #tpu.memory_space<hbm>>
      %dma_start3A_24 = arith.constant 0 : i32
      %dma_start3A_25 = arith.constant 0 : i32
      %dma_start3A_26 = tpu.memref_slice %arg3[%add3A, %dma_start3A_24, %dma_start3A_25] : memref<32x128x80xi32, #tpu.memory_space<hbm>> -> memref<1x128x80xi32, #tpu.memory_space<hbm>>
      %dma_start3A_27 = tpu.memref_squeeze %dma_start3A_26 : memref<1x128x80xi32, #tpu.memory_space<hbm>> -> memref<128x80xi32, #tpu.memory_space<hbm>>
      tpu.enqueue_dma source(%dma_start3A_27 : memref<128x80xi32, #tpu.memory_space<hbm>>) target(%arg5 : memref<128x80xi32, #tpu.memory_space<vmem>>) target_semaphore(%run_scoped3A : memref<!tpu.dma_semaphore, #tpu.memory_space<semaphore_mem>>)
      %dma_wait3A = arith.constant 0 : i32
      %dma_wait3A_28 = arith.constant 0 : i32
      %dma_wait3A_29 = tpu.memref_slice %arg3[%add3A, %dma_wait3A, %dma_wait3A_28] : memref<32x128x80xi32, #tpu.memory_space<hbm>> -> memref<1x128x80xi32, #tpu.memory_space<hbm>>
      %dma_wait3A_30 = tpu.memref_squeeze %dma_wait3A_29 : memref<1x128x80xi32, #tpu.memory_space<hbm>> -> memref<128x80xi32, #tpu.memory_space<hbm>>
      %dma_wait3A_31 = arith.constant 0 : i32
      %dma_wait3A_32 = arith.constant 0 : i32
      %dma_wait3A_33 = tpu.memref_slice %arg3[%add3A, %dma_wait3A_31, %dma_wait3A_32] : memref<32x128x80xi32, #tpu.memory_space<hbm>> -> memref<1x128x80xi32, #tpu.memory_space<hbm>>
      %dma_wait3A_34 = tpu.memref_squeeze %dma_wait3A_33 : memref<1x128x80xi32, #tpu.memory_space<hbm>> -> memref<128x80xi32, #tpu.memory_space<hbm>>
      tpu.wait_dma2 semaphore(%run_scoped3A : memref<!tpu.dma_semaphore, #tpu.memory_space<semaphore_mem>>) src(%dma_wait3A_34 : memref<128x80xi32, #tpu.memory_space<hbm>>) dst(%arg5 : memref<128x80xi32, #tpu.memory_space<vmem>>)
      tpu.yield
    }) : () -> ()
    %dma_start3A = arith.constant 0 : i32
    %dma_start3A_3 = arith.constant 0 : i32
    %dma_start3A_4 = arith.constant 0 : i32
    %dma_start3A_5 = arith.constant 0 : i32
    %dma_start3A_6 = tpu.memref_slice %arg6[%dma_start3A_3, %dma_start3A_4, %dma_start3A_5] : memref<2x80x16xf32, #tpu.memory_space<vmem>> -> memref<1x80x16xf32, #tpu.memory_space<vmem>>
    %dma_start3A_7 = tpu.memref_squeeze %dma_start3A_6 : memref<1x80x16xf32, #tpu.memory_space<vmem>> -> memref<80x16xf32, #tpu.memory_space<vmem>>
    %dma_start3A_8 = arith.constant 0 : i32
    %dma_start3A_9 = tpu.memref_slice %arg5[%dma_start3A, %dma_start3A_8] : memref<128x80xi32, #tpu.memory_space<vmem>> -> memref<1x80xi32, #tpu.memory_space<vmem>>
    %dma_start3A_10 = tpu.memref_squeeze %dma_start3A_9 : memref<1x80xi32, #tpu.memory_space<vmem>> -> memref<80xi32, #tpu.memory_space<vmem>>
    %dma_start3A_11 = arith.constant 0 : i32
    %dma_start3A_12 = arith.constant 0 : i32
    %dma_start3A_13 = tpu.memref_slice %arg2[%dma_start3A_11, %dma_start3A_12] : memref<16384x16xf32, #tpu.memory_space<hbm>> -> memref<16384x16xf32, #tpu.memory_space<hbm>>
    tpu.enqueue_indirect_dma source(%dma_start3A_13 : memref<16384x16xf32, #tpu.memory_space<hbm>>) target(%dma_start3A_7 : memref<80x16xf32, #tpu.memory_space<vmem>>) offsets(%dma_start3A_10 : memref<80xi32, #tpu.memory_space<vmem>>) semaphore(%arg7 : memref<!tpu.dma_semaphore, #tpu.memory_space<semaphore_mem>>)
    %scan3A = arith.constant 0 : i32
    %scan3A_14 = arith.constant 0 : i32
    %scan3A_15 = arith.constant 64 : i32
    %scan3A_16 = arith.addi %scan3A_14, %scan3A_15 : i32
    %scan3A_17 = arith.constant 1 : i32
    %scan3A_18 = scf.for %scan3A_20 = %scan3A_14 to %scan3A_16 step %scan3A_17 iter_args(%scan3A_21 = %scan3A) -> (i32)  : i32 {
      %mul3A_22 = arith.constant 2 : i32
      %mul3A_23 = arith.muli %scan3A_20, %mul3A_22 : i32
      %add3A_24 = arith.constant 0 : i32
      %add3A_25 = arith.addi %mul3A_23, %add3A_24 : i32
      %add3A_26 = arith.constant 1 : i32
      %add3A_27 = arith.addi %add3A_25, %add3A_26 : i32
      %lt3A = arith.constant 128 : i32
      %lt3A_28 = arith.cmpi slt, %add3A_27, %lt3A : i32
      %convert_element_type3A = arith.extui %lt3A_28 : i1 to i32
      %cond3A = arith.constant 0 : i32
      %cond3A_29 = arith.cmpi ne, %convert_element_type3A, %cond3A : i32
      scf.if %cond3A_29 {
        %dma_start3A_70 = arith.constant 1 : i32
        %dma_start3A_71 = arith.constant 0 : i32
        %dma_start3A_72 = arith.constant 0 : i32
        %dma_start3A_73 = tpu.memref_slice %arg6[%dma_start3A_70, %dma_start3A_71, %dma_start3A_72] : memref<2x80x16xf32, #tpu.memory_space<vmem>> -> memref<1x80x16xf32, #tpu.memory_space<vmem>>
        %dma_start3A_74 = tpu.memref_squeeze %dma_start3A_73 : memref<1x80x16xf32, #tpu.memory_space<vmem>> -> memref<80x16xf32, #tpu.memory_space<vmem>>
        %dma_start3A_75 = arith.constant 0 : i32
        %dma_start3A_76 = tpu.memref_slice %arg5[%add3A_27, %dma_start3A_75] : memref<128x80xi32, #tpu.memory_space<vmem>> -> memref<1x80xi32, #tpu.memory_space<vmem>>
        %dma_start3A_77 = tpu.memref_squeeze %dma_start3A_76 : memref<1x80xi32, #tpu.memory_space<vmem>> -> memref<80xi32, #tpu.memory_space<vmem>>
        %dma_start3A_78 = arith.constant 0 : i32
        %dma_start3A_79 = arith.constant 0 : i32
        %dma_start3A_80 = tpu.memref_slice %arg2[%dma_start3A_78, %dma_start3A_79] : memref<16384x16xf32, #tpu.memory_space<hbm>> -> memref<16384x16xf32, #tpu.memory_space<hbm>>
        tpu.enqueue_indirect_dma source(%dma_start3A_80 : memref<16384x16xf32, #tpu.memory_space<hbm>>) target(%dma_start3A_74 : memref<80x16xf32, #tpu.memory_space<vmem>>) offsets(%dma_start3A_77 : memref<80xi32, #tpu.memory_space<vmem>>) semaphore(%arg8 : memref<!tpu.dma_semaphore, #tpu.memory_space<semaphore_mem>>)
      } else {
      }
      %dma_wait3A = arith.constant 0 : i32
      %dma_wait3A_30 = arith.constant 0 : i32
      %dma_wait3A_31 = arith.constant 0 : i32
      %dma_wait3A_32 = tpu.memref_slice %arg6[%dma_wait3A, %dma_wait3A_30, %dma_wait3A_31] : memref<2x80x16xf32, #tpu.memory_space<vmem>> -> memref<1x80x16xf32, #tpu.memory_space<vmem>>
      %dma_wait3A_33 = tpu.memref_squeeze %dma_wait3A_32 : memref<1x80x16xf32, #tpu.memory_space<vmem>> -> memref<80x16xf32, #tpu.memory_space<vmem>>
      %dma_wait3A_34 = arith.constant 0 : i32
      %dma_wait3A_35 = tpu.memref_slice %arg5[%add3A_25, %dma_wait3A_34] : memref<128x80xi32, #tpu.memory_space<vmem>> -> memref<1x80xi32, #tpu.memory_space<vmem>>
      %dma_wait3A_36 = tpu.memref_squeeze %dma_wait3A_35 : memref<1x80xi32, #tpu.memory_space<vmem>> -> memref<80xi32, #tpu.memory_space<vmem>>
      %dma_wait3A_37 = arith.constant 0 : i32
      %dma_wait3A_38 = arith.constant 0 : i32
      %dma_wait3A_39 = tpu.memref_slice %arg2[%dma_wait3A_37, %dma_wait3A_38] : memref<16384x16xf32, #tpu.memory_space<hbm>> -> memref<16384x16xf32, #tpu.memory_space<hbm>>
      tpu.wait_indirect_dma semaphore(%arg7 : memref<!tpu.dma_semaphore, #tpu.memory_space<semaphore_mem>>) src(%dma_wait3A_39 : memref<16384x16xf32, #tpu.memory_space<hbm>>) dst(%dma_wait3A_33 : memref<80x16xf32, #tpu.memory_space<vmem>>)
      %mul3A_40 = arith.constant 80 : i32
      %mul3A_41 = arith.muli %add3A_25, %mul3A_40 : i32
      %add3A_42 = arith.addi %mul3A_2, %mul3A_41 : i32
      %run_scoped3A = arith.constant 0 : i32
      "tpu.region"() ({
        %run_scoped3A_70 = tpu.sem_alloc : memref<!tpu.dma_semaphore, #tpu.memory_space<semaphore_mem>>
        %dma_start3A_71 = arith.constant 0 : i32
        %dma_start3A_72 = arith.constant 0 : i32
        %dma_start3A_73 = tpu.memref_slice %arg6[%run_scoped3A, %dma_start3A_71, %dma_start3A_72] : memref<2x80x16xf32, #tpu.memory_space<vmem>> -> memref<1x80x16xf32, #tpu.memory_space<vmem>>
        %dma_start3A_74 = tpu.memref_squeeze %dma_start3A_73 : memref<1x80x16xf32, #tpu.memory_space<vmem>> -> memref<80x16xf32, #tpu.memory_space<vmem>>
        %dma_start3A_75 = arith.constant 0 : i32
        %dma_start3A_76 = tpu.memref_slice %arg4[%add3A_42, %dma_start3A_75] : memref<327680x16xf32, #tpu.memory_space<hbm>> -> memref<80x16xf32, #tpu.memory_space<hbm>>
        %dma_start3A_77 = arith.constant 0 : i32
        %dma_start3A_78 = tpu.memref_slice %arg4[%add3A_42, %dma_start3A_77] : memref<327680x16xf32, #tpu.memory_space<hbm>> -> memref<80x16xf32, #tpu.memory_space<hbm>>
        %dma_start3A_79 = arith.constant 0 : i32
        %dma_start3A_80 = arith.constant 0 : i32
        %dma_start3A_81 = tpu.memref_slice %arg6[%run_scoped3A, %dma_start3A_79, %dma_start3A_80] : memref<2x80x16xf32, #tpu.memory_space<vmem>> -> memref<1x80x16xf32, #tpu.memory_space<vmem>>
        %dma_start3A_82 = tpu.memref_squeeze %dma_start3A_81 : memref<1x80x16xf32, #tpu.memory_space<vmem>> -> memref<80x16xf32, #tpu.memory_space<vmem>>
        tpu.enqueue_dma source(%dma_start3A_82 : memref<80x16xf32, #tpu.memory_space<vmem>>) target(%dma_start3A_78 : memref<80x16xf32, #tpu.memory_space<hbm>>) target_semaphore(%run_scoped3A_70 : memref<!tpu.dma_semaphore, #tpu.memory_space<semaphore_mem>>)
        %dma_wait3A_83 = arith.constant 0 : i32
        %dma_wait3A_84 = arith.constant 0 : i32
        %dma_wait3A_85 = tpu.memref_slice %arg6[%run_scoped3A, %dma_wait3A_83, %dma_wait3A_84] : memref<2x80x16xf32, #tpu.memory_space<vmem>> -> memref<1x80x16xf32, #tpu.memory_space<vmem>>
        %dma_wait3A_86 = tpu.memref_squeeze %dma_wait3A_85 : memref<1x80x16xf32, #tpu.memory_space<vmem>> -> memref<80x16xf32, #tpu.memory_space<vmem>>
        %dma_wait3A_87 = arith.constant 0 : i32
        %dma_wait3A_88 = tpu.memref_slice %arg4[%add3A_42, %dma_wait3A_87] : memref<327680x16xf32, #tpu.memory_space<hbm>> -> memref<80x16xf32, #tpu.memory_space<hbm>>
        %dma_wait3A_89 = arith.constant 0 : i32
        %dma_wait3A_90 = tpu.memref_slice %arg4[%add3A_42, %dma_wait3A_89] : memref<327680x16xf32, #tpu.memory_space<hbm>> -> memref<80x16xf32, #tpu.memory_space<hbm>>
        %dma_wait3A_91 = arith.constant 0 : i32
        %dma_wait3A_92 = arith.constant 0 : i32
        %dma_wait3A_93 = tpu.memref_slice %arg6[%run_scoped3A, %dma_wait3A_91, %dma_wait3A_92] : memref<2x80x16xf32, #tpu.memory_space<vmem>> -> memref<1x80x16xf32, #tpu.memory_space<vmem>>
        %dma_wait3A_94 = tpu.memref_squeeze %dma_wait3A_93 : memref<1x80x16xf32, #tpu.memory_space<vmem>> -> memref<80x16xf32, #tpu.memory_space<vmem>>
        tpu.wait_dma2 semaphore(%run_scoped3A_70 : memref<!tpu.dma_semaphore, #tpu.memory_space<semaphore_mem>>) src(%dma_wait3A_94 : memref<80x16xf32, #tpu.memory_space<vmem>>) dst(%dma_wait3A_90 : memref<80x16xf32, #tpu.memory_space<hbm>>)
        tpu.yield
      }) : () -> ()
      %mul3A_43 = arith.constant 2 : i32
      %mul3A_44 = arith.muli %scan3A_20, %mul3A_43 : i32
      %add3A_45 = arith.constant 1 : i32
      %add3A_46 = arith.addi %mul3A_44, %add3A_45 : i32
      %add3A_47 = arith.constant 1 : i32
      %add3A_48 = arith.addi %add3A_46, %add3A_47 : i32
      %lt3A_49 = arith.constant 128 : i32
      %lt3A_50 = arith.cmpi slt, %add3A_48, %lt3A_49 : i32
      %convert_element_type3A_51 = arith.extui %lt3A_50 : i1 to i32
      %cond3A_52 = arith.constant 0 : i32
      %cond3A_53 = arith.cmpi ne, %convert_element_type3A_51, %cond3A_52 : i32
      scf.if %cond3A_53 {
        %dma_start3A_70 = arith.constant 0 : i32
        %dma_start3A_71 = arith.constant 0 : i32
        %dma_start3A_72 = arith.constant 0 : i32
        %dma_start3A_73 = tpu.memref_slice %arg6[%dma_start3A_70, %dma_start3A_71, %dma_start3A_72] : memref<2x80x16xf32, #tpu.memory_space<vmem>> -> memref<1x80x16xf32, #tpu.memory_space<vmem>>
        %dma_start3A_74 = tpu.memref_squeeze %dma_start3A_73 : memref<1x80x16xf32, #tpu.memory_space<vmem>> -> memref<80x16xf32, #tpu.memory_space<vmem>>
        %dma_start3A_75 = arith.constant 0 : i32
        %dma_start3A_76 = tpu.memref_slice %arg5[%add3A_48, %dma_start3A_75] : memref<128x80xi32, #tpu.memory_space<vmem>> -> memref<1x80xi32, #tpu.memory_space<vmem>>
        %dma_start3A_77 = tpu.memref_squeeze %dma_start3A_76 : memref<1x80xi32, #tpu.memory_space<vmem>> -> memref<80xi32, #tpu.memory_space<vmem>>
        %dma_start3A_78 = arith.constant 0 : i32
        %dma_start3A_79 = arith.constant 0 : i32
        %dma_start3A_80 = tpu.memref_slice %arg2[%dma_start3A_78, %dma_start3A_79] : memref<16384x16xf32, #tpu.memory_space<hbm>> -> memref<16384x16xf32, #tpu.memory_space<hbm>>
        tpu.enqueue_indirect_dma source(%dma_start3A_80 : memref<16384x16xf32, #tpu.memory_space<hbm>>) target(%dma_start3A_74 : memref<80x16xf32, #tpu.memory_space<vmem>>) offsets(%dma_start3A_77 : memref<80xi32, #tpu.memory_space<vmem>>) semaphore(%arg7 : memref<!tpu.dma_semaphore, #tpu.memory_space<semaphore_mem>>)
      } else {
      }
      %dma_wait3A_54 = arith.constant 1 : i32
      %dma_wait3A_55 = arith.constant 0 : i32
      %dma_wait3A_56 = arith.constant 0 : i32
      %dma_wait3A_57 = tpu.memref_slice %arg6[%dma_wait3A_54, %dma_wait3A_55, %dma_wait3A_56] : memref<2x80x16xf32, #tpu.memory_space<vmem>> -> memref<1x80x16xf32, #tpu.memory_space<vmem>>
      %dma_wait3A_58 = tpu.memref_squeeze %dma_wait3A_57 : memref<1x80x16xf32, #tpu.memory_space<vmem>> -> memref<80x16xf32, #tpu.memory_space<vmem>>
      %dma_wait3A_59 = arith.constant 0 : i32
      %dma_wait3A_60 = tpu.memref_slice %arg5[%add3A_46, %dma_wait3A_59] : memref<128x80xi32, #tpu.memory_space<vmem>> -> memref<1x80xi32, #tpu.memory_space<vmem>>
      %dma_wait3A_61 = tpu.memref_squeeze %dma_wait3A_60 : memref<1x80xi32, #tpu.memory_space<vmem>> -> memref<80xi32, #tpu.memory_space<vmem>>
      %dma_wait3A_62 = arith.constant 0 : i32
      %dma_wait3A_63 = arith.constant 0 : i32
      %dma_wait3A_64 = tpu.memref_slice %arg2[%dma_wait3A_62, %dma_wait3A_63] : memref<16384x16xf32, #tpu.memory_space<hbm>> -> memref<16384x16xf32, #tpu.memory_space<hbm>>
      tpu.wait_indirect_dma semaphore(%arg8 : memref<!tpu.dma_semaphore, #tpu.memory_space<semaphore_mem>>) src(%dma_wait3A_64 : memref<16384x16xf32, #tpu.memory_space<hbm>>) dst(%dma_wait3A_58 : memref<80x16xf32, #tpu.memory_space<vmem>>)
      %mul3A_65 = arith.constant 80 : i32
      %mul3A_66 = arith.muli %add3A_46, %mul3A_65 : i32
      %add3A_67 = arith.addi %mul3A_2, %mul3A_66 : i32
      %run_scoped3A_68 = arith.constant 1 : i32
      "tpu.region"() ({
        %run_scoped3A_70 = tpu.sem_alloc : memref<!tpu.dma_semaphore, #tpu.memory_space<semaphore_mem>>
        %dma_start3A_71 = arith.constant 0 : i32
        %dma_start3A_72 = arith.constant 0 : i32
        %dma_start3A_73 = tpu.memref_slice %arg6[%run_scoped3A_68, %dma_start3A_71, %dma_start3A_72] : memref<2x80x16xf32, #tpu.memory_space<vmem>> -> memref<1x80x16xf32, #tpu.memory_space<vmem>>
        %dma_start3A_74 = tpu.memref_squeeze %dma_start3A_73 : memref<1x80x16xf32, #tpu.memory_space<vmem>> -> memref<80x16xf32, #tpu.memory_space<vmem>>
        %dma_start3A_75 = arith.constant 0 : i32
        %dma_start3A_76 = tpu.memref_slice %arg4[%add3A_67, %dma_start3A_75] : memref<327680x16xf32, #tpu.memory_space<hbm>> -> memref<80x16xf32, #tpu.memory_space<hbm>>
        %dma_start3A_77 = arith.constant 0 : i32
        %dma_start3A_78 = tpu.memref_slice %arg4[%add3A_67, %dma_start3A_77] : memref<327680x16xf32, #tpu.memory_space<hbm>> -> memref<80x16xf32, #tpu.memory_space<hbm>>
        %dma_start3A_79 = arith.constant 0 : i32
        %dma_start3A_80 = arith.constant 0 : i32
        %dma_start3A_81 = tpu.memref_slice %arg6[%run_scoped3A_68, %dma_start3A_79, %dma_start3A_80] : memref<2x80x16xf32, #tpu.memory_space<vmem>> -> memref<1x80x16xf32, #tpu.memory_space<vmem>>
        %dma_start3A_82 = tpu.memref_squeeze %dma_start3A_81 : memref<1x80x16xf32, #tpu.memory_space<vmem>> -> memref<80x16xf32, #tpu.memory_space<vmem>>
        tpu.enqueue_dma source(%dma_start3A_82 : memref<80x16xf32, #tpu.memory_space<vmem>>) target(%dma_start3A_78 : memref<80x16xf32, #tpu.memory_space<hbm>>) target_semaphore(%run_scoped3A_70 : memref<!tpu.dma_semaphore, #tpu.memory_space<semaphore_mem>>)
        %dma_wait3A_83 = arith.constant 0 : i32
        %dma_wait3A_84 = arith.constant 0 : i32
        %dma_wait3A_85 = tpu.memref_slice %arg6[%run_scoped3A_68, %dma_wait3A_83, %dma_wait3A_84] : memref<2x80x16xf32, #tpu.memory_space<vmem>> -> memref<1x80x16xf32, #tpu.memory_space<vmem>>
        %dma_wait3A_86 = tpu.memref_squeeze %dma_wait3A_85 : memref<1x80x16xf32, #tpu.memory_space<vmem>> -> memref<80x16xf32, #tpu.memory_space<vmem>>
        %dma_wait3A_87 = arith.constant 0 : i32
        %dma_wait3A_88 = tpu.memref_slice %arg4[%add3A_67, %dma_wait3A_87] : memref<327680x16xf32, #tpu.memory_space<hbm>> -> memref<80x16xf32, #tpu.memory_space<hbm>>
        %dma_wait3A_89 = arith.constant 0 : i32
        %dma_wait3A_90 = tpu.memref_slice %arg4[%add3A_67, %dma_wait3A_89] : memref<327680x16xf32, #tpu.memory_space<hbm>> -> memref<80x16xf32, #tpu.memory_space<hbm>>
        %dma_wait3A_91 = arith.constant 0 : i32
        %dma_wait3A_92 = arith.constant 0 : i32
        %dma_wait3A_93 = tpu.memref_slice %arg6[%run_scoped3A_68, %dma_wait3A_91, %dma_wait3A_92] : memref<2x80x16xf32, #tpu.memory_space<vmem>> -> memref<1x80x16xf32, #tpu.memory_space<vmem>>
        %dma_wait3A_94 = tpu.memref_squeeze %dma_wait3A_93 : memref<1x80x16xf32, #tpu.memory_space<vmem>> -> memref<80x16xf32, #tpu.memory_space<vmem>>
        tpu.wait_dma2 semaphore(%run_scoped3A_70 : memref<!tpu.dma_semaphore, #tpu.memory_space<semaphore_mem>>) src(%dma_wait3A_94 : memref<80x16xf32, #tpu.memory_space<vmem>>) dst(%dma_wait3A_90 : memref<80x16xf32, #tpu.memory_space<hbm>>)
        tpu.yield
      }) : () -> ()
      %scan3A_69 = arith.constant 0 : i32
      scf.yield %scan3A_69 : i32
    }
    %scan3A_19 = arith.constant 64 : i32
    return
  }
}

#map = affine_map<(d0, d1) -> (0, 0)>
#map1 = affine_map<(d0, d1) -> (0, 0, 0)>
module attributes {stable_mosaic.version = 14 : i64} {
  func.func @k(%arg0: i32, %arg1: i32, %arg2: memref<16384x32xf32, #tpu.memory_space<hbm>>, %arg3: memref<32x128x80xi32, #tpu.memory_space<hbm>>, %arg4: memref<327680x32xf32, #tpu.memory_space<hbm>>, %arg5: memref<128x80xi32, #tpu.memory_space<vmem>>, %arg6: memref<2x80x32xf32, #tpu.memory_space<vmem>>, %arg7: memref<!tpu.dma_semaphore, #tpu.memory_space<semaphore_mem>>, %arg8: memref<!tpu.dma_semaphore, #tpu.memory_space<semaphore_mem>>) attributes {dimension_semantics = [#tpu.dimension_semantics<core_parallel>, #tpu.dimension_semantics<subcore_parallel>], iteration_bounds = array<i64: 2, 16>, scalar_prefetch = 0 : i64, scratch_operands = 4 : i64, tpu.core_type = #tpu.core_type<sc_vector_subcore>, window_params = [{transform_indices = #map}, {transform_indices = #map1}, {transform_indices = #map}]} {
    %mul3A = arith.constant 2 : i32
    %mul3A_0 = arith.muli %arg1, %mul3A : i32
    %add3A = arith.addi %mul3A_0, %arg0 : i32
    %mul3A_1 = arith.constant 10240 : i32
    %mul3A_2 = arith.muli %add3A, %mul3A_1 : i32
    "tpu.region"() ({
      %run_scoped3A = tpu.sem_alloc : memref<!tpu.dma_semaphore, #tpu.memory_space<semaphore_mem>>
      %dma_start3A_20 = arith.constant 0 : i32
      %dma_start3A_21 = arith.constant 0 : i32
      %dma_start3A_22 = tpu.memref_slice %arg3[%add3A, %dma_start3A_20, %dma_start3A_21] : memref<32x128x80xi32, #tpu.memory_space<hbm>> -> memref<1x128x80xi32, #tpu.memory_space<hbm>>
      %dma_start3A_23 = tpu.memref_squeeze %dma_start3A_22 : memref<1x128x80xi32, #tpu.memory_space<hbm>> -> memref<128x80xi32, #tpu.memory_space<hbm>>
      %dma_start3A_24 = arith.constant 0 : i32
      %dma_start3A_25 = arith.constant 0 : i32
      %dma_start3A_26 = tpu.memref_slice %arg3[%add3A, %dma_start3A_24, %dma_start3A_25] : memref<32x128x80xi32, #tpu.memory_space<hbm>> -> memref<1x128x80xi32, #tpu.memory_space<hbm>>
      %dma_start3A_27 = tpu.memref_squeeze %dma_start3A_26 : memref<1x128x80xi32, #tpu.memory_space<hbm>> -> memref<128x80xi32, #tpu.memory_space<hbm>>
      tpu.enqueue_dma source(%dma_start3A_27 : memref<128x80xi32, #tpu.memory_space<hbm>>) target(%arg5 : memref<128x80xi32, #tpu.memory_space<vmem>>) target_semaphore(%run_scoped3A : memref<!tpu.dma_semaphore, #tpu.memory_space<semaphore_mem>>)
      %dma_wait3A = arith.constant 0 : i32
      %dma_wait3A_28 = arith.constant 0 : i32
      %dma_wait3A_29 = tpu.memref_slice %arg3[%add3A, %dma_wait3A, %dma_wait3A_28] : memref<32x128x80xi32, #tpu.memory_space<hbm>> -> memref<1x128x80xi32, #tpu.memory_space<hbm>>
      %dma_wait3A_30 = tpu.memref_squeeze %dma_wait3A_29 : memref<1x128x80xi32, #tpu.memory_space<hbm>> -> memref<128x80xi32, #tpu.memory_space<hbm>>
      %dma_wait3A_31 = arith.constant 0 : i32
      %dma_wait3A_32 = arith.constant 0 : i32
      %dma_wait3A_33 = tpu.memref_slice %arg3[%add3A, %dma_wait3A_31, %dma_wait3A_32] : memref<32x128x80xi32, #tpu.memory_space<hbm>> -> memref<1x128x80xi32, #tpu.memory_space<hbm>>
      %dma_wait3A_34 = tpu.memref_squeeze %dma_wait3A_33 : memref<1x128x80xi32, #tpu.memory_space<hbm>> -> memref<128x80xi32, #tpu.memory_space<hbm>>
      tpu.wait_dma2 semaphore(%run_scoped3A : memref<!tpu.dma_semaphore, #tpu.memory_space<semaphore_mem>>) src(%dma_wait3A_34 : memref<128x80xi32, #tpu.memory_space<hbm>>) dst(%arg5 : memref<128x80xi32, #tpu.memory_space<vmem>>)
      tpu.yield
    }) : () -> ()
    %dma_start3A = arith.constant 0 : i32
    %dma_start3A_3 = arith.constant 0 : i32
    %dma_start3A_4 = arith.constant 0 : i32
    %dma_start3A_5 = arith.constant 0 : i32
    %dma_start3A_6 = tpu.memref_slice %arg6[%dma_start3A_3, %dma_start3A_4, %dma_start3A_5] : memref<2x80x32xf32, #tpu.memory_space<vmem>> -> memref<1x80x32xf32, #tpu.memory_space<vmem>>
    %dma_start3A_7 = tpu.memref_squeeze %dma_start3A_6 : memref<1x80x32xf32, #tpu.memory_space<vmem>> -> memref<80x32xf32, #tpu.memory_space<vmem>>
    %dma_start3A_8 = arith.constant 0 : i32
    %dma_start3A_9 = tpu.memref_slice %arg5[%dma_start3A, %dma_start3A_8] : memref<128x80xi32, #tpu.memory_space<vmem>> -> memref<1x80xi32, #tpu.memory_space<vmem>>
    %dma_start3A_10 = tpu.memref_squeeze %dma_start3A_9 : memref<1x80xi32, #tpu.memory_space<vmem>> -> memref<80xi32, #tpu.memory_space<vmem>>
    %dma_start3A_11 = arith.constant 0 : i32
    %dma_start3A_12 = arith.constant 0 : i32
    %dma_start3A_13 = tpu.memref_slice %arg2[%dma_start3A_11, %dma_start3A_12] : memref<16384x32xf32, #tpu.memory_space<hbm>> -> memref<16384x32xf32, #tpu.memory_space<hbm>>
    tpu.enqueue_indirect_dma source(%dma_start3A_13 : memref<16384x32xf32, #tpu.memory_space<hbm>>) target(%dma_start3A_7 : memref<80x32xf32, #tpu.memory_space<vmem>>) offsets(%dma_start3A_10 : memref<80xi32, #tpu.memory_space<vmem>>) semaphore(%arg7 : memref<!tpu.dma_semaphore, #tpu.memory_space<semaphore_mem>>)
    %scan3A = arith.constant 0 : i32
    %scan3A_14 = arith.constant 0 : i32
    %scan3A_15 = arith.constant 64 : i32
    %scan3A_16 = arith.addi %scan3A_14, %scan3A_15 : i32
    %scan3A_17 = arith.constant 1 : i32
    %scan3A_18 = scf.for %scan3A_20 = %scan3A_14 to %scan3A_16 step %scan3A_17 iter_args(%scan3A_21 = %scan3A) -> (i32)  : i32 {
      %mul3A_22 = arith.constant 2 : i32
      %mul3A_23 = arith.muli %scan3A_20, %mul3A_22 : i32
      %add3A_24 = arith.constant 0 : i32
      %add3A_25 = arith.addi %mul3A_23, %add3A_24 : i32
      %add3A_26 = arith.constant 1 : i32
      %add3A_27 = arith.addi %add3A_25, %add3A_26 : i32
      %lt3A = arith.constant 128 : i32
      %lt3A_28 = arith.cmpi slt, %add3A_27, %lt3A : i32
      %convert_element_type3A = arith.extui %lt3A_28 : i1 to i32
      %cond3A = arith.constant 0 : i32
      %cond3A_29 = arith.cmpi ne, %convert_element_type3A, %cond3A : i32
      scf.if %cond3A_29 {
        %dma_start3A_70 = arith.constant 1 : i32
        %dma_start3A_71 = arith.constant 0 : i32
        %dma_start3A_72 = arith.constant 0 : i32
        %dma_start3A_73 = tpu.memref_slice %arg6[%dma_start3A_70, %dma_start3A_71, %dma_start3A_72] : memref<2x80x32xf32, #tpu.memory_space<vmem>> -> memref<1x80x32xf32, #tpu.memory_space<vmem>>
        %dma_start3A_74 = tpu.memref_squeeze %dma_start3A_73 : memref<1x80x32xf32, #tpu.memory_space<vmem>> -> memref<80x32xf32, #tpu.memory_space<vmem>>
        %dma_start3A_75 = arith.constant 0 : i32
        %dma_start3A_76 = tpu.memref_slice %arg5[%add3A_27, %dma_start3A_75] : memref<128x80xi32, #tpu.memory_space<vmem>> -> memref<1x80xi32, #tpu.memory_space<vmem>>
        %dma_start3A_77 = tpu.memref_squeeze %dma_start3A_76 : memref<1x80xi32, #tpu.memory_space<vmem>> -> memref<80xi32, #tpu.memory_space<vmem>>
        %dma_start3A_78 = arith.constant 0 : i32
        %dma_start3A_79 = arith.constant 0 : i32
        %dma_start3A_80 = tpu.memref_slice %arg2[%dma_start3A_78, %dma_start3A_79] : memref<16384x32xf32, #tpu.memory_space<hbm>> -> memref<16384x32xf32, #tpu.memory_space<hbm>>
        tpu.enqueue_indirect_dma source(%dma_start3A_80 : memref<16384x32xf32, #tpu.memory_space<hbm>>) target(%dma_start3A_74 : memref<80x32xf32, #tpu.memory_space<vmem>>) offsets(%dma_start3A_77 : memref<80xi32, #tpu.memory_space<vmem>>) semaphore(%arg8 : memref<!tpu.dma_semaphore, #tpu.memory_space<semaphore_mem>>)
      } else {
      }
      %dma_wait3A = arith.constant 0 : i32
      %dma_wait3A_30 = arith.constant 0 : i32
      %dma_wait3A_31 = arith.constant 0 : i32
      %dma_wait3A_32 = tpu.memref_slice %arg6[%dma_wait3A, %dma_wait3A_30, %dma_wait3A_31] : memref<2x80x32xf32, #tpu.memory_space<vmem>> -> memref<1x80x32xf32, #tpu.memory_space<vmem>>
      %dma_wait3A_33 = tpu.memref_squeeze %dma_wait3A_32 : memref<1x80x32xf32, #tpu.memory_space<vmem>> -> memref<80x32xf32, #tpu.memory_space<vmem>>
      %dma_wait3A_34 = arith.constant 0 : i32
      %dma_wait3A_35 = tpu.memref_slice %arg5[%add3A_25, %dma_wait3A_34] : memref<128x80xi32, #tpu.memory_space<vmem>> -> memref<1x80xi32, #tpu.memory_space<vmem>>
      %dma_wait3A_36 = tpu.memref_squeeze %dma_wait3A_35 : memref<1x80xi32, #tpu.memory_space<vmem>> -> memref<80xi32, #tpu.memory_space<vmem>>
      %dma_wait3A_37 = arith.constant 0 : i32
      %dma_wait3A_38 = arith.constant 0 : i32
      %dma_wait3A_39 = tpu.memref_slice %arg2[%dma_wait3A_37, %dma_wait3A_38] : memref<16384x32xf32, #tpu.memory_space<hbm>> -> memref<16384x32xf32, #tpu.memory_space<hbm>>
      tpu.wait_indirect_dma semaphore(%arg7 : memref<!tpu.dma_semaphore, #tpu.memory_space<semaphore_mem>>) src(%dma_wait3A_39 : memref<16384x32xf32, #tpu.memory_space<hbm>>) dst(%dma_wait3A_33 : memref<80x32xf32, #tpu.memory_space<vmem>>)
      %mul3A_40 = arith.constant 80 : i32
      %mul3A_41 = arith.muli %add3A_25, %mul3A_40 : i32
      %add3A_42 = arith.addi %mul3A_2, %mul3A_41 : i32
      %run_scoped3A = arith.constant 0 : i32
      "tpu.region"() ({
        %run_scoped3A_70 = tpu.sem_alloc : memref<!tpu.dma_semaphore, #tpu.memory_space<semaphore_mem>>
        %dma_start3A_71 = arith.constant 0 : i32
        %dma_start3A_72 = arith.constant 0 : i32
        %dma_start3A_73 = tpu.memref_slice %arg6[%run_scoped3A, %dma_start3A_71, %dma_start3A_72] : memref<2x80x32xf32, #tpu.memory_space<vmem>> -> memref<1x80x32xf32, #tpu.memory_space<vmem>>
        %dma_start3A_74 = tpu.memref_squeeze %dma_start3A_73 : memref<1x80x32xf32, #tpu.memory_space<vmem>> -> memref<80x32xf32, #tpu.memory_space<vmem>>
        %dma_start3A_75 = arith.constant 0 : i32
        %dma_start3A_76 = tpu.memref_slice %arg4[%add3A_42, %dma_start3A_75] : memref<327680x32xf32, #tpu.memory_space<hbm>> -> memref<80x32xf32, #tpu.memory_space<hbm>>
        %dma_start3A_77 = arith.constant 0 : i32
        %dma_start3A_78 = tpu.memref_slice %arg4[%add3A_42, %dma_start3A_77] : memref<327680x32xf32, #tpu.memory_space<hbm>> -> memref<80x32xf32, #tpu.memory_space<hbm>>
        %dma_start3A_79 = arith.constant 0 : i32
        %dma_start3A_80 = arith.constant 0 : i32
        %dma_start3A_81 = tpu.memref_slice %arg6[%run_scoped3A, %dma_start3A_79, %dma_start3A_80] : memref<2x80x32xf32, #tpu.memory_space<vmem>> -> memref<1x80x32xf32, #tpu.memory_space<vmem>>
        %dma_start3A_82 = tpu.memref_squeeze %dma_start3A_81 : memref<1x80x32xf32, #tpu.memory_space<vmem>> -> memref<80x32xf32, #tpu.memory_space<vmem>>
        tpu.enqueue_dma source(%dma_start3A_82 : memref<80x32xf32, #tpu.memory_space<vmem>>) target(%dma_start3A_78 : memref<80x32xf32, #tpu.memory_space<hbm>>) target_semaphore(%run_scoped3A_70 : memref<!tpu.dma_semaphore, #tpu.memory_space<semaphore_mem>>)
        %dma_wait3A_83 = arith.constant 0 : i32
        %dma_wait3A_84 = arith.constant 0 : i32
        %dma_wait3A_85 = tpu.memref_slice %arg6[%run_scoped3A, %dma_wait3A_83, %dma_wait3A_84] : memref<2x80x32xf32, #tpu.memory_space<vmem>> -> memref<1x80x32xf32, #tpu.memory_space<vmem>>
        %dma_wait3A_86 = tpu.memref_squeeze %dma_wait3A_85 : memref<1x80x32xf32, #tpu.memory_space<vmem>> -> memref<80x32xf32, #tpu.memory_space<vmem>>
        %dma_wait3A_87 = arith.constant 0 : i32
        %dma_wait3A_88 = tpu.memref_slice %arg4[%add3A_42, %dma_wait3A_87] : memref<327680x32xf32, #tpu.memory_space<hbm>> -> memref<80x32xf32, #tpu.memory_space<hbm>>
        %dma_wait3A_89 = arith.constant 0 : i32
        %dma_wait3A_90 = tpu.memref_slice %arg4[%add3A_42, %dma_wait3A_89] : memref<327680x32xf32, #tpu.memory_space<hbm>> -> memref<80x32xf32, #tpu.memory_space<hbm>>
        %dma_wait3A_91 = arith.constant 0 : i32
        %dma_wait3A_92 = arith.constant 0 : i32
        %dma_wait3A_93 = tpu.memref_slice %arg6[%run_scoped3A, %dma_wait3A_91, %dma_wait3A_92] : memref<2x80x32xf32, #tpu.memory_space<vmem>> -> memref<1x80x32xf32, #tpu.memory_space<vmem>>
        %dma_wait3A_94 = tpu.memref_squeeze %dma_wait3A_93 : memref<1x80x32xf32, #tpu.memory_space<vmem>> -> memref<80x32xf32, #tpu.memory_space<vmem>>
        tpu.wait_dma2 semaphore(%run_scoped3A_70 : memref<!tpu.dma_semaphore, #tpu.memory_space<semaphore_mem>>) src(%dma_wait3A_94 : memref<80x32xf32, #tpu.memory_space<vmem>>) dst(%dma_wait3A_90 : memref<80x32xf32, #tpu.memory_space<hbm>>)
        tpu.yield
      }) : () -> ()
      %mul3A_43 = arith.constant 2 : i32
      %mul3A_44 = arith.muli %scan3A_20, %mul3A_43 : i32
      %add3A_45 = arith.constant 1 : i32
      %add3A_46 = arith.addi %mul3A_44, %add3A_45 : i32
      %add3A_47 = arith.constant 1 : i32
      %add3A_48 = arith.addi %add3A_46, %add3A_47 : i32
      %lt3A_49 = arith.constant 128 : i32
      %lt3A_50 = arith.cmpi slt, %add3A_48, %lt3A_49 : i32
      %convert_element_type3A_51 = arith.extui %lt3A_50 : i1 to i32
      %cond3A_52 = arith.constant 0 : i32
      %cond3A_53 = arith.cmpi ne, %convert_element_type3A_51, %cond3A_52 : i32
      scf.if %cond3A_53 {
        %dma_start3A_70 = arith.constant 0 : i32
        %dma_start3A_71 = arith.constant 0 : i32
        %dma_start3A_72 = arith.constant 0 : i32
        %dma_start3A_73 = tpu.memref_slice %arg6[%dma_start3A_70, %dma_start3A_71, %dma_start3A_72] : memref<2x80x32xf32, #tpu.memory_space<vmem>> -> memref<1x80x32xf32, #tpu.memory_space<vmem>>
        %dma_start3A_74 = tpu.memref_squeeze %dma_start3A_73 : memref<1x80x32xf32, #tpu.memory_space<vmem>> -> memref<80x32xf32, #tpu.memory_space<vmem>>
        %dma_start3A_75 = arith.constant 0 : i32
        %dma_start3A_76 = tpu.memref_slice %arg5[%add3A_48, %dma_start3A_75] : memref<128x80xi32, #tpu.memory_space<vmem>> -> memref<1x80xi32, #tpu.memory_space<vmem>>
        %dma_start3A_77 = tpu.memref_squeeze %dma_start3A_76 : memref<1x80xi32, #tpu.memory_space<vmem>> -> memref<80xi32, #tpu.memory_space<vmem>>
        %dma_start3A_78 = arith.constant 0 : i32
        %dma_start3A_79 = arith.constant 0 : i32
        %dma_start3A_80 = tpu.memref_slice %arg2[%dma_start3A_78, %dma_start3A_79] : memref<16384x32xf32, #tpu.memory_space<hbm>> -> memref<16384x32xf32, #tpu.memory_space<hbm>>
        tpu.enqueue_indirect_dma source(%dma_start3A_80 : memref<16384x32xf32, #tpu.memory_space<hbm>>) target(%dma_start3A_74 : memref<80x32xf32, #tpu.memory_space<vmem>>) offsets(%dma_start3A_77 : memref<80xi32, #tpu.memory_space<vmem>>) semaphore(%arg7 : memref<!tpu.dma_semaphore, #tpu.memory_space<semaphore_mem>>)
      } else {
      }
      %dma_wait3A_54 = arith.constant 1 : i32
      %dma_wait3A_55 = arith.constant 0 : i32
      %dma_wait3A_56 = arith.constant 0 : i32
      %dma_wait3A_57 = tpu.memref_slice %arg6[%dma_wait3A_54, %dma_wait3A_55, %dma_wait3A_56] : memref<2x80x32xf32, #tpu.memory_space<vmem>> -> memref<1x80x32xf32, #tpu.memory_space<vmem>>
      %dma_wait3A_58 = tpu.memref_squeeze %dma_wait3A_57 : memref<1x80x32xf32, #tpu.memory_space<vmem>> -> memref<80x32xf32, #tpu.memory_space<vmem>>
      %dma_wait3A_59 = arith.constant 0 : i32
      %dma_wait3A_60 = tpu.memref_slice %arg5[%add3A_46, %dma_wait3A_59] : memref<128x80xi32, #tpu.memory_space<vmem>> -> memref<1x80xi32, #tpu.memory_space<vmem>>
      %dma_wait3A_61 = tpu.memref_squeeze %dma_wait3A_60 : memref<1x80xi32, #tpu.memory_space<vmem>> -> memref<80xi32, #tpu.memory_space<vmem>>
      %dma_wait3A_62 = arith.constant 0 : i32
      %dma_wait3A_63 = arith.constant 0 : i32
      %dma_wait3A_64 = tpu.memref_slice %arg2[%dma_wait3A_62, %dma_wait3A_63] : memref<16384x32xf32, #tpu.memory_space<hbm>> -> memref<16384x32xf32, #tpu.memory_space<hbm>>
      tpu.wait_indirect_dma semaphore(%arg8 : memref<!tpu.dma_semaphore, #tpu.memory_space<semaphore_mem>>) src(%dma_wait3A_64 : memref<16384x32xf32, #tpu.memory_space<hbm>>) dst(%dma_wait3A_58 : memref<80x32xf32, #tpu.memory_space<vmem>>)
      %mul3A_65 = arith.constant 80 : i32
      %mul3A_66 = arith.muli %add3A_46, %mul3A_65 : i32
      %add3A_67 = arith.addi %mul3A_2, %mul3A_66 : i32
      %run_scoped3A_68 = arith.constant 1 : i32
      "tpu.region"() ({
        %run_scoped3A_70 = tpu.sem_alloc : memref<!tpu.dma_semaphore, #tpu.memory_space<semaphore_mem>>
        %dma_start3A_71 = arith.constant 0 : i32
        %dma_start3A_72 = arith.constant 0 : i32
        %dma_start3A_73 = tpu.memref_slice %arg6[%run_scoped3A_68, %dma_start3A_71, %dma_start3A_72] : memref<2x80x32xf32, #tpu.memory_space<vmem>> -> memref<1x80x32xf32, #tpu.memory_space<vmem>>
        %dma_start3A_74 = tpu.memref_squeeze %dma_start3A_73 : memref<1x80x32xf32, #tpu.memory_space<vmem>> -> memref<80x32xf32, #tpu.memory_space<vmem>>
        %dma_start3A_75 = arith.constant 0 : i32
        %dma_start3A_76 = tpu.memref_slice %arg4[%add3A_67, %dma_start3A_75] : memref<327680x32xf32, #tpu.memory_space<hbm>> -> memref<80x32xf32, #tpu.memory_space<hbm>>
        %dma_start3A_77 = arith.constant 0 : i32
        %dma_start3A_78 = tpu.memref_slice %arg4[%add3A_67, %dma_start3A_77] : memref<327680x32xf32, #tpu.memory_space<hbm>> -> memref<80x32xf32, #tpu.memory_space<hbm>>
        %dma_start3A_79 = arith.constant 0 : i32
        %dma_start3A_80 = arith.constant 0 : i32
        %dma_start3A_81 = tpu.memref_slice %arg6[%run_scoped3A_68, %dma_start3A_79, %dma_start3A_80] : memref<2x80x32xf32, #tpu.memory_space<vmem>> -> memref<1x80x32xf32, #tpu.memory_space<vmem>>
        %dma_start3A_82 = tpu.memref_squeeze %dma_start3A_81 : memref<1x80x32xf32, #tpu.memory_space<vmem>> -> memref<80x32xf32, #tpu.memory_space<vmem>>
        tpu.enqueue_dma source(%dma_start3A_82 : memref<80x32xf32, #tpu.memory_space<vmem>>) target(%dma_start3A_78 : memref<80x32xf32, #tpu.memory_space<hbm>>) target_semaphore(%run_scoped3A_70 : memref<!tpu.dma_semaphore, #tpu.memory_space<semaphore_mem>>)
        %dma_wait3A_83 = arith.constant 0 : i32
        %dma_wait3A_84 = arith.constant 0 : i32
        %dma_wait3A_85 = tpu.memref_slice %arg6[%run_scoped3A_68, %dma_wait3A_83, %dma_wait3A_84] : memref<2x80x32xf32, #tpu.memory_space<vmem>> -> memref<1x80x32xf32, #tpu.memory_space<vmem>>
        %dma_wait3A_86 = tpu.memref_squeeze %dma_wait3A_85 : memref<1x80x32xf32, #tpu.memory_space<vmem>> -> memref<80x32xf32, #tpu.memory_space<vmem>>
        %dma_wait3A_87 = arith.constant 0 : i32
        %dma_wait3A_88 = tpu.memref_slice %arg4[%add3A_67, %dma_wait3A_87] : memref<327680x32xf32, #tpu.memory_space<hbm>> -> memref<80x32xf32, #tpu.memory_space<hbm>>
        %dma_wait3A_89 = arith.constant 0 : i32
        %dma_wait3A_90 = tpu.memref_slice %arg4[%add3A_67, %dma_wait3A_89] : memref<327680x32xf32, #tpu.memory_space<hbm>> -> memref<80x32xf32, #tpu.memory_space<hbm>>
        %dma_wait3A_91 = arith.constant 0 : i32
        %dma_wait3A_92 = arith.constant 0 : i32
        %dma_wait3A_93 = tpu.memref_slice %arg6[%run_scoped3A_68, %dma_wait3A_91, %dma_wait3A_92] : memref<2x80x32xf32, #tpu.memory_space<vmem>> -> memref<1x80x32xf32, #tpu.memory_space<vmem>>
        %dma_wait3A_94 = tpu.memref_squeeze %dma_wait3A_93 : memref<1x80x32xf32, #tpu.memory_space<vmem>> -> memref<80x32xf32, #tpu.memory_space<vmem>>
        tpu.wait_dma2 semaphore(%run_scoped3A_70 : memref<!tpu.dma_semaphore, #tpu.memory_space<semaphore_mem>>) src(%dma_wait3A_94 : memref<80x32xf32, #tpu.memory_space<vmem>>) dst(%dma_wait3A_90 : memref<80x32xf32, #tpu.memory_space<hbm>>)
        tpu.yield
      }) : () -> ()
      %scan3A_69 = arith.constant 0 : i32
      scf.yield %scan3A_69 : i32
    }
    %scan3A_19 = arith.constant 64 : i32
    return
  }
}

module attributes {stable_mosaic.version = 14 : i64} {
  func.func @_align_kernel(%arg0: memref<8x3x2048xf32, #tpu.memory_space<vmem>>, %arg1: memref<8x3xi32, #tpu.memory_space<vmem>>, %arg2: memref<8x3xi32, #tpu.memory_space<vmem>>, %arg3: memref<8x3xf32, #tpu.memory_space<vmem>>) attributes {dimension_semantics = [], scalar_prefetch = 0 : i64, scratch_operands = 0 : i64, tpu.core_type = #tpu.core_type<tc>} {
    %get3A = arith.constant 0 : index
    %get3A_0 = arith.constant 0 : index
    %get3A_1 = arith.constant 0 : index
    %get3A_2 = vector.load %arg0[%get3A, %get3A_0, %get3A_1] : memref<8x3x2048xf32, #tpu.memory_space<vmem>>, vector<8x3x2048xf32>
    %gt3A = arith.constant 0.000000e+00 : f32
    %gt3A_3 = vector.broadcast %gt3A : f32 to vector<8x3x2048xf32>
    %gt3A_4 = arith.cmpf ogt, %get3A_2, %gt3A_3 : vector<8x3x2048xf32>
    %convert_element_type3A = arith.extui %gt3A_4 : vector<8x3x2048xi1> to vector<8x3x2048xi32>
    %reduce_sum3A = arith.constant dense<0> : vector<8x3xi32>
    %reduce_sum3A_5 = vector.multi_reduction <add>, %convert_element_type3A, %reduce_sum3A [2] : vector<8x3x2048xi32> to vector<8x3xi32>
    %swap3A = arith.constant 0 : index
    %swap3A_6 = arith.constant 0 : index
    %swap3A_7 = vector.load %arg1[%swap3A, %swap3A_6] : memref<8x3xi32, #tpu.memory_space<vmem>>, vector<8x3xi32>
    tpu.vector_store %arg1[%swap3A, %swap3A_6], %reduce_sum3A_5 {strides = array<i32>} : memref<8x3xi32, #tpu.memory_space<vmem>>, vector<8x3xi32>,
    %lt3A = arith.constant 0.000000e+00 : f32
    %lt3A_8 = vector.broadcast %lt3A : f32 to vector<8x3x2048xf32>
    %lt3A_9 = arith.cmpf olt, %get3A_2, %lt3A_8 : vector<8x3x2048xf32>
    %convert_element_type3A_10 = arith.extui %lt3A_9 : vector<8x3x2048xi1> to vector<8x3x2048xi32>
    %reduce_sum3A_11 = arith.constant dense<0> : vector<8x3xi32>
    %reduce_sum3A_12 = vector.multi_reduction <add>, %convert_element_type3A_10, %reduce_sum3A_11 [2] : vector<8x3x2048xi32> to vector<8x3xi32>
    %swap3A_13 = arith.constant 0 : index
    %swap3A_14 = arith.constant 0 : index
    %swap3A_15 = vector.load %arg2[%swap3A_13, %swap3A_14] : memref<8x3xi32, #tpu.memory_space<vmem>>, vector<8x3xi32>
    tpu.vector_store %arg2[%swap3A_13, %swap3A_14], %reduce_sum3A_12 {strides = array<i32>} : memref<8x3xi32, #tpu.memory_space<vmem>>, vector<8x3xi32>,
    %reduce_max3A = arith.constant dense<0xFF800000> : vector<8x3xf32>
    %reduce_max3A_16 = vector.multi_reduction <maximumf>, %get3A_2, %reduce_max3A [2] : vector<8x3x2048xf32> to vector<8x3xf32>
    %reduce_min3A = arith.constant dense<0x7F800000> : vector<8x3xf32>
    %reduce_min3A_17 = vector.multi_reduction <minimumf>, %get3A_2, %reduce_min3A [2] : vector<8x3x2048xf32> to vector<8x3xf32>
    %sub3A = arith.subf %reduce_max3A_16, %reduce_min3A_17 : vector<8x3xf32>
    %swap3A_18 = arith.constant 0 : index
    %swap3A_19 = arith.constant 0 : index
    %swap3A_20 = vector.load %arg3[%swap3A_18, %swap3A_19] : memref<8x3xf32, #tpu.memory_space<vmem>>, vector<8x3xf32>
    tpu.vector_store %arg3[%swap3A_18, %swap3A_19], %sub3A {strides = array<i32>} : memref<8x3xf32, #tpu.memory_space<vmem>>, vector<8x3xf32>,
    return
  }
}

module attributes {stable_mosaic.version = 14 : i64} {
  func.func @_topk_idx_kernel(%arg0: i32, %arg1: i32, %arg2: memref<1x256x5xf32, #tpu.memory_space<vmem>>, %arg3: memref<1x5x2048xf32, #tpu.memory_space<vmem>>, %arg4: memref<1x256x1xf32, #tpu.memory_space<vmem>>, %arg5: memref<1x1x2048xf32, #tpu.memory_space<vmem>>, %arg6: memref<1x256x20xi32, #tpu.memory_space<vmem>>) attributes {dimension_semantics = [#tpu.dimension_semantics<arbitrary>, #tpu.dimension_semantics<arbitrary>], iteration_bounds = array<i64: 8, 8>, scalar_prefetch = 0 : i64, scratch_operands = 0 : i64, tpu.core_type = #tpu.core_type<tc>, window_params = [{transform_indices = @transform_0, window_bounds = array<i64: 1, 256, 5>}, {transform_indices = @transform_1, window_bounds = array<i64: 1, 5, 2048>}, {transform_indices = @transform_2, window_bounds = array<i64: 1, 256, 1>}, {transform_indices = @transform_3, window_bounds = array<i64: 1, 1, 2048>}, {transform_indices = @transform_4, window_bounds = array<i64: 1, 256, 20>}]} {
    %get3A = arith.constant 0 : index
    %get3A_0 = arith.constant 0 : index
    %get3A_1 = arith.constant 0 : index
    %get3A_2 = vector.load %arg2[%get3A, %get3A_0, %get3A_1] : memref<1x256x5xf32, #tpu.memory_space<vmem>>, vector<1x256x5xf32>
    %get3A_3 = vector.shape_cast %get3A_2 : vector<1x256x5xf32> to vector<256x5xf32>
    %get3A_4 = arith.constant 0 : index
    %get3A_5 = arith.constant 0 : index
    %get3A_6 = arith.constant 0 : index
    %get3A_7 = vector.load %arg3[%get3A_4, %get3A_5, %get3A_6] : memref<1x5x2048xf32, #tpu.memory_space<vmem>>, vector<1x5x2048xf32>
    %get3A_8 = vector.shape_cast %get3A_7 : vector<1x5x2048xf32> to vector<5x2048xf32>
    %get3A_9 = arith.constant 0 : index
    %get3A_10 = arith.constant 0 : index
    %get3A_11 = arith.constant 0 : index
    %get3A_12 = vector.load %arg4[%get3A_9, %get3A_10, %get3A_11] : memref<1x256x1xf32, #tpu.memory_space<vmem>>, vector<1x256x1xf32>
    %get3A_13 = vector.shape_cast %get3A_12 : vector<1x256x1xf32> to vector<256xf32>
    %broadcast_in_dim3A = vector.shape_cast %get3A_13 : vector<256xf32> to vector<256x1xf32>
    %get3A_14 = arith.constant 0 : index
    %get3A_15 = arith.constant 0 : index
    %get3A_16 = arith.constant 0 : index
    %get3A_17 = vector.load %arg5[%get3A_14, %get3A_15, %get3A_16] : memref<1x1x2048xf32, #tpu.memory_space<vmem>>, vector<1x1x2048xf32>
    %get3A_18 = vector.shape_cast %get3A_17 : vector<1x1x2048xf32> to vector<1x2048xf32>
    %dot_general3A = arith.constant dense<0.000000e+00> : vector<256x2048xf32>
    %dot_general3A_19 = tpu.matmul %get3A_3, %get3A_8, %dot_general3A {dimension_numbers = #tpu.dot_dimension_numbers<[1], [0], [0], [1], [0, 0, 1, 1], [], []>, transpose_lhs_hint = false} : vector<256x5xf32>, vector<5x2048xf32>, vector<256x2048xf32> -> vector<256x2048xf32>
    %mul3A = arith.constant -2.000000e+00 : f32
    %mul3A_20 = vector.broadcast %mul3A : f32 to vector<256x2048xf32>
    %mul3A_21 = arith.mulf %mul3A_20, %dot_general3A_19 : vector<256x2048xf32>
    %neg3A = arith.constant 0.000000e+00 : f32
    %neg3A_22 = vector.broadcast %neg3A : f32 to vector<256x1xf32>
    %neg3A_23 = arith.subf %neg3A_22, %broadcast_in_dim3A : vector<256x1xf32>
    %sub3A = vector.broadcast %neg3A_23 : vector<256x1xf32> to vector<256x2048xf32>
    %sub3A_24 = arith.subf %sub3A, %mul3A_21 : vector<256x2048xf32>
    %sub3A_25 = vector.broadcast %get3A_18 : vector<1x2048xf32> to vector<256x2048xf32>
    %sub3A_26 = arith.subf %sub3A_24, %sub3A_25 : vector<256x2048xf32>
    %iota3A = tpu.iota {dimensions = array<i32: 1>} : vector<256x2048xi32>
    %convert_element_type3A = arith.sitofp %iota3A : vector<256x2048xi32> to vector<256x2048xf32>
    %reduce_max3A = arith.constant dense<0xFF800000> : vector<256xf32>
    %reduce_max3A_27 = vector.multi_reduction <maximumf>, %sub3A_26, %reduce_max3A [1] : vector<256x2048xf32> to vector<256xf32>
    %broadcast_in_dim3A_28 = vector.shape_cast %reduce_max3A_27 : vector<256xf32> to vector<256x1xf32>
    %eq3A = vector.broadcast %broadcast_in_dim3A_28 : vector<256x1xf32> to vector<256x2048xf32>
    %eq3A_29 = arith.cmpf oeq, %sub3A_26, %eq3A : vector<256x2048xf32>
    %jit3A = arith.constant 2.048000e+03 : f32
    %broadcast_in_dim3A_30 = vector.broadcast %jit3A : f32 to vector<256x2048xf32>
    %select_n3A = arith.select %eq3A_29, %convert_element_type3A, %broadcast_in_dim3A_30 : vector<256x2048xi1>, vector<256x2048xf32>
    %reduce_min3A = arith.constant dense<0x7F800000> : vector<256xf32>
    %reduce_min3A_31 = vector.multi_reduction <minimumf>, %select_n3A, %reduce_min3A [1] : vector<256x2048xf32> to vector<256xf32>
    %convert_element_type3A_32 = arith.fptosi %reduce_min3A_31 : vector<256xf32> to vector<256xi32>
    %mul3A_33 = arith.constant 2048 : i32
    %mul3A_34 = arith.muli %arg0, %mul3A_33 : i32
    %add3A = vector.broadcast %mul3A_34 : i32 to vector<256xi32>
    %add3A_35 = arith.addi %convert_element_type3A_32, %add3A : vector<256xi32>
    %broadcast_in_dim3A_36 = vector.shape_cast %reduce_min3A_31 : vector<256xf32> to vector<256x1xf32>
    %eq3A_37 = vector.broadcast %broadcast_in_dim3A_36 : vector<256x1xf32> to vector<256x2048xf32>
    %eq3A_38 = arith.cmpf oeq, %convert_element_type3A, %eq3A_37 : vector<256x2048xf32>
    %jit3A_39 = arith.constant 0xFF800000 : f32
    %broadcast_in_dim3A_40 = vector.broadcast %jit3A_39 : f32 to vector<256x2048xf32>
    %select_n3A_41 = arith.select %eq3A_38, %broadcast_in_dim3A_40, %sub3A_26 : vector<256x2048xi1>, vector<256x2048xf32>
    %reduce_max3A_42 = arith.constant dense<0xFF800000> : vector<256xf32>
    %reduce_max3A_43 = vector.multi_reduction <maximumf>, %select_n3A_41, %reduce_max3A_42 [1] : vector<256x2048xf32> to vector<256xf32>
    %broadcast_in_dim3A_44 = vector.shape_cast %reduce_max3A_43 : vector<256xf32> to vector<256x1xf32>
    %eq3A_45 = vector.broadcast %broadcast_in_dim3A_44 : vector<256x1xf32> to vector<256x2048xf32>
    %eq3A_46 = arith.cmpf oeq, %select_n3A_41, %eq3A_45 : vector<256x2048xf32>
    %jit3A_47 = arith.constant 2.048000e+03 : f32
    %broadcast_in_dim3A_48 = vector.broadcast %jit3A_47 : f32 to vector<256x2048xf32>
    %select_n3A_49 = arith.select %eq3A_46, %convert_element_type3A, %broadcast_in_dim3A_48 : vector<256x2048xi1>, vector<256x2048xf32>
    %reduce_min3A_50 = arith.constant dense<0x7F800000> : vector<256xf32>
    %reduce_min3A_51 = vector.multi_reduction <minimumf>, %select_n3A_49, %reduce_min3A_50 [1] : vector<256x2048xf32> to vector<256xf32>
    %convert_element_type3A_52 = arith.fptosi %reduce_min3A_51 : vector<256xf32> to vector<256xi32>
    %mul3A_53 = arith.constant 2048 : i32
    %mul3A_54 = arith.muli %arg0, %mul3A_53 : i32
    %add3A_55 = vector.broadcast %mul3A_54 : i32 to vector<256xi32>
    %add3A_56 = arith.addi %convert_element_type3A_52, %add3A_55 : vector<256xi32>
    %broadcast_in_dim3A_57 = vector.shape_cast %reduce_min3A_51 : vector<256xf32> to vector<256x1xf32>
    %eq3A_58 = vector.broadcast %broadcast_in_dim3A_57 : vector<256x1xf32> to vector<256x2048xf32>
    %eq3A_59 = arith.cmpf oeq, %convert_element_type3A, %eq3A_58 : vector<256x2048xf32>
    %jit3A_60 = arith.constant 0xFF800000 : f32
    %broadcast_in_dim3A_61 = vector.broadcast %jit3A_60 : f32 to vector<256x2048xf32>
    %select_n3A_62 = arith.select %eq3A_59, %broadcast_in_dim3A_61, %select_n3A_41 : vector<256x2048xi1>, vector<256x2048xf32>
    %reduce_max3A_63 = arith.constant dense<0xFF800000> : vector<256xf32>
    %reduce_max3A_64 = vector.multi_reduction <maximumf>, %select_n3A_62, %reduce_max3A_63 [1] : vector<256x2048xf32> to vector<256xf32>
    %broadcast_in_dim3A_65 = vector.shape_cast %reduce_max3A_64 : vector<256xf32> to vector<256x1xf32>
    %eq3A_66 = vector.broadcast %broadcast_in_dim3A_65 : vector<256x1xf32> to vector<256x2048xf32>
    %eq3A_67 = arith.cmpf oeq, %select_n3A_62, %eq3A_66 : vector<256x2048xf32>
    %jit3A_68 = arith.constant 2.048000e+03 : f32
    %broadcast_in_dim3A_69 = vector.broadcast %jit3A_68 : f32 to vector<256x2048xf32>
    %select_n3A_70 = arith.select %eq3A_67, %convert_element_type3A, %broadcast_in_dim3A_69 : vector<256x2048xi1>, vector<256x2048xf32>
    %reduce_min3A_71 = arith.constant dense<0x7F800000> : vector<256xf32>
    %reduce_min3A_72 = vector.multi_reduction <minimumf>, %select_n3A_70, %reduce_min3A_71 [1] : vector<256x2048xf32> to vector<256xf32>
    %convert_element_type3A_73 = arith.fptosi %reduce_min3A_72 : vector<256xf32> to vector<256xi32>
    %mul3A_74 = arith.constant 2048 : i32
    %mul3A_75 = arith.muli %arg0, %mul3A_74 : i32
    %add3A_76 = vector.broadcast %mul3A_75 : i32 to vector<256xi32>
    %add3A_77 = arith.addi %convert_element_type3A_73, %add3A_76 : vector<256xi32>
    %broadcast_in_dim3A_78 = vector.shape_cast %reduce_min3A_72 : vector<256xf32> to vector<256x1xf32>
    %eq3A_79 = vector.broadcast %broadcast_in_dim3A_78 : vector<256x1xf32> to vector<256x2048xf32>
    %eq3A_80 = arith.cmpf oeq, %convert_element_type3A, %eq3A_79 : vector<256x2048xf32>
    %jit3A_81 = arith.constant 0xFF800000 : f32
    %broadcast_in_dim3A_82 = vector.broadcast %jit3A_81 : f32 to vector<256x2048xf32>
    %select_n3A_83 = arith.select %eq3A_80, %broadcast_in_dim3A_82, %select_n3A_62 : vector<256x2048xi1>, vector<256x2048xf32>
    %reduce_max3A_84 = arith.constant dense<0xFF800000> : vector<256xf32>
    %reduce_max3A_85 = vector.multi_reduction <maximumf>, %select_n3A_83, %reduce_max3A_84 [1] : vector<256x2048xf32> to vector<256xf32>
    %broadcast_in_dim3A_86 = vector.shape_cast %reduce_max3A_85 : vector<256xf32> to vector<256x1xf32>
    %eq3A_87 = vector.broadcast %broadcast_in_dim3A_86 : vector<256x1xf32> to vector<256x2048xf32>
    %eq3A_88 = arith.cmpf oeq, %select_n3A_83, %eq3A_87 : vector<256x2048xf32>
    %jit3A_89 = arith.constant 2.048000e+03 : f32
    %broadcast_in_dim3A_90 = vector.broadcast %jit3A_89 : f32 to vector<256x2048xf32>
    %select_n3A_91 = arith.select %eq3A_88, %convert_element_type3A, %broadcast_in_dim3A_90 : vector<256x2048xi1>, vector<256x2048xf32>
    %reduce_min3A_92 = arith.constant dense<0x7F800000> : vector<256xf32>
    %reduce_min3A_93 = vector.multi_reduction <minimumf>, %select_n3A_91, %reduce_min3A_92 [1] : vector<256x2048xf32> to vector<256xf32>
    %convert_element_type3A_94 = arith.fptosi %reduce_min3A_93 : vector<256xf32> to vector<256xi32>
    %mul3A_95 = arith.constant 2048 : i32
    %mul3A_96 = arith.muli %arg0, %mul3A_95 : i32
    %add3A_97 = vector.broadcast %mul3A_96 : i32 to vector<256xi32>
    %add3A_98 = arith.addi %convert_element_type3A_94, %add3A_97 : vector<256xi32>
    %broadcast_in_dim3A_99 = vector.shape_cast %reduce_min3A_93 : vector<256xf32> to vector<256x1xf32>
    %eq3A_100 = vector.broadcast %broadcast_in_dim3A_99 : vector<256x1xf32> to vector<256x2048xf32>
    %eq3A_101 = arith.cmpf oeq, %convert_element_type3A, %eq3A_100 : vector<256x2048xf32>
    %jit3A_102 = arith.constant 0xFF800000 : f32
    %broadcast_in_dim3A_103 = vector.broadcast %jit3A_102 : f32 to vector<256x2048xf32>
    %select_n3A_104 = arith.select %eq3A_101, %broadcast_in_dim3A_103, %select_n3A_83 : vector<256x2048xi1>, vector<256x2048xf32>
    %reduce_max3A_105 = arith.constant dense<0xFF800000> : vector<256xf32>
    %reduce_max3A_106 = vector.multi_reduction <maximumf>, %select_n3A_104, %reduce_max3A_105 [1] : vector<256x2048xf32> to vector<256xf32>
    %broadcast_in_dim3A_107 = vector.shape_cast %reduce_max3A_106 : vector<256xf32> to vector<256x1xf32>
    %eq3A_108 = vector.broadcast %broadcast_in_dim3A_107 : vector<256x1xf32> to vector<256x2048xf32>
    %eq3A_109 = arith.cmpf oeq, %select_n3A_104, %eq3A_108 : vector<256x2048xf32>
    %jit3A_110 = arith.constant 2.048000e+03 : f32
    %broadcast_in_dim3A_111 = vector.broadcast %jit3A_110 : f32 to vector<256x2048xf32>
    %select_n3A_112 = arith.select %eq3A_109, %convert_element_type3A, %broadcast_in_dim3A_111 : vector<256x2048xi1>, vector<256x2048xf32>
    %reduce_min3A_113 = arith.constant dense<0x7F800000> : vector<256xf32>
    %reduce_min3A_114 = vector.multi_reduction <minimumf>, %select_n3A_112, %reduce_min3A_113 [1] : vector<256x2048xf32> to vector<256xf32>
    %convert_element_type3A_115 = arith.fptosi %reduce_min3A_114 : vector<256xf32> to vector<256xi32>
    %mul3A_116 = arith.constant 2048 : i32
    %mul3A_117 = arith.muli %arg0, %mul3A_116 : i32
    %add3A_118 = vector.broadcast %mul3A_117 : i32 to vector<256xi32>
    %add3A_119 = arith.addi %convert_element_type3A_115, %add3A_118 : vector<256xi32>
    %broadcast_in_dim3A_120 = vector.shape_cast %reduce_min3A_114 : vector<256xf32> to vector<256x1xf32>
    %eq3A_121 = vector.broadcast %broadcast_in_dim3A_120 : vector<256x1xf32> to vector<256x2048xf32>
    %eq3A_122 = arith.cmpf oeq, %convert_element_type3A, %eq3A_121 : vector<256x2048xf32>
    %jit3A_123 = arith.constant 0xFF800000 : f32
    %broadcast_in_dim3A_124 = vector.broadcast %jit3A_123 : f32 to vector<256x2048xf32>
    %select_n3A_125 = arith.select %eq3A_122, %broadcast_in_dim3A_124, %select_n3A_104 : vector<256x2048xi1>, vector<256x2048xf32>
    %reduce_max3A_126 = arith.constant dense<0xFF800000> : vector<256xf32>
    %reduce_max3A_127 = vector.multi_reduction <maximumf>, %select_n3A_125, %reduce_max3A_126 [1] : vector<256x2048xf32> to vector<256xf32>
    %broadcast_in_dim3A_128 = vector.shape_cast %reduce_max3A_127 : vector<256xf32> to vector<256x1xf32>
    %eq3A_129 = vector.broadcast %broadcast_in_dim3A_128 : vector<256x1xf32> to vector<256x2048xf32>
    %eq3A_130 = arith.cmpf oeq, %select_n3A_125, %eq3A_129 : vector<256x2048xf32>
    %jit3A_131 = arith.constant 2.048000e+03 : f32
    %broadcast_in_dim3A_132 = vector.broadcast %jit3A_131 : f32 to vector<256x2048xf32>
    %select_n3A_133 = arith.select %eq3A_130, %convert_element_type3A, %broadcast_in_dim3A_132 : vector<256x2048xi1>, vector<256x2048xf32>
    %reduce_min3A_134 = arith.constant dense<0x7F800000> : vector<256xf32>
    %reduce_min3A_135 = vector.multi_reduction <minimumf>, %select_n3A_133, %reduce_min3A_134 [1] : vector<256x2048xf32> to vector<256xf32>
    %convert_element_type3A_136 = arith.fptosi %reduce_min3A_135 : vector<256xf32> to vector<256xi32>
    %mul3A_137 = arith.constant 2048 : i32
    %mul3A_138 = arith.muli %arg0, %mul3A_137 : i32
    %add3A_139 = vector.broadcast %mul3A_138 : i32 to vector<256xi32>
    %add3A_140 = arith.addi %convert_element_type3A_136, %add3A_139 : vector<256xi32>
    %broadcast_in_dim3A_141 = vector.shape_cast %reduce_min3A_135 : vector<256xf32> to vector<256x1xf32>
    %eq3A_142 = vector.broadcast %broadcast_in_dim3A_141 : vector<256x1xf32> to vector<256x2048xf32>
    %eq3A_143 = arith.cmpf oeq, %convert_element_type3A, %eq3A_142 : vector<256x2048xf32>
    %jit3A_144 = arith.constant 0xFF800000 : f32
    %broadcast_in_dim3A_145 = vector.broadcast %jit3A_144 : f32 to vector<256x2048xf32>
    %select_n3A_146 = arith.select %eq3A_143, %broadcast_in_dim3A_145, %select_n3A_125 : vector<256x2048xi1>, vector<256x2048xf32>
    %reduce_max3A_147 = arith.constant dense<0xFF800000> : vector<256xf32>
    %reduce_max3A_148 = vector.multi_reduction <maximumf>, %select_n3A_146, %reduce_max3A_147 [1] : vector<256x2048xf32> to vector<256xf32>
    %broadcast_in_dim3A_149 = vector.shape_cast %reduce_max3A_148 : vector<256xf32> to vector<256x1xf32>
    %eq3A_150 = vector.broadcast %broadcast_in_dim3A_149 : vector<256x1xf32> to vector<256x2048xf32>
    %eq3A_151 = arith.cmpf oeq, %select_n3A_146, %eq3A_150 : vector<256x2048xf32>
    %jit3A_152 = arith.constant 2.048000e+03 : f32
    %broadcast_in_dim3A_153 = vector.broadcast %jit3A_152 : f32 to vector<256x2048xf32>
    %select_n3A_154 = arith.select %eq3A_151, %convert_element_type3A, %broadcast_in_dim3A_153 : vector<256x2048xi1>, vector<256x2048xf32>
    %reduce_min3A_155 = arith.constant dense<0x7F800000> : vector<256xf32>
    %reduce_min3A_156 = vector.multi_reduction <minimumf>, %select_n3A_154, %reduce_min3A_155 [1] : vector<256x2048xf32> to vector<256xf32>
    %convert_element_type3A_157 = arith.fptosi %reduce_min3A_156 : vector<256xf32> to vector<256xi32>
    %mul3A_158 = arith.constant 2048 : i32
    %mul3A_159 = arith.muli %arg0, %mul3A_158 : i32
    %add3A_160 = vector.broadcast %mul3A_159 : i32 to vector<256xi32>
    %add3A_161 = arith.addi %convert_element_type3A_157, %add3A_160 : vector<256xi32>
    %broadcast_in_dim3A_162 = vector.shape_cast %reduce_min3A_156 : vector<256xf32> to vector<256x1xf32>
    %eq3A_163 = vector.broadcast %broadcast_in_dim3A_162 : vector<256x1xf32> to vector<256x2048xf32>
    %eq3A_164 = arith.cmpf oeq, %convert_element_type3A, %eq3A_163 : vector<256x2048xf32>
    %jit3A_165 = arith.constant 0xFF800000 : f32
    %broadcast_in_dim3A_166 = vector.broadcast %jit3A_165 : f32 to vector<256x2048xf32>
    %select_n3A_167 = arith.select %eq3A_164, %broadcast_in_dim3A_166, %select_n3A_146 : vector<256x2048xi1>, vector<256x2048xf32>
    %reduce_max3A_168 = arith.constant dense<0xFF800000> : vector<256xf32>
    %reduce_max3A_169 = vector.multi_reduction <maximumf>, %select_n3A_167, %reduce_max3A_168 [1] : vector<256x2048xf32> to vector<256xf32>
    %broadcast_in_dim3A_170 = vector.shape_cast %reduce_max3A_169 : vector<256xf32> to vector<256x1xf32>
    %eq3A_171 = vector.broadcast %broadcast_in_dim3A_170 : vector<256x1xf32> to vector<256x2048xf32>
    %eq3A_172 = arith.cmpf oeq, %select_n3A_167, %eq3A_171 : vector<256x2048xf32>
    %jit3A_173 = arith.constant 2.048000e+03 : f32
    %broadcast_in_dim3A_174 = vector.broadcast %jit3A_173 : f32 to vector<256x2048xf32>
    %select_n3A_175 = arith.select %eq3A_172, %convert_element_type3A, %broadcast_in_dim3A_174 : vector<256x2048xi1>, vector<256x2048xf32>
    %reduce_min3A_176 = arith.constant dense<0x7F800000> : vector<256xf32>
    %reduce_min3A_177 = vector.multi_reduction <minimumf>, %select_n3A_175, %reduce_min3A_176 [1] : vector<256x2048xf32> to vector<256xf32>
    %convert_element_type3A_178 = arith.fptosi %reduce_min3A_177 : vector<256xf32> to vector<256xi32>
    %mul3A_179 = arith.constant 2048 : i32
    %mul3A_180 = arith.muli %arg0, %mul3A_179 : i32
    %add3A_181 = vector.broadcast %mul3A_180 : i32 to vector<256xi32>
    %add3A_182 = arith.addi %convert_element_type3A_178, %add3A_181 : vector<256xi32>
    %broadcast_in_dim3A_183 = vector.shape_cast %reduce_min3A_177 : vector<256xf32> to vector<256x1xf32>
    %eq3A_184 = vector.broadcast %broadcast_in_dim3A_183 : vector<256x1xf32> to vector<256x2048xf32>
    %eq3A_185 = arith.cmpf oeq, %convert_element_type3A, %eq3A_184 : vector<256x2048xf32>
    %jit3A_186 = arith.constant 0xFF800000 : f32
    %broadcast_in_dim3A_187 = vector.broadcast %jit3A_186 : f32 to vector<256x2048xf32>
    %select_n3A_188 = arith.select %eq3A_185, %broadcast_in_dim3A_187, %select_n3A_167 : vector<256x2048xi1>, vector<256x2048xf32>
    %reduce_max3A_189 = arith.constant dense<0xFF800000> : vector<256xf32>
    %reduce_max3A_190 = vector.multi_reduction <maximumf>, %select_n3A_188, %reduce_max3A_189 [1] : vector<256x2048xf32> to vector<256xf32>
    %broadcast_in_dim3A_191 = vector.shape_cast %reduce_max3A_190 : vector<256xf32> to vector<256x1xf32>
    %eq3A_192 = vector.broadcast %broadcast_in_dim3A_191 : vector<256x1xf32> to vector<256x2048xf32>
    %eq3A_193 = arith.cmpf oeq, %select_n3A_188, %eq3A_192 : vector<256x2048xf32>
    %jit3A_194 = arith.constant 2.048000e+03 : f32
    %broadcast_in_dim3A_195 = vector.broadcast %jit3A_194 : f32 to vector<256x2048xf32>
    %select_n3A_196 = arith.select %eq3A_193, %convert_element_type3A, %broadcast_in_dim3A_195 : vector<256x2048xi1>, vector<256x2048xf32>
    %reduce_min3A_197 = arith.constant dense<0x7F800000> : vector<256xf32>
    %reduce_min3A_198 = vector.multi_reduction <minimumf>, %select_n3A_196, %reduce_min3A_197 [1] : vector<256x2048xf32> to vector<256xf32>
    %convert_element_type3A_199 = arith.fptosi %reduce_min3A_198 : vector<256xf32> to vector<256xi32>
    %mul3A_200 = arith.constant 2048 : i32
    %mul3A_201 = arith.muli %arg0, %mul3A_200 : i32
    %add3A_202 = vector.broadcast %mul3A_201 : i32 to vector<256xi32>
    %add3A_203 = arith.addi %convert_element_type3A_199, %add3A_202 : vector<256xi32>
    %broadcast_in_dim3A_204 = vector.shape_cast %reduce_min3A_198 : vector<256xf32> to vector<256x1xf32>
    %eq3A_205 = vector.broadcast %broadcast_in_dim3A_204 : vector<256x1xf32> to vector<256x2048xf32>
    %eq3A_206 = arith.cmpf oeq, %convert_element_type3A, %eq3A_205 : vector<256x2048xf32>
    %jit3A_207 = arith.constant 0xFF800000 : f32
    %broadcast_in_dim3A_208 = vector.broadcast %jit3A_207 : f32 to vector<256x2048xf32>
    %select_n3A_209 = arith.select %eq3A_206, %broadcast_in_dim3A_208, %select_n3A_188 : vector<256x2048xi1>, vector<256x2048xf32>
    %reduce_max3A_210 = arith.constant dense<0xFF800000> : vector<256xf32>
    %reduce_max3A_211 = vector.multi_reduction <maximumf>, %select_n3A_209, %reduce_max3A_210 [1] : vector<256x2048xf32> to vector<256xf32>
    %broadcast_in_dim3A_212 = vector.shape_cast %reduce_max3A_211 : vector<256xf32> to vector<256x1xf32>
    %eq3A_213 = vector.broadcast %broadcast_in_dim3A_212 : vector<256x1xf32> to vector<256x2048xf32>
    %eq3A_214 = arith.cmpf oeq, %select_n3A_209, %eq3A_213 : vector<256x2048xf32>
    %jit3A_215 = arith.constant 2.048000e+03 : f32
    %broadcast_in_dim3A_216 = vector.broadcast %jit3A_215 : f32 to vector<256x2048xf32>
    %select_n3A_217 = arith.select %eq3A_214, %convert_element_type3A, %broadcast_in_dim3A_216 : vector<256x2048xi1>, vector<256x2048xf32>
    %reduce_min3A_218 = arith.constant dense<0x7F800000> : vector<256xf32>
    %reduce_min3A_219 = vector.multi_reduction <minimumf>, %select_n3A_217, %reduce_min3A_218 [1] : vector<256x2048xf32> to vector<256xf32>
    %convert_element_type3A_220 = arith.fptosi %reduce_min3A_219 : vector<256xf32> to vector<256xi32>
    %mul3A_221 = arith.constant 2048 : i32
    %mul3A_222 = arith.muli %arg0, %mul3A_221 : i32
    %add3A_223 = vector.broadcast %mul3A_222 : i32 to vector<256xi32>
    %add3A_224 = arith.addi %convert_element_type3A_220, %add3A_223 : vector<256xi32>
    %broadcast_in_dim3A_225 = vector.shape_cast %reduce_min3A_219 : vector<256xf32> to vector<256x1xf32>
    %eq3A_226 = vector.broadcast %broadcast_in_dim3A_225 : vector<256x1xf32> to vector<256x2048xf32>
    %eq3A_227 = arith.cmpf oeq, %convert_element_type3A, %eq3A_226 : vector<256x2048xf32>
    %jit3A_228 = arith.constant 0xFF800000 : f32
    %broadcast_in_dim3A_229 = vector.broadcast %jit3A_228 : f32 to vector<256x2048xf32>
    %select_n3A_230 = arith.select %eq3A_227, %broadcast_in_dim3A_229, %select_n3A_209 : vector<256x2048xi1>, vector<256x2048xf32>
    %reduce_max3A_231 = arith.constant dense<0xFF800000> : vector<256xf32>
    %reduce_max3A_232 = vector.multi_reduction <maximumf>, %select_n3A_230, %reduce_max3A_231 [1] : vector<256x2048xf32> to vector<256xf32>
    %broadcast_in_dim3A_233 = vector.shape_cast %reduce_max3A_232 : vector<256xf32> to vector<256x1xf32>
    %eq3A_234 = vector.broadcast %broadcast_in_dim3A_233 : vector<256x1xf32> to vector<256x2048xf32>
    %eq3A_235 = arith.cmpf oeq, %select_n3A_230, %eq3A_234 : vector<256x2048xf32>
    %jit3A_236 = arith.constant 2.048000e+03 : f32
    %broadcast_in_dim3A_237 = vector.broadcast %jit3A_236 : f32 to vector<256x2048xf32>
    %select_n3A_238 = arith.select %eq3A_235, %convert_element_type3A, %broadcast_in_dim3A_237 : vector<256x2048xi1>, vector<256x2048xf32>
    %reduce_min3A_239 = arith.constant dense<0x7F800000> : vector<256xf32>
    %reduce_min3A_240 = vector.multi_reduction <minimumf>, %select_n3A_238, %reduce_min3A_239 [1] : vector<256x2048xf32> to vector<256xf32>
    %convert_element_type3A_241 = arith.fptosi %reduce_min3A_240 : vector<256xf32> to vector<256xi32>
    %mul3A_242 = arith.constant 2048 : i32
    %mul3A_243 = arith.muli %arg0, %mul3A_242 : i32
    %add3A_244 = vector.broadcast %mul3A_243 : i32 to vector<256xi32>
    %add3A_245 = arith.addi %convert_element_type3A_241, %add3A_244 : vector<256xi32>
    %broadcast_in_dim3A_246 = vector.shape_cast %reduce_min3A_240 : vector<256xf32> to vector<256x1xf32>
    %eq3A_247 = vector.broadcast %broadcast_in_dim3A_246 : vector<256x1xf32> to vector<256x2048xf32>
    %eq3A_248 = arith.cmpf oeq, %convert_element_type3A, %eq3A_247 : vector<256x2048xf32>
    %jit3A_249 = arith.constant 0xFF800000 : f32
    %broadcast_in_dim3A_250 = vector.broadcast %jit3A_249 : f32 to vector<256x2048xf32>
    %select_n3A_251 = arith.select %eq3A_248, %broadcast_in_dim3A_250, %select_n3A_230 : vector<256x2048xi1>, vector<256x2048xf32>
    %reduce_max3A_252 = arith.constant dense<0xFF800000> : vector<256xf32>
    %reduce_max3A_253 = vector.multi_reduction <maximumf>, %select_n3A_251, %reduce_max3A_252 [1] : vector<256x2048xf32> to vector<256xf32>
    %broadcast_in_dim3A_254 = vector.shape_cast %reduce_max3A_253 : vector<256xf32> to vector<256x1xf32>
    %eq3A_255 = vector.broadcast %broadcast_in_dim3A_254 : vector<256x1xf32> to vector<256x2048xf32>
    %eq3A_256 = arith.cmpf oeq, %select_n3A_251, %eq3A_255 : vector<256x2048xf32>
    %jit3A_257 = arith.constant 2.048000e+03 : f32
    %broadcast_in_dim3A_258 = vector.broadcast %jit3A_257 : f32 to vector<256x2048xf32>
    %select_n3A_259 = arith.select %eq3A_256, %convert_element_type3A, %broadcast_in_dim3A_258 : vector<256x2048xi1>, vector<256x2048xf32>
    %reduce_min3A_260 = arith.constant dense<0x7F800000> : vector<256xf32>
    %reduce_min3A_261 = vector.multi_reduction <minimumf>, %select_n3A_259, %reduce_min3A_260 [1] : vector<256x2048xf32> to vector<256xf32>
    %convert_element_type3A_262 = arith.fptosi %reduce_min3A_261 : vector<256xf32> to vector<256xi32>
    %mul3A_263 = arith.constant 2048 : i32
    %mul3A_264 = arith.muli %arg0, %mul3A_263 : i32
    %add3A_265 = vector.broadcast %mul3A_264 : i32 to vector<256xi32>
    %add3A_266 = arith.addi %convert_element_type3A_262, %add3A_265 : vector<256xi32>
    %broadcast_in_dim3A_267 = vector.shape_cast %reduce_min3A_261 : vector<256xf32> to vector<256x1xf32>
    %eq3A_268 = vector.broadcast %broadcast_in_dim3A_267 : vector<256x1xf32> to vector<256x2048xf32>
    %eq3A_269 = arith.cmpf oeq, %convert_element_type3A, %eq3A_268 : vector<256x2048xf32>
    %jit3A_270 = arith.constant 0xFF800000 : f32
    %broadcast_in_dim3A_271 = vector.broadcast %jit3A_270 : f32 to vector<256x2048xf32>
    %select_n3A_272 = arith.select %eq3A_269, %broadcast_in_dim3A_271, %select_n3A_251 : vector<256x2048xi1>, vector<256x2048xf32>
    %reduce_max3A_273 = arith.constant dense<0xFF800000> : vector<256xf32>
    %reduce_max3A_274 = vector.multi_reduction <maximumf>, %select_n3A_272, %reduce_max3A_273 [1] : vector<256x2048xf32> to vector<256xf32>
    %broadcast_in_dim3A_275 = vector.shape_cast %reduce_max3A_274 : vector<256xf32> to vector<256x1xf32>
    %eq3A_276 = vector.broadcast %broadcast_in_dim3A_275 : vector<256x1xf32> to vector<256x2048xf32>
    %eq3A_277 = arith.cmpf oeq, %select_n3A_272, %eq3A_276 : vector<256x2048xf32>
    %jit3A_278 = arith.constant 2.048000e+03 : f32
    %broadcast_in_dim3A_279 = vector.broadcast %jit3A_278 : f32 to vector<256x2048xf32>
    %select_n3A_280 = arith.select %eq3A_277, %convert_element_type3A, %broadcast_in_dim3A_279 : vector<256x2048xi1>, vector<256x2048xf32>
    %reduce_min3A_281 = arith.constant dense<0x7F800000> : vector<256xf32>
    %reduce_min3A_282 = vector.multi_reduction <minimumf>, %select_n3A_280, %reduce_min3A_281 [1] : vector<256x2048xf32> to vector<256xf32>
    %convert_element_type3A_283 = arith.fptosi %reduce_min3A_282 : vector<256xf32> to vector<256xi32>
    %mul3A_284 = arith.constant 2048 : i32
    %mul3A_285 = arith.muli %arg0, %mul3A_284 : i32
    %add3A_286 = vector.broadcast %mul3A_285 : i32 to vector<256xi32>
    %add3A_287 = arith.addi %convert_element_type3A_283, %add3A_286 : vector<256xi32>
    %broadcast_in_dim3A_288 = vector.shape_cast %reduce_min3A_282 : vector<256xf32> to vector<256x1xf32>
    %eq3A_289 = vector.broadcast %broadcast_in_dim3A_288 : vector<256x1xf32> to vector<256x2048xf32>
    %eq3A_290 = arith.cmpf oeq, %convert_element_type3A, %eq3A_289 : vector<256x2048xf32>
    %jit3A_291 = arith.constant 0xFF800000 : f32
    %broadcast_in_dim3A_292 = vector.broadcast %jit3A_291 : f32 to vector<256x2048xf32>
    %select_n3A_293 = arith.select %eq3A_290, %broadcast_in_dim3A_292, %select_n3A_272 : vector<256x2048xi1>, vector<256x2048xf32>
    %reduce_max3A_294 = arith.constant dense<0xFF800000> : vector<256xf32>
    %reduce_max3A_295 = vector.multi_reduction <maximumf>, %select_n3A_293, %reduce_max3A_294 [1] : vector<256x2048xf32> to vector<256xf32>
    %broadcast_in_dim3A_296 = vector.shape_cast %reduce_max3A_295 : vector<256xf32> to vector<256x1xf32>
    %eq3A_297 = vector.broadcast %broadcast_in_dim3A_296 : vector<256x1xf32> to vector<256x2048xf32>
    %eq3A_298 = arith.cmpf oeq, %select_n3A_293, %eq3A_297 : vector<256x2048xf32>
    %jit3A_299 = arith.constant 2.048000e+03 : f32
    %broadcast_in_dim3A_300 = vector.broadcast %jit3A_299 : f32 to vector<256x2048xf32>
    %select_n3A_301 = arith.select %eq3A_298, %convert_element_type3A, %broadcast_in_dim3A_300 : vector<256x2048xi1>, vector<256x2048xf32>
    %reduce_min3A_302 = arith.constant dense<0x7F800000> : vector<256xf32>
    %reduce_min3A_303 = vector.multi_reduction <minimumf>, %select_n3A_301, %reduce_min3A_302 [1] : vector<256x2048xf32> to vector<256xf32>
    %convert_element_type3A_304 = arith.fptosi %reduce_min3A_303 : vector<256xf32> to vector<256xi32>
    %mul3A_305 = arith.constant 2048 : i32
    %mul3A_306 = arith.muli %arg0, %mul3A_305 : i32
    %add3A_307 = vector.broadcast %mul3A_306 : i32 to vector<256xi32>
    %add3A_308 = arith.addi %convert_element_type3A_304, %add3A_307 : vector<256xi32>
    %broadcast_in_dim3A_309 = vector.shape_cast %reduce_min3A_303 : vector<256xf32> to vector<256x1xf32>
    %eq3A_310 = vector.broadcast %broadcast_in_dim3A_309 : vector<256x1xf32> to vector<256x2048xf32>
    %eq3A_311 = arith.cmpf oeq, %convert_element_type3A, %eq3A_310 : vector<256x2048xf32>
    %jit3A_312 = arith.constant 0xFF800000 : f32
    %broadcast_in_dim3A_313 = vector.broadcast %jit3A_312 : f32 to vector<256x2048xf32>
    %select_n3A_314 = arith.select %eq3A_311, %broadcast_in_dim3A_313, %select_n3A_293 : vector<256x2048xi1>, vector<256x2048xf32>
    %reduce_max3A_315 = arith.constant dense<0xFF800000> : vector<256xf32>
    %reduce_max3A_316 = vector.multi_reduction <maximumf>, %select_n3A_314, %reduce_max3A_315 [1] : vector<256x2048xf32> to vector<256xf32>
    %broadcast_in_dim3A_317 = vector.shape_cast %reduce_max3A_316 : vector<256xf32> to vector<256x1xf32>
    %eq3A_318 = vector.broadcast %broadcast_in_dim3A_317 : vector<256x1xf32> to vector<256x2048xf32>
    %eq3A_319 = arith.cmpf oeq, %select_n3A_314, %eq3A_318 : vector<256x2048xf32>
    %jit3A_320 = arith.constant 2.048000e+03 : f32
    %broadcast_in_dim3A_321 = vector.broadcast %jit3A_320 : f32 to vector<256x2048xf32>
    %select_n3A_322 = arith.select %eq3A_319, %convert_element_type3A, %broadcast_in_dim3A_321 : vector<256x2048xi1>, vector<256x2048xf32>
    %reduce_min3A_323 = arith.constant dense<0x7F800000> : vector<256xf32>
    %reduce_min3A_324 = vector.multi_reduction <minimumf>, %select_n3A_322, %reduce_min3A_323 [1] : vector<256x2048xf32> to vector<256xf32>
    %convert_element_type3A_325 = arith.fptosi %reduce_min3A_324 : vector<256xf32> to vector<256xi32>
    %mul3A_326 = arith.constant 2048 : i32
    %mul3A_327 = arith.muli %arg0, %mul3A_326 : i32
    %add3A_328 = vector.broadcast %mul3A_327 : i32 to vector<256xi32>
    %add3A_329 = arith.addi %convert_element_type3A_325, %add3A_328 : vector<256xi32>
    %broadcast_in_dim3A_330 = vector.shape_cast %reduce_min3A_324 : vector<256xf32> to vector<256x1xf32>
    %eq3A_331 = vector.broadcast %broadcast_in_dim3A_330 : vector<256x1xf32> to vector<256x2048xf32>
    %eq3A_332 = arith.cmpf oeq, %convert_element_type3A, %eq3A_331 : vector<256x2048xf32>
    %jit3A_333 = arith.constant 0xFF800000 : f32
    %broadcast_in_dim3A_334 = vector.broadcast %jit3A_333 : f32 to vector<256x2048xf32>
    %select_n3A_335 = arith.select %eq3A_332, %broadcast_in_dim3A_334, %select_n3A_314 : vector<256x2048xi1>, vector<256x2048xf32>
    %reduce_max3A_336 = arith.constant dense<0xFF800000> : vector<256xf32>
    %reduce_max3A_337 = vector.multi_reduction <maximumf>, %select_n3A_335, %reduce_max3A_336 [1] : vector<256x2048xf32> to vector<256xf32>
    %broadcast_in_dim3A_338 = vector.shape_cast %reduce_max3A_337 : vector<256xf32> to vector<256x1xf32>
    %eq3A_339 = vector.broadcast %broadcast_in_dim3A_338 : vector<256x1xf32> to vector<256x2048xf32>
    %eq3A_340 = arith.cmpf oeq, %select_n3A_335, %eq3A_339 : vector<256x2048xf32>
    %jit3A_341 = arith.constant 2.048000e+03 : f32
    %broadcast_in_dim3A_342 = vector.broadcast %jit3A_341 : f32 to vector<256x2048xf32>
    %select_n3A_343 = arith.select %eq3A_340, %convert_element_type3A, %broadcast_in_dim3A_342 : vector<256x2048xi1>, vector<256x2048xf32>
    %reduce_min3A_344 = arith.constant dense<0x7F800000> : vector<256xf32>
    %reduce_min3A_345 = vector.multi_reduction <minimumf>, %select_n3A_343, %reduce_min3A_344 [1] : vector<256x2048xf32> to vector<256xf32>
    %convert_element_type3A_346 = arith.fptosi %reduce_min3A_345 : vector<256xf32> to vector<256xi32>
    %mul3A_347 = arith.constant 2048 : i32
    %mul3A_348 = arith.muli %arg0, %mul3A_347 : i32
    %add3A_349 = vector.broadcast %mul3A_348 : i32 to vector<256xi32>
    %add3A_350 = arith.addi %convert_element_type3A_346, %add3A_349 : vector<256xi32>
    %broadcast_in_dim3A_351 = vector.shape_cast %reduce_min3A_345 : vector<256xf32> to vector<256x1xf32>
    %eq3A_352 = vector.broadcast %broadcast_in_dim3A_351 : vector<256x1xf32> to vector<256x2048xf32>
    %eq3A_353 = arith.cmpf oeq, %convert_element_type3A, %eq3A_352 : vector<256x2048xf32>
    %jit3A_354 = arith.constant 0xFF800000 : f32
    %broadcast_in_dim3A_355 = vector.broadcast %jit3A_354 : f32 to vector<256x2048xf32>
    %select_n3A_356 = arith.select %eq3A_353, %broadcast_in_dim3A_355, %select_n3A_335 : vector<256x2048xi1>, vector<256x2048xf32>
    %reduce_max3A_357 = arith.constant dense<0xFF800000> : vector<256xf32>
    %reduce_max3A_358 = vector.multi_reduction <maximumf>, %select_n3A_356, %reduce_max3A_357 [1] : vector<256x2048xf32> to vector<256xf32>
    %broadcast_in_dim3A_359 = vector.shape_cast %reduce_max3A_358 : vector<256xf32> to vector<256x1xf32>
    %eq3A_360 = vector.broadcast %broadcast_in_dim3A_359 : vector<256x1xf32> to vector<256x2048xf32>
    %eq3A_361 = arith.cmpf oeq, %select_n3A_356, %eq3A_360 : vector<256x2048xf32>
    %jit3A_362 = arith.constant 2.048000e+03 : f32
    %broadcast_in_dim3A_363 = vector.broadcast %jit3A_362 : f32 to vector<256x2048xf32>
    %select_n3A_364 = arith.select %eq3A_361, %convert_element_type3A, %broadcast_in_dim3A_363 : vector<256x2048xi1>, vector<256x2048xf32>
    %reduce_min3A_365 = arith.constant dense<0x7F800000> : vector<256xf32>
    %reduce_min3A_366 = vector.multi_reduction <minimumf>, %select_n3A_364, %reduce_min3A_365 [1] : vector<256x2048xf32> to vector<256xf32>
    %convert_element_type3A_367 = arith.fptosi %reduce_min3A_366 : vector<256xf32> to vector<256xi32>
    %mul3A_368 = arith.constant 2048 : i32
    %mul3A_369 = arith.muli %arg0, %mul3A_368 : i32
    %add3A_370 = vector.broadcast %mul3A_369 : i32 to vector<256xi32>
    %add3A_371 = arith.addi %convert_element_type3A_367, %add3A_370 : vector<256xi32>
    %broadcast_in_dim3A_372 = vector.shape_cast %reduce_min3A_366 : vector<256xf32> to vector<256x1xf32>
    %eq3A_373 = vector.broadcast %broadcast_in_dim3A_372 : vector<256x1xf32> to vector<256x2048xf32>
    %eq3A_374 = arith.cmpf oeq, %convert_element_type3A, %eq3A_373 : vector<256x2048xf32>
    %jit3A_375 = arith.constant 0xFF800000 : f32
    %broadcast_in_dim3A_376 = vector.broadcast %jit3A_375 : f32 to vector<256x2048xf32>
    %select_n3A_377 = arith.select %eq3A_374, %broadcast_in_dim3A_376, %select_n3A_356 : vector<256x2048xi1>, vector<256x2048xf32>
    %reduce_max3A_378 = arith.constant dense<0xFF800000> : vector<256xf32>
    %reduce_max3A_379 = vector.multi_reduction <maximumf>, %select_n3A_377, %reduce_max3A_378 [1] : vector<256x2048xf32> to vector<256xf32>
    %broadcast_in_dim3A_380 = vector.shape_cast %reduce_max3A_379 : vector<256xf32> to vector<256x1xf32>
    %eq3A_381 = vector.broadcast %broadcast_in_dim3A_380 : vector<256x1xf32> to vector<256x2048xf32>
    %eq3A_382 = arith.cmpf oeq, %select_n3A_377, %eq3A_381 : vector<256x2048xf32>
    %jit3A_383 = arith.constant 2.048000e+03 : f32
    %broadcast_in_dim3A_384 = vector.broadcast %jit3A_383 : f32 to vector<256x2048xf32>
    %select_n3A_385 = arith.select %eq3A_382, %convert_element_type3A, %broadcast_in_dim3A_384 : vector<256x2048xi1>, vector<256x2048xf32>
    %reduce_min3A_386 = arith.constant dense<0x7F800000> : vector<256xf32>
    %reduce_min3A_387 = vector.multi_reduction <minimumf>, %select_n3A_385, %reduce_min3A_386 [1] : vector<256x2048xf32> to vector<256xf32>
    %convert_element_type3A_388 = arith.fptosi %reduce_min3A_387 : vector<256xf32> to vector<256xi32>
    %mul3A_389 = arith.constant 2048 : i32
    %mul3A_390 = arith.muli %arg0, %mul3A_389 : i32
    %add3A_391 = vector.broadcast %mul3A_390 : i32 to vector<256xi32>
    %add3A_392 = arith.addi %convert_element_type3A_388, %add3A_391 : vector<256xi32>
    %broadcast_in_dim3A_393 = vector.shape_cast %reduce_min3A_387 : vector<256xf32> to vector<256x1xf32>
    %eq3A_394 = vector.broadcast %broadcast_in_dim3A_393 : vector<256x1xf32> to vector<256x2048xf32>
    %eq3A_395 = arith.cmpf oeq, %convert_element_type3A, %eq3A_394 : vector<256x2048xf32>
    %jit3A_396 = arith.constant 0xFF800000 : f32
    %broadcast_in_dim3A_397 = vector.broadcast %jit3A_396 : f32 to vector<256x2048xf32>
    %select_n3A_398 = arith.select %eq3A_395, %broadcast_in_dim3A_397, %select_n3A_377 : vector<256x2048xi1>, vector<256x2048xf32>
    %reduce_max3A_399 = arith.constant dense<0xFF800000> : vector<256xf32>
    %reduce_max3A_400 = vector.multi_reduction <maximumf>, %select_n3A_398, %reduce_max3A_399 [1] : vector<256x2048xf32> to vector<256xf32>
    %broadcast_in_dim3A_401 = vector.shape_cast %reduce_max3A_400 : vector<256xf32> to vector<256x1xf32>
    %eq3A_402 = vector.broadcast %broadcast_in_dim3A_401 : vector<256x1xf32> to vector<256x2048xf32>
    %eq3A_403 = arith.cmpf oeq, %select_n3A_398, %eq3A_402 : vector<256x2048xf32>
    %jit3A_404 = arith.constant 2.048000e+03 : f32
    %broadcast_in_dim3A_405 = vector.broadcast %jit3A_404 : f32 to vector<256x2048xf32>
    %select_n3A_406 = arith.select %eq3A_403, %convert_element_type3A, %broadcast_in_dim3A_405 : vector<256x2048xi1>, vector<256x2048xf32>
    %reduce_min3A_407 = arith.constant dense<0x7F800000> : vector<256xf32>
    %reduce_min3A_408 = vector.multi_reduction <minimumf>, %select_n3A_406, %reduce_min3A_407 [1] : vector<256x2048xf32> to vector<256xf32>
    %convert_element_type3A_409 = arith.fptosi %reduce_min3A_408 : vector<256xf32> to vector<256xi32>
    %mul3A_410 = arith.constant 2048 : i32
    %mul3A_411 = arith.muli %arg0, %mul3A_410 : i32
    %add3A_412 = vector.broadcast %mul3A_411 : i32 to vector<256xi32>
    %add3A_413 = arith.addi %convert_element_type3A_409, %add3A_412 : vector<256xi32>
    %broadcast_in_dim3A_414 = vector.shape_cast %reduce_min3A_408 : vector<256xf32> to vector<256x1xf32>
    %eq3A_415 = vector.broadcast %broadcast_in_dim3A_414 : vector<256x1xf32> to vector<256x2048xf32>
    %eq3A_416 = arith.cmpf oeq, %convert_element_type3A, %eq3A_415 : vector<256x2048xf32>
    %jit3A_417 = arith.constant 0xFF800000 : f32
    %broadcast_in_dim3A_418 = vector.broadcast %jit3A_417 : f32 to vector<256x2048xf32>
    %select_n3A_419 = arith.select %eq3A_416, %broadcast_in_dim3A_418, %select_n3A_398 : vector<256x2048xi1>, vector<256x2048xf32>
    %reduce_max3A_420 = arith.constant dense<0xFF800000> : vector<256xf32>
    %reduce_max3A_421 = vector.multi_reduction <maximumf>, %select_n3A_419, %reduce_max3A_420 [1] : vector<256x2048xf32> to vector<256xf32>
    %broadcast_in_dim3A_422 = vector.shape_cast %reduce_max3A_421 : vector<256xf32> to vector<256x1xf32>
    %eq3A_423 = vector.broadcast %broadcast_in_dim3A_422 : vector<256x1xf32> to vector<256x2048xf32>
    %eq3A_424 = arith.cmpf oeq, %select_n3A_419, %eq3A_423 : vector<256x2048xf32>
    %jit3A_425 = arith.constant 2.048000e+03 : f32
    %broadcast_in_dim3A_426 = vector.broadcast %jit3A_425 : f32 to vector<256x2048xf32>
    %select_n3A_427 = arith.select %eq3A_424, %convert_element_type3A, %broadcast_in_dim3A_426 : vector<256x2048xi1>, vector<256x2048xf32>
    %reduce_min3A_428 = arith.constant dense<0x7F800000> : vector<256xf32>
    %reduce_min3A_429 = vector.multi_reduction <minimumf>, %select_n3A_427, %reduce_min3A_428 [1] : vector<256x2048xf32> to vector<256xf32>
    %convert_element_type3A_430 = arith.fptosi %reduce_min3A_429 : vector<256xf32> to vector<256xi32>
    %mul3A_431 = arith.constant 2048 : i32
    %mul3A_432 = arith.muli %arg0, %mul3A_431 : i32
    %add3A_433 = vector.broadcast %mul3A_432 : i32 to vector<256xi32>
    %add3A_434 = arith.addi %convert_element_type3A_430, %add3A_433 : vector<256xi32>
    %stack3A = vector.shape_cast %add3A_35 : vector<256xi32> to vector<256x1xi32>
    %stack3A_435 = vector.shape_cast %add3A_56 : vector<256xi32> to vector<256x1xi32>
    %stack3A_436 = vector.shape_cast %add3A_77 : vector<256xi32> to vector<256x1xi32>
    %stack3A_437 = vector.shape_cast %add3A_98 : vector<256xi32> to vector<256x1xi32>
    %stack3A_438 = vector.shape_cast %add3A_119 : vector<256xi32> to vector<256x1xi32>
    %stack3A_439 = vector.shape_cast %add3A_140 : vector<256xi32> to vector<256x1xi32>
    %stack3A_440 = vector.shape_cast %add3A_161 : vector<256xi32> to vector<256x1xi32>
    %stack3A_441 = vector.shape_cast %add3A_182 : vector<256xi32> to vector<256x1xi32>
    %stack3A_442 = vector.shape_cast %add3A_203 : vector<256xi32> to vector<256x1xi32>
    %stack3A_443 = vector.shape_cast %add3A_224 : vector<256xi32> to vector<256x1xi32>
    %stack3A_444 = vector.shape_cast %add3A_245 : vector<256xi32> to vector<256x1xi32>
    %stack3A_445 = vector.shape_cast %add3A_266 : vector<256xi32> to vector<256x1xi32>
    %stack3A_446 = vector.shape_cast %add3A_287 : vector<256xi32> to vector<256x1xi32>
    %stack3A_447 = vector.shape_cast %add3A_308 : vector<256xi32> to vector<256x1xi32>
    %stack3A_448 = vector.shape_cast %add3A_329 : vector<256xi32> to vector<256x1xi32>
    %stack3A_449 = vector.shape_cast %add3A_350 : vector<256xi32> to vector<256x1xi32>
    %stack3A_450 = vector.shape_cast %add3A_371 : vector<256xi32> to vector<256x1xi32>
    %stack3A_451 = vector.shape_cast %add3A_392 : vector<256xi32> to vector<256x1xi32>
    %stack3A_452 = vector.shape_cast %add3A_413 : vector<256xi32> to vector<256x1xi32>
    %stack3A_453 = vector.shape_cast %add3A_434 : vector<256xi32> to vector<256x1xi32>
    %stack3A_454 = tpu.concatenate %stack3A, %stack3A_435, %stack3A_436, %stack3A_437, %stack3A_438, %stack3A_439, %stack3A_440, %stack3A_441, %stack3A_442, %stack3A_443, %stack3A_444, %stack3A_445, %stack3A_446, %stack3A_447, %stack3A_448, %stack3A_449, %stack3A_450, %stack3A_451, %stack3A_452, %stack3A_453 in 1 : vector<256x1xi32>, vector<256x1xi32>, vector<256x1xi32>, vector<256x1xi32>, vector<256x1xi32>, vector<256x1xi32>, vector<256x1xi32>, vector<256x1xi32>, vector<256x1xi32>, vector<256x1xi32>, vector<256x1xi32>, vector<256x1xi32>, vector<256x1xi32>, vector<256x1xi32>, vector<256x1xi32>, vector<256x1xi32>, vector<256x1xi32>, vector<256x1xi32>, vector<256x1xi32>, vector<256x1xi32> -> vector<256x20xi32>
    %swap3A = arith.constant 0 : index
    %swap3A_455 = arith.constant 0 : index
    %swap3A_456 = arith.constant 0 : index
    %swap3A_457 = vector.load %arg6[%swap3A, %swap3A_455, %swap3A_456] : memref<1x256x20xi32, #tpu.memory_space<vmem>>, vector<1x256x20xi32>
    %swap3A_458 = vector.shape_cast %swap3A_457 : vector<1x256x20xi32> to vector<256x20xi32>
    %swap3A_459 = vector.shape_cast %stack3A_454 : vector<256x20xi32> to vector<1x256x20xi32>
    tpu.vector_store %arg6[%swap3A, %swap3A_455, %swap3A_456], %swap3A_459 {strides = array<i32>} : memref<1x256x20xi32, #tpu.memory_space<vmem>>, vector<1x256x20xi32>,
    return
  }
  func.func @transform_0(%arg0: i32, %arg1: i32) -> (i32, i32, i32) {
    %c0_i32 = arith.constant 0 : i32
    %c0_i32_0 = arith.constant 0 : i32
    return %arg0, %arg1, %c0_i32 : i32, i32, i32
  }
  func.func @transform_1(%arg0: i32, %arg1: i32) -> (i32, i32, i32) {
    %c0_i32 = arith.constant 0 : i32
    %c0_i32_0 = arith.constant 0 : i32
    %c0_i32_1 = arith.constant 0 : i32
    return %arg0, %c0_i32, %c0_i32_0 : i32, i32, i32
  }
  func.func @transform_2(%arg0: i32, %arg1: i32) -> (i32, i32, i32) {
    %c0_i32 = arith.constant 0 : i32
    %c0_i32_0 = arith.constant 0 : i32
    return %arg0, %arg1, %c0_i32 : i32, i32, i32
  }
  func.func @transform_3(%arg0: i32, %arg1: i32) -> (i32, i32, i32) {
    %c0_i32 = arith.constant 0 : i32
    %c0_i32_0 = arith.constant 0 : i32
    %c0_i32_1 = arith.constant 0 : i32
    return %arg0, %c0_i32, %c0_i32_0 : i32, i32, i32
  }
  func.func @transform_4(%arg0: i32, %arg1: i32) -> (i32, i32, i32) {
    %c0_i32 = arith.constant 0 : i32
    %c0_i32_0 = arith.constant 0 : i32
    return %arg0, %arg1, %c0_i32 : i32, i32, i32
  }
}

module attributes {stable_mosaic.version = 14 : i64} {
  func.func @_ef_kernel(%arg0: i32, %arg1: memref<128x5xf32, #tpu.memory_space<vmem>>, %arg2: memref<128x20x16xf32, #tpu.memory_space<vmem>>, %arg3: memref<10x32xf32, #tpu.memory_space<vmem>>, %arg4: memref<128x32xf32, #tpu.memory_space<vmem>>, %arg5: memref<2560x32xf32, #tpu.memory_space<vmem>>) attributes {dimension_semantics = [#tpu.dimension_semantics<arbitrary>], iteration_bounds = array<i64: 128>, scalar_prefetch = 0 : i64, scratch_operands = 0 : i64, tpu.core_type = #tpu.core_type<tc>, window_params = [{transform_indices = @transform_0, window_bounds = array<i64: 128, 5>}, {transform_indices = @transform_1, window_bounds = array<i64: 128, 20, 16>}, {pipeline_mode = #tpu.pipeline_mode<synchronous>, transform_indices = @transform_2, window_bounds = array<i64: 10, 32>}, {transform_indices = @transform_3, window_bounds = array<i64: 128, 32>}, {transform_indices = @transform_4, window_bounds = array<i64: 2560, 32>}]} {
    %get3A = arith.constant 0 : index
    %get3A_0 = arith.constant 0 : index
    %get3A_1 = vector.load %arg1[%get3A, %get3A_0] : memref<128x5xf32, #tpu.memory_space<vmem>>, vector<128x5xf32>
    %get3A_2 = arith.constant 0 : index
    %get3A_3 = arith.constant 0 : index
    %get3A_4 = arith.constant 0 : index
    %get3A_5 = vector.load %arg2[%get3A_2, %get3A_3, %get3A_4] : memref<128x20x16xf32, #tpu.memory_space<vmem>>, vector<128x20x16xf32>
    %reshape3A = vector.shape_cast %get3A_5 : vector<128x20x16xf32> to vector<2560x16xf32>
    %slice3A = vector.extract_strided_slice %reshape3A {offsets = [0, 0], sizes = [2560, 5], strides = [1, 1]} : vector<2560x16xf32> to vector<2560x5xf32>
    %broadcast_in_dim3A = vector.shape_cast %get3A_1 : vector<128x5xf32> to vector<128x1x5xf32>
    %broadcast_in_dim3A_6 = vector.shape_cast %broadcast_in_dim3A : vector<128x1x5xf32> to vector<128x1x5xf32>
    %broadcast_in_dim3A_7 = vector.broadcast %broadcast_in_dim3A_6 : vector<128x1x5xf32> to vector<128x20x5xf32>
    %reshape3A_8 = vector.shape_cast %broadcast_in_dim3A_7 : vector<128x20x5xf32> to vector<2560x5xf32>
    %sub3A = arith.subf %slice3A, %reshape3A_8 : vector<2560x5xf32>
    %concatenate3A = tpu.concatenate %reshape3A_8, %sub3A in 1 : vector<2560x5xf32>, vector<2560x5xf32> -> vector<2560x10xf32>
    %get3A_9 = arith.constant 0 : index
    %get3A_10 = arith.constant 0 : index
    %get3A_11 = vector.load %arg3[%get3A_9, %get3A_10] : memref<10x32xf32, #tpu.memory_space<vmem>>, vector<10x32xf32>
    %dot_general3A = arith.constant dense<0.000000e+00> : vector<2560x32xf32>
    %dot_general3A_12 = tpu.matmul %concatenate3A, %get3A_11, %dot_general3A {dimension_numbers = #tpu.dot_dimension_numbers<[1], [0], [0], [1], [0, 0, 1, 1], [], []>, transpose_lhs_hint = false} : vector<2560x10xf32>, vector<10x32xf32>, vector<2560x32xf32> -> vector<2560x32xf32>
    %reshape3A_13 = vector.shape_cast %dot_general3A_12 : vector<2560x32xf32> to vector<128x20x32xf32>
    %reduce_max3A = arith.constant dense<0xFF800000> : vector<128x32xf32>
    %reduce_max3A_14 = vector.multi_reduction <maximumf>, %reshape3A_13, %reduce_max3A [1] : vector<128x20x32xf32> to vector<128x32xf32>
    %swap3A = arith.constant 0 : index
    %swap3A_15 = arith.constant 0 : index
    %swap3A_16 = vector.load %arg4[%swap3A, %swap3A_15] : memref<128x32xf32, #tpu.memory_space<vmem>>, vector<128x32xf32>
    tpu.vector_store %arg4[%swap3A, %swap3A_15], %reduce_max3A_14 {strides = array<i32>} : memref<128x32xf32, #tpu.memory_space<vmem>>, vector<128x32xf32>,
    %swap3A_17 = arith.constant 0 : index
    %swap3A_18 = arith.constant 0 : index
    %swap3A_19 = vector.load %arg5[%swap3A_17, %swap3A_18] : memref<2560x32xf32, #tpu.memory_space<vmem>>, vector<2560x32xf32>
    tpu.vector_store %arg5[%swap3A_17, %swap3A_18], %dot_general3A_12 {strides = array<i32>} : memref<2560x32xf32, #tpu.memory_space<vmem>>, vector<2560x32xf32>,
    return
  }
  func.func @transform_0(%arg0: i32) -> (i32, i32) {
    %c0_i32 = arith.constant 0 : i32
    %c0_i32_0 = arith.constant 0 : i32
    return %arg0, %c0_i32 : i32, i32
  }
  func.func @transform_1(%arg0: i32) -> (i32, i32, i32) {
    %c0_i32 = arith.constant 0 : i32
    %c0_i32_0 = arith.constant 0 : i32
    %c0_i32_1 = arith.constant 0 : i32
    return %arg0, %c0_i32, %c0_i32_0 : i32, i32, i32
  }
  func.func @transform_2(%arg0: i32) -> (i32, i32) {
    %c0_i32 = arith.constant 0 : i32
    %c0_i32_0 = arith.constant 0 : i32
    %c0_i32_1 = arith.constant 0 : i32
    return %c0_i32, %c0_i32_0 : i32, i32
  }
  func.func @transform_3(%arg0: i32) -> (i32, i32) {
    %c0_i32 = arith.constant 0 : i32
    %c0_i32_0 = arith.constant 0 : i32
    return %arg0, %c0_i32 : i32, i32
  }
  func.func @transform_4(%arg0: i32) -> (i32, i32) {
    %c0_i32 = arith.constant 0 : i32
    %c0_i32_0 = arith.constant 0 : i32
    return %arg0, %c0_i32 : i32, i32
  }
}

module attributes {stable_mosaic.version = 14 : i64} {
  func.func @_f1_kernel(%arg0: i32, %arg1: memref<1024x32xf32, #tpu.memory_space<vmem>>, %arg2: memref<1x32xf32, #tpu.memory_space<vmem>>, %arg3: memref<1x32xf32, #tpu.memory_space<vmem>>, %arg4: memref<32x64xf32, #tpu.memory_space<vmem>>, %arg5: memref<1x32xf32, #tpu.memory_space<vmem>>, %arg6: memref<1x32xf32, #tpu.memory_space<vmem>>, %arg7: memref<1024x32xf32, #tpu.memory_space<vmem>>, %arg8: memref<1024x64xf32, #tpu.memory_space<vmem>>, %arg9: memref<8x64xf32, #tpu.memory_space<vmem>>) attributes {dimension_semantics = [#tpu.dimension_semantics<arbitrary>], iteration_bounds = array<i64: 16>, scalar_prefetch = 0 : i64, scratch_operands = 0 : i64, tpu.core_type = #tpu.core_type<tc>, window_params = [{transform_indices = @transform_0, window_bounds = array<i64: 1024, 32>}, {pipeline_mode = #tpu.pipeline_mode<synchronous>, transform_indices = @transform_1, window_bounds = array<i64: 1, 32>}, {pipeline_mode = #tpu.pipeline_mode<synchronous>, transform_indices = @transform_2, window_bounds = array<i64: 1, 32>}, {pipeline_mode = #tpu.pipeline_mode<synchronous>, transform_indices = @transform_3, window_bounds = array<i64: 32, 64>}, {pipeline_mode = #tpu.pipeline_mode<synchronous>, transform_indices = @transform_4, window_bounds = array<i64: 1, 32>}, {pipeline_mode = #tpu.pipeline_mode<synchronous>, transform_indices = @transform_5, window_bounds = array<i64: 1, 32>}, {transform_indices = @transform_6, window_bounds = array<i64: 1024, 32>}, {transform_indices = @transform_7, window_bounds = array<i64: 1024, 64>}, {pipeline_mode = #tpu.pipeline_mode<synchronous>, transform_indices = @transform_8, window_bounds = array<i64: 8, 64>}]} {
    %get3A = arith.constant 0 : index
    %get3A_0 = arith.constant 0 : index
    %get3A_1 = vector.load %arg1[%get3A, %get3A_0] : memref<1024x32xf32, #tpu.memory_space<vmem>>, vector<1024x32xf32>
    %get3A_2 = arith.constant 0 : index
    %get3A_3 = arith.constant 0 : index
    %get3A_4 = vector.load %arg2[%get3A_2, %get3A_3] : memref<1x32xf32, #tpu.memory_space<vmem>>, vector<1x32xf32>
    %sub3A = vector.broadcast %get3A_4 : vector<1x32xf32> to vector<1024x32xf32>
    %sub3A_5 = arith.subf %get3A_1, %sub3A : vector<1024x32xf32>
    %get3A_6 = arith.constant 0 : index
    %get3A_7 = arith.constant 0 : index
    %get3A_8 = vector.load %arg3[%get3A_6, %get3A_7] : memref<1x32xf32, #tpu.memory_space<vmem>>, vector<1x32xf32>
    %add3A = arith.constant 9.99999974E-6 : f32
    %add3A_9 = vector.broadcast %add3A : f32 to vector<1x32xf32>
    %add3A_10 = arith.addf %get3A_8, %add3A_9 : vector<1x32xf32>
    %sqrt3A = math.sqrt %add3A_10 : vector<1x32xf32>
    %div3A = vector.broadcast %sqrt3A : vector<1x32xf32> to vector<1024x32xf32>
    %div3A_11 = arith.divf %sub3A_5, %div3A : vector<1024x32xf32>
    %get3A_12 = arith.constant 0 : index
    %get3A_13 = arith.constant 0 : index
    %get3A_14 = vector.load %arg5[%get3A_12, %get3A_13] : memref<1x32xf32, #tpu.memory_space<vmem>>, vector<1x32xf32>
    %mul3A = vector.broadcast %get3A_14 : vector<1x32xf32> to vector<1024x32xf32>
    %mul3A_15 = arith.mulf %div3A_11, %mul3A : vector<1024x32xf32>
    %get3A_16 = arith.constant 0 : index
    %get3A_17 = arith.constant 0 : index
    %get3A_18 = vector.load %arg6[%get3A_16, %get3A_17] : memref<1x32xf32, #tpu.memory_space<vmem>>, vector<1x32xf32>
    %add3A_19 = vector.broadcast %get3A_18 : vector<1x32xf32> to vector<1024x32xf32>
    %add3A_20 = arith.addf %mul3A_15, %add3A_19 : vector<1024x32xf32>
    %ge3A = arith.constant 0.000000e+00 : f32
    %ge3A_21 = vector.broadcast %ge3A : f32 to vector<1024x32xf32>
    %ge3A_22 = arith.cmpf oge, %add3A_20, %ge3A_21 : vector<1024x32xf32>
    %mul3A_23 = arith.constant 2.000000e-01 : f32
    %mul3A_24 = vector.broadcast %mul3A_23 : f32 to vector<1024x32xf32>
    %mul3A_25 = arith.mulf %mul3A_24, %add3A_20 : vector<1024x32xf32>
    %select_n3A = arith.select %ge3A_22, %add3A_20, %mul3A_25 : vector<1024x32xi1>, vector<1024x32xf32>
    %swap3A = arith.constant 0 : index
    %swap3A_26 = arith.constant 0 : index
    %swap3A_27 = vector.load %arg7[%swap3A, %swap3A_26] : memref<1024x32xf32, #tpu.memory_space<vmem>>, vector<1024x32xf32>
    tpu.vector_store %arg7[%swap3A, %swap3A_26], %select_n3A {strides = array<i32>} : memref<1024x32xf32, #tpu.memory_space<vmem>>, vector<1024x32xf32>,
    %get3A_28 = arith.constant 0 : index
    %get3A_29 = arith.constant 0 : index
    %get3A_30 = vector.load %arg4[%get3A_28, %get3A_29] : memref<32x64xf32, #tpu.memory_space<vmem>>, vector<32x64xf32>
    %dot_general3A = arith.constant dense<0.000000e+00> : vector<1024x64xf32>
    %dot_general3A_31 = tpu.matmul %select_n3A, %get3A_30, %dot_general3A {dimension_numbers = #tpu.dot_dimension_numbers<[1], [0], [0], [1], [0, 0, 1, 1], [], []>, transpose_lhs_hint = false} : vector<1024x32xf32>, vector<32x64xf32>, vector<1024x64xf32> -> vector<1024x64xf32>
    %swap3A_32 = arith.constant 0 : index
    %swap3A_33 = arith.constant 0 : index
    %swap3A_34 = vector.load %arg8[%swap3A_32, %swap3A_33] : memref<1024x64xf32, #tpu.memory_space<vmem>>, vector<1024x64xf32>
    tpu.vector_store %arg8[%swap3A_32, %swap3A_33], %dot_general3A_31 {strides = array<i32>} : memref<1024x64xf32, #tpu.memory_space<vmem>>, vector<1024x64xf32>,
    %broadcast_in_dim3A = arith.constant 0.000000e+00 : f32
    %broadcast_in_dim3A_35 = vector.broadcast %broadcast_in_dim3A : f32 to vector<64xf32>
    %reduce_sum3A = arith.constant dense<0.000000e+00> : vector<64xf32>
    %reduce_sum3A_36 = vector.multi_reduction <add>, %dot_general3A_31, %reduce_sum3A [0] : vector<1024x64xf32> to vector<64xf32>
    %mul3A_37 = arith.mulf %dot_general3A_31, %dot_general3A_31 : vector<1024x64xf32>
    %reduce_sum3A_38 = arith.constant dense<0.000000e+00> : vector<64xf32>
    %reduce_sum3A_39 = vector.multi_reduction <add>, %mul3A_37, %reduce_sum3A_38 [0] : vector<1024x64xf32> to vector<64xf32>
    %stack3A = vector.shape_cast %reduce_sum3A_36 : vector<64xf32> to vector<1x64xf32>
    %stack3A_40 = vector.shape_cast %reduce_sum3A_39 : vector<64xf32> to vector<1x64xf32>
    %stack3A_41 = vector.shape_cast %broadcast_in_dim3A_35 : vector<64xf32> to vector<1x64xf32>
    %stack3A_42 = vector.shape_cast %broadcast_in_dim3A_35 : vector<64xf32> to vector<1x64xf32>
    %stack3A_43 = vector.shape_cast %broadcast_in_dim3A_35 : vector<64xf32> to vector<1x64xf32>
    %stack3A_44 = vector.shape_cast %broadcast_in_dim3A_35 : vector<64xf32> to vector<1x64xf32>
    %stack3A_45 = vector.shape_cast %broadcast_in_dim3A_35 : vector<64xf32> to vector<1x64xf32>
    %stack3A_46 = vector.shape_cast %broadcast_in_dim3A_35 : vector<64xf32> to vector<1x64xf32>
    %stack3A_47 = tpu.concatenate %stack3A, %stack3A_40, %stack3A_41, %stack3A_42, %stack3A_43, %stack3A_44, %stack3A_45, %stack3A_46 in 0 : vector<1x64xf32>, vector<1x64xf32>, vector<1x64xf32>, vector<1x64xf32>, vector<1x64xf32>, vector<1x64xf32>, vector<1x64xf32>, vector<1x64xf32> -> vector<8x64xf32>
    %eq3A = arith.constant 0 : i32
    %eq3A_48 = arith.cmpi eq, %arg0, %eq3A : i32
    %convert_element_type3A = arith.extui %eq3A_48 : i1 to i32
    %cond3A = arith.constant 0 : i32
    %cond3A_49 = arith.cmpi ne, %convert_element_type3A, %cond3A : i32
    scf.if %cond3A_49 {
      %swap3A_54 = arith.constant 0 : index
      %swap3A_55 = arith.constant 0 : index
      %swap3A_56 = vector.load %arg9[%swap3A_54, %swap3A_55] : memref<8x64xf32, #tpu.memory_space<vmem>>, vector<8x64xf32>
      tpu.vector_store %arg9[%swap3A_54, %swap3A_55], %stack3A_47 {strides = array<i32>} : memref<8x64xf32, #tpu.memory_space<vmem>>, vector<8x64xf32>,
    } else {
    }
    %ne3A = arith.constant 0 : i32
    %ne3A_50 = arith.cmpi ne, %arg0, %ne3A : i32
    %convert_element_type3A_51 = arith.extui %ne3A_50 : i1 to i32
    %cond3A_52 = arith.constant 0 : i32
    %cond3A_53 = arith.cmpi ne, %convert_element_type3A_51, %cond3A_52 : i32
    scf.if %cond3A_53 {
      %get3A_54 = arith.constant 0 : index
      %get3A_55 = arith.constant 0 : index
      %get3A_56 = vector.load %arg9[%get3A_54, %get3A_55] : memref<8x64xf32, #tpu.memory_space<vmem>>, vector<8x64xf32>
      %add3A_57 = arith.addf %get3A_56, %stack3A_47 : vector<8x64xf32>
      %swap3A_58 = arith.constant 0 : index
      %swap3A_59 = arith.constant 0 : index
      %swap3A_60 = vector.load %arg9[%swap3A_58, %swap3A_59] : memref<8x64xf32, #tpu.memory_space<vmem>>, vector<8x64xf32>
      tpu.vector_store %arg9[%swap3A_58, %swap3A_59], %add3A_57 {strides = array<i32>} : memref<8x64xf32, #tpu.memory_space<vmem>>, vector<8x64xf32>,
    } else {
    }
    return
  }
  func.func @transform_0(%arg0: i32) -> (i32, i32) {
    %c0_i32 = arith.constant 0 : i32
    %c0_i32_0 = arith.constant 0 : i32
    return %arg0, %c0_i32 : i32, i32
  }
  func.func @transform_1(%arg0: i32) -> (i32, i32) {
    %c0_i32 = arith.constant 0 : i32
    %c0_i32_0 = arith.constant 0 : i32
    %c0_i32_1 = arith.constant 0 : i32
    return %c0_i32, %c0_i32_0 : i32, i32
  }
  func.func @transform_2(%arg0: i32) -> (i32, i32) {
    %c0_i32 = arith.constant 0 : i32
    %c0_i32_0 = arith.constant 0 : i32
    %c0_i32_1 = arith.constant 0 : i32
    return %c0_i32, %c0_i32_0 : i32, i32
  }
  func.func @transform_3(%arg0: i32) -> (i32, i32) {
    %c0_i32 = arith.constant 0 : i32
    %c0_i32_0 = arith.constant 0 : i32
    %c0_i32_1 = arith.constant 0 : i32
    return %c0_i32, %c0_i32_0 : i32, i32
  }
  func.func @transform_4(%arg0: i32) -> (i32, i32) {
    %c0_i32 = arith.constant 0 : i32
    %c0_i32_0 = arith.constant 0 : i32
    %c0_i32_1 = arith.constant 0 : i32
    return %c0_i32, %c0_i32_0 : i32, i32
  }
  func.func @transform_5(%arg0: i32) -> (i32, i32) {
    %c0_i32 = arith.constant 0 : i32
    %c0_i32_0 = arith.constant 0 : i32
    %c0_i32_1 = arith.constant 0 : i32
    return %c0_i32, %c0_i32_0 : i32, i32
  }
  func.func @transform_6(%arg0: i32) -> (i32, i32) {
    %c0_i32 = arith.constant 0 : i32
    %c0_i32_0 = arith.constant 0 : i32
    return %arg0, %c0_i32 : i32, i32
  }
  func.func @transform_7(%arg0: i32) -> (i32, i32) {
    %c0_i32 = arith.constant 0 : i32
    %c0_i32_0 = arith.constant 0 : i32
    return %arg0, %c0_i32 : i32, i32
  }
  func.func @transform_8(%arg0: i32) -> (i32, i32) {
    %c0_i32 = arith.constant 0 : i32
    %c0_i32_0 = arith.constant 0 : i32
    %c0_i32_1 = arith.constant 0 : i32
    return %c0_i32, %c0_i32_0 : i32, i32
  }
}

module attributes {stable_mosaic.version = 14 : i64} {
  func.func @_topk_idx_kernel(%arg0: i32, %arg1: i32, %arg2: memref<1x256x32xf32, #tpu.memory_space<vmem>>, %arg3: memref<1x32x2048xf32, #tpu.memory_space<vmem>>, %arg4: memref<1x256x1xf32, #tpu.memory_space<vmem>>, %arg5: memref<1x1x2048xf32, #tpu.memory_space<vmem>>, %arg6: memref<1x256x20xi32, #tpu.memory_space<vmem>>) attributes {dimension_semantics = [#tpu.dimension_semantics<arbitrary>, #tpu.dimension_semantics<arbitrary>], iteration_bounds = array<i64: 8, 8>, scalar_prefetch = 0 : i64, scratch_operands = 0 : i64, tpu.core_type = #tpu.core_type<tc>, window_params = [{transform_indices = @transform_0, window_bounds = array<i64: 1, 256, 32>}, {transform_indices = @transform_1, window_bounds = array<i64: 1, 32, 2048>}, {transform_indices = @transform_2, window_bounds = array<i64: 1, 256, 1>}, {transform_indices = @transform_3, window_bounds = array<i64: 1, 1, 2048>}, {transform_indices = @transform_4, window_bounds = array<i64: 1, 256, 20>}]} {
    %get3A = arith.constant 0 : index
    %get3A_0 = arith.constant 0 : index
    %get3A_1 = arith.constant 0 : index
    %get3A_2 = vector.load %arg2[%get3A, %get3A_0, %get3A_1] : memref<1x256x32xf32, #tpu.memory_space<vmem>>, vector<1x256x32xf32>
    %get3A_3 = vector.shape_cast %get3A_2 : vector<1x256x32xf32> to vector<256x32xf32>
    %get3A_4 = arith.constant 0 : index
    %get3A_5 = arith.constant 0 : index
    %get3A_6 = arith.constant 0 : index
    %get3A_7 = vector.load %arg3[%get3A_4, %get3A_5, %get3A_6] : memref<1x32x2048xf32, #tpu.memory_space<vmem>>, vector<1x32x2048xf32>
    %get3A_8 = vector.shape_cast %get3A_7 : vector<1x32x2048xf32> to vector<32x2048xf32>
    %get3A_9 = arith.constant 0 : index
    %get3A_10 = arith.constant 0 : index
    %get3A_11 = arith.constant 0 : index
    %get3A_12 = vector.load %arg4[%get3A_9, %get3A_10, %get3A_11] : memref<1x256x1xf32, #tpu.memory_space<vmem>>, vector<1x256x1xf32>
    %get3A_13 = vector.shape_cast %get3A_12 : vector<1x256x1xf32> to vector<256xf32>
    %broadcast_in_dim3A = vector.shape_cast %get3A_13 : vector<256xf32> to vector<256x1xf32>
    %get3A_14 = arith.constant 0 : index
    %get3A_15 = arith.constant 0 : index
    %get3A_16 = arith.constant 0 : index
    %get3A_17 = vector.load %arg5[%get3A_14, %get3A_15, %get3A_16] : memref<1x1x2048xf32, #tpu.memory_space<vmem>>, vector<1x1x2048xf32>
    %get3A_18 = vector.shape_cast %get3A_17 : vector<1x1x2048xf32> to vector<1x2048xf32>
    %dot_general3A = arith.constant dense<0.000000e+00> : vector<256x2048xf32>
    %dot_general3A_19 = tpu.matmul %get3A_3, %get3A_8, %dot_general3A {dimension_numbers = #tpu.dot_dimension_numbers<[1], [0], [0], [1], [0, 0, 1, 1], [], []>, transpose_lhs_hint = false} : vector<256x32xf32>, vector<32x2048xf32>, vector<256x2048xf32> -> vector<256x2048xf32>
    %mul3A = arith.constant -2.000000e+00 : f32
    %mul3A_20 = vector.broadcast %mul3A : f32 to vector<256x2048xf32>
    %mul3A_21 = arith.mulf %mul3A_20, %dot_general3A_19 : vector<256x2048xf32>
    %neg3A = arith.constant 0.000000e+00 : f32
    %neg3A_22 = vector.broadcast %neg3A : f32 to vector<256x1xf32>
    %neg3A_23 = arith.subf %neg3A_22, %broadcast_in_dim3A : vector<256x1xf32>
    %sub3A = vector.broadcast %neg3A_23 : vector<256x1xf32> to vector<256x2048xf32>
    %sub3A_24 = arith.subf %sub3A, %mul3A_21 : vector<256x2048xf32>
    %sub3A_25 = vector.broadcast %get3A_18 : vector<1x2048xf32> to vector<256x2048xf32>
    %sub3A_26 = arith.subf %sub3A_24, %sub3A_25 : vector<256x2048xf32>
    %iota3A = tpu.iota {dimensions = array<i32: 1>} : vector<256x2048xi32>
    %convert_element_type3A = arith.sitofp %iota3A : vector<256x2048xi32> to vector<256x2048xf32>
    %reduce_max3A = arith.constant dense<0xFF800000> : vector<256xf32>
    %reduce_max3A_27 = vector.multi_reduction <maximumf>, %sub3A_26, %reduce_max3A [1] : vector<256x2048xf32> to vector<256xf32>
    %broadcast_in_dim3A_28 = vector.shape_cast %reduce_max3A_27 : vector<256xf32> to vector<256x1xf32>
    %eq3A = vector.broadcast %broadcast_in_dim3A_28 : vector<256x1xf32> to vector<256x2048xf32>
    %eq3A_29 = arith.cmpf oeq, %sub3A_26, %eq3A : vector<256x2048xf32>
    %jit3A = arith.constant 2.048000e+03 : f32
    %broadcast_in_dim3A_30 = vector.broadcast %jit3A : f32 to vector<256x2048xf32>
    %select_n3A = arith.select %eq3A_29, %convert_element_type3A, %broadcast_in_dim3A_30 : vector<256x2048xi1>, vector<256x2048xf32>
    %reduce_min3A = arith.constant dense<0x7F800000> : vector<256xf32>
    %reduce_min3A_31 = vector.multi_reduction <minimumf>, %select_n3A, %reduce_min3A [1] : vector<256x2048xf32> to vector<256xf32>
    %convert_element_type3A_32 = arith.fptosi %reduce_min3A_31 : vector<256xf32> to vector<256xi32>
    %mul3A_33 = arith.constant 2048 : i32
    %mul3A_34 = arith.muli %arg0, %mul3A_33 : i32
    %add3A = vector.broadcast %mul3A_34 : i32 to vector<256xi32>
    %add3A_35 = arith.addi %convert_element_type3A_32, %add3A : vector<256xi32>
    %broadcast_in_dim3A_36 = vector.shape_cast %reduce_min3A_31 : vector<256xf32> to vector<256x1xf32>
    %eq3A_37 = vector.broadcast %broadcast_in_dim3A_36 : vector<256x1xf32> to vector<256x2048xf32>
    %eq3A_38 = arith.cmpf oeq, %convert_element_type3A, %eq3A_37 : vector<256x2048xf32>
    %jit3A_39 = arith.constant 0xFF800000 : f32
    %broadcast_in_dim3A_40 = vector.broadcast %jit3A_39 : f32 to vector<256x2048xf32>
    %select_n3A_41 = arith.select %eq3A_38, %broadcast_in_dim3A_40, %sub3A_26 : vector<256x2048xi1>, vector<256x2048xf32>
    %reduce_max3A_42 = arith.constant dense<0xFF800000> : vector<256xf32>
    %reduce_max3A_43 = vector.multi_reduction <maximumf>, %select_n3A_41, %reduce_max3A_42 [1] : vector<256x2048xf32> to vector<256xf32>
    %broadcast_in_dim3A_44 = vector.shape_cast %reduce_max3A_43 : vector<256xf32> to vector<256x1xf32>
    %eq3A_45 = vector.broadcast %broadcast_in_dim3A_44 : vector<256x1xf32> to vector<256x2048xf32>
    %eq3A_46 = arith.cmpf oeq, %select_n3A_41, %eq3A_45 : vector<256x2048xf32>
    %jit3A_47 = arith.constant 2.048000e+03 : f32
    %broadcast_in_dim3A_48 = vector.broadcast %jit3A_47 : f32 to vector<256x2048xf32>
    %select_n3A_49 = arith.select %eq3A_46, %convert_element_type3A, %broadcast_in_dim3A_48 : vector<256x2048xi1>, vector<256x2048xf32>
    %reduce_min3A_50 = arith.constant dense<0x7F800000> : vector<256xf32>
    %reduce_min3A_51 = vector.multi_reduction <minimumf>, %select_n3A_49, %reduce_min3A_50 [1] : vector<256x2048xf32> to vector<256xf32>
    %convert_element_type3A_52 = arith.fptosi %reduce_min3A_51 : vector<256xf32> to vector<256xi32>
    %mul3A_53 = arith.constant 2048 : i32
    %mul3A_54 = arith.muli %arg0, %mul3A_53 : i32
    %add3A_55 = vector.broadcast %mul3A_54 : i32 to vector<256xi32>
    %add3A_56 = arith.addi %convert_element_type3A_52, %add3A_55 : vector<256xi32>
    %broadcast_in_dim3A_57 = vector.shape_cast %reduce_min3A_51 : vector<256xf32> to vector<256x1xf32>
    %eq3A_58 = vector.broadcast %broadcast_in_dim3A_57 : vector<256x1xf32> to vector<256x2048xf32>
    %eq3A_59 = arith.cmpf oeq, %convert_element_type3A, %eq3A_58 : vector<256x2048xf32>
    %jit3A_60 = arith.constant 0xFF800000 : f32
    %broadcast_in_dim3A_61 = vector.broadcast %jit3A_60 : f32 to vector<256x2048xf32>
    %select_n3A_62 = arith.select %eq3A_59, %broadcast_in_dim3A_61, %select_n3A_41 : vector<256x2048xi1>, vector<256x2048xf32>
    %reduce_max3A_63 = arith.constant dense<0xFF800000> : vector<256xf32>
    %reduce_max3A_64 = vector.multi_reduction <maximumf>, %select_n3A_62, %reduce_max3A_63 [1] : vector<256x2048xf32> to vector<256xf32>
    %broadcast_in_dim3A_65 = vector.shape_cast %reduce_max3A_64 : vector<256xf32> to vector<256x1xf32>
    %eq3A_66 = vector.broadcast %broadcast_in_dim3A_65 : vector<256x1xf32> to vector<256x2048xf32>
    %eq3A_67 = arith.cmpf oeq, %select_n3A_62, %eq3A_66 : vector<256x2048xf32>
    %jit3A_68 = arith.constant 2.048000e+03 : f32
    %broadcast_in_dim3A_69 = vector.broadcast %jit3A_68 : f32 to vector<256x2048xf32>
    %select_n3A_70 = arith.select %eq3A_67, %convert_element_type3A, %broadcast_in_dim3A_69 : vector<256x2048xi1>, vector<256x2048xf32>
    %reduce_min3A_71 = arith.constant dense<0x7F800000> : vector<256xf32>
    %reduce_min3A_72 = vector.multi_reduction <minimumf>, %select_n3A_70, %reduce_min3A_71 [1] : vector<256x2048xf32> to vector<256xf32>
    %convert_element_type3A_73 = arith.fptosi %reduce_min3A_72 : vector<256xf32> to vector<256xi32>
    %mul3A_74 = arith.constant 2048 : i32
    %mul3A_75 = arith.muli %arg0, %mul3A_74 : i32
    %add3A_76 = vector.broadcast %mul3A_75 : i32 to vector<256xi32>
    %add3A_77 = arith.addi %convert_element_type3A_73, %add3A_76 : vector<256xi32>
    %broadcast_in_dim3A_78 = vector.shape_cast %reduce_min3A_72 : vector<256xf32> to vector<256x1xf32>
    %eq3A_79 = vector.broadcast %broadcast_in_dim3A_78 : vector<256x1xf32> to vector<256x2048xf32>
    %eq3A_80 = arith.cmpf oeq, %convert_element_type3A, %eq3A_79 : vector<256x2048xf32>
    %jit3A_81 = arith.constant 0xFF800000 : f32
    %broadcast_in_dim3A_82 = vector.broadcast %jit3A_81 : f32 to vector<256x2048xf32>
    %select_n3A_83 = arith.select %eq3A_80, %broadcast_in_dim3A_82, %select_n3A_62 : vector<256x2048xi1>, vector<256x2048xf32>
    %reduce_max3A_84 = arith.constant dense<0xFF800000> : vector<256xf32>
    %reduce_max3A_85 = vector.multi_reduction <maximumf>, %select_n3A_83, %reduce_max3A_84 [1] : vector<256x2048xf32> to vector<256xf32>
    %broadcast_in_dim3A_86 = vector.shape_cast %reduce_max3A_85 : vector<256xf32> to vector<256x1xf32>
    %eq3A_87 = vector.broadcast %broadcast_in_dim3A_86 : vector<256x1xf32> to vector<256x2048xf32>
    %eq3A_88 = arith.cmpf oeq, %select_n3A_83, %eq3A_87 : vector<256x2048xf32>
    %jit3A_89 = arith.constant 2.048000e+03 : f32
    %broadcast_in_dim3A_90 = vector.broadcast %jit3A_89 : f32 to vector<256x2048xf32>
    %select_n3A_91 = arith.select %eq3A_88, %convert_element_type3A, %broadcast_in_dim3A_90 : vector<256x2048xi1>, vector<256x2048xf32>
    %reduce_min3A_92 = arith.constant dense<0x7F800000> : vector<256xf32>
    %reduce_min3A_93 = vector.multi_reduction <minimumf>, %select_n3A_91, %reduce_min3A_92 [1] : vector<256x2048xf32> to vector<256xf32>
    %convert_element_type3A_94 = arith.fptosi %reduce_min3A_93 : vector<256xf32> to vector<256xi32>
    %mul3A_95 = arith.constant 2048 : i32
    %mul3A_96 = arith.muli %arg0, %mul3A_95 : i32
    %add3A_97 = vector.broadcast %mul3A_96 : i32 to vector<256xi32>
    %add3A_98 = arith.addi %convert_element_type3A_94, %add3A_97 : vector<256xi32>
    %broadcast_in_dim3A_99 = vector.shape_cast %reduce_min3A_93 : vector<256xf32> to vector<256x1xf32>
    %eq3A_100 = vector.broadcast %broadcast_in_dim3A_99 : vector<256x1xf32> to vector<256x2048xf32>
    %eq3A_101 = arith.cmpf oeq, %convert_element_type3A, %eq3A_100 : vector<256x2048xf32>
    %jit3A_102 = arith.constant 0xFF800000 : f32
    %broadcast_in_dim3A_103 = vector.broadcast %jit3A_102 : f32 to vector<256x2048xf32>
    %select_n3A_104 = arith.select %eq3A_101, %broadcast_in_dim3A_103, %select_n3A_83 : vector<256x2048xi1>, vector<256x2048xf32>
    %reduce_max3A_105 = arith.constant dense<0xFF800000> : vector<256xf32>
    %reduce_max3A_106 = vector.multi_reduction <maximumf>, %select_n3A_104, %reduce_max3A_105 [1] : vector<256x2048xf32> to vector<256xf32>
    %broadcast_in_dim3A_107 = vector.shape_cast %reduce_max3A_106 : vector<256xf32> to vector<256x1xf32>
    %eq3A_108 = vector.broadcast %broadcast_in_dim3A_107 : vector<256x1xf32> to vector<256x2048xf32>
    %eq3A_109 = arith.cmpf oeq, %select_n3A_104, %eq3A_108 : vector<256x2048xf32>
    %jit3A_110 = arith.constant 2.048000e+03 : f32
    %broadcast_in_dim3A_111 = vector.broadcast %jit3A_110 : f32 to vector<256x2048xf32>
    %select_n3A_112 = arith.select %eq3A_109, %convert_element_type3A, %broadcast_in_dim3A_111 : vector<256x2048xi1>, vector<256x2048xf32>
    %reduce_min3A_113 = arith.constant dense<0x7F800000> : vector<256xf32>
    %reduce_min3A_114 = vector.multi_reduction <minimumf>, %select_n3A_112, %reduce_min3A_113 [1] : vector<256x2048xf32> to vector<256xf32>
    %convert_element_type3A_115 = arith.fptosi %reduce_min3A_114 : vector<256xf32> to vector<256xi32>
    %mul3A_116 = arith.constant 2048 : i32
    %mul3A_117 = arith.muli %arg0, %mul3A_116 : i32
    %add3A_118 = vector.broadcast %mul3A_117 : i32 to vector<256xi32>
    %add3A_119 = arith.addi %convert_element_type3A_115, %add3A_118 : vector<256xi32>
    %broadcast_in_dim3A_120 = vector.shape_cast %reduce_min3A_114 : vector<256xf32> to vector<256x1xf32>
    %eq3A_121 = vector.broadcast %broadcast_in_dim3A_120 : vector<256x1xf32> to vector<256x2048xf32>
    %eq3A_122 = arith.cmpf oeq, %convert_element_type3A, %eq3A_121 : vector<256x2048xf32>
    %jit3A_123 = arith.constant 0xFF800000 : f32
    %broadcast_in_dim3A_124 = vector.broadcast %jit3A_123 : f32 to vector<256x2048xf32>
    %select_n3A_125 = arith.select %eq3A_122, %broadcast_in_dim3A_124, %select_n3A_104 : vector<256x2048xi1>, vector<256x2048xf32>
    %reduce_max3A_126 = arith.constant dense<0xFF800000> : vector<256xf32>
    %reduce_max3A_127 = vector.multi_reduction <maximumf>, %select_n3A_125, %reduce_max3A_126 [1] : vector<256x2048xf32> to vector<256xf32>
    %broadcast_in_dim3A_128 = vector.shape_cast %reduce_max3A_127 : vector<256xf32> to vector<256x1xf32>
    %eq3A_129 = vector.broadcast %broadcast_in_dim3A_128 : vector<256x1xf32> to vector<256x2048xf32>
    %eq3A_130 = arith.cmpf oeq, %select_n3A_125, %eq3A_129 : vector<256x2048xf32>
    %jit3A_131 = arith.constant 2.048000e+03 : f32
    %broadcast_in_dim3A_132 = vector.broadcast %jit3A_131 : f32 to vector<256x2048xf32>
    %select_n3A_133 = arith.select %eq3A_130, %convert_element_type3A, %broadcast_in_dim3A_132 : vector<256x2048xi1>, vector<256x2048xf32>
    %reduce_min3A_134 = arith.constant dense<0x7F800000> : vector<256xf32>
    %reduce_min3A_135 = vector.multi_reduction <minimumf>, %select_n3A_133, %reduce_min3A_134 [1] : vector<256x2048xf32> to vector<256xf32>
    %convert_element_type3A_136 = arith.fptosi %reduce_min3A_135 : vector<256xf32> to vector<256xi32>
    %mul3A_137 = arith.constant 2048 : i32
    %mul3A_138 = arith.muli %arg0, %mul3A_137 : i32
    %add3A_139 = vector.broadcast %mul3A_138 : i32 to vector<256xi32>
    %add3A_140 = arith.addi %convert_element_type3A_136, %add3A_139 : vector<256xi32>
    %broadcast_in_dim3A_141 = vector.shape_cast %reduce_min3A_135 : vector<256xf32> to vector<256x1xf32>
    %eq3A_142 = vector.broadcast %broadcast_in_dim3A_141 : vector<256x1xf32> to vector<256x2048xf32>
    %eq3A_143 = arith.cmpf oeq, %convert_element_type3A, %eq3A_142 : vector<256x2048xf32>
    %jit3A_144 = arith.constant 0xFF800000 : f32
    %broadcast_in_dim3A_145 = vector.broadcast %jit3A_144 : f32 to vector<256x2048xf32>
    %select_n3A_146 = arith.select %eq3A_143, %broadcast_in_dim3A_145, %select_n3A_125 : vector<256x2048xi1>, vector<256x2048xf32>
    %reduce_max3A_147 = arith.constant dense<0xFF800000> : vector<256xf32>
    %reduce_max3A_148 = vector.multi_reduction <maximumf>, %select_n3A_146, %reduce_max3A_147 [1] : vector<256x2048xf32> to vector<256xf32>
    %broadcast_in_dim3A_149 = vector.shape_cast %reduce_max3A_148 : vector<256xf32> to vector<256x1xf32>
    %eq3A_150 = vector.broadcast %broadcast_in_dim3A_149 : vector<256x1xf32> to vector<256x2048xf32>
    %eq3A_151 = arith.cmpf oeq, %select_n3A_146, %eq3A_150 : vector<256x2048xf32>
    %jit3A_152 = arith.constant 2.048000e+03 : f32
    %broadcast_in_dim3A_153 = vector.broadcast %jit3A_152 : f32 to vector<256x2048xf32>
    %select_n3A_154 = arith.select %eq3A_151, %convert_element_type3A, %broadcast_in_dim3A_153 : vector<256x2048xi1>, vector<256x2048xf32>
    %reduce_min3A_155 = arith.constant dense<0x7F800000> : vector<256xf32>
    %reduce_min3A_156 = vector.multi_reduction <minimumf>, %select_n3A_154, %reduce_min3A_155 [1] : vector<256x2048xf32> to vector<256xf32>
    %convert_element_type3A_157 = arith.fptosi %reduce_min3A_156 : vector<256xf32> to vector<256xi32>
    %mul3A_158 = arith.constant 2048 : i32
    %mul3A_159 = arith.muli %arg0, %mul3A_158 : i32
    %add3A_160 = vector.broadcast %mul3A_159 : i32 to vector<256xi32>
    %add3A_161 = arith.addi %convert_element_type3A_157, %add3A_160 : vector<256xi32>
    %broadcast_in_dim3A_162 = vector.shape_cast %reduce_min3A_156 : vector<256xf32> to vector<256x1xf32>
    %eq3A_163 = vector.broadcast %broadcast_in_dim3A_162 : vector<256x1xf32> to vector<256x2048xf32>
    %eq3A_164 = arith.cmpf oeq, %convert_element_type3A, %eq3A_163 : vector<256x2048xf32>
    %jit3A_165 = arith.constant 0xFF800000 : f32
    %broadcast_in_dim3A_166 = vector.broadcast %jit3A_165 : f32 to vector<256x2048xf32>
    %select_n3A_167 = arith.select %eq3A_164, %broadcast_in_dim3A_166, %select_n3A_146 : vector<256x2048xi1>, vector<256x2048xf32>
    %reduce_max3A_168 = arith.constant dense<0xFF800000> : vector<256xf32>
    %reduce_max3A_169 = vector.multi_reduction <maximumf>, %select_n3A_167, %reduce_max3A_168 [1] : vector<256x2048xf32> to vector<256xf32>
    %broadcast_in_dim3A_170 = vector.shape_cast %reduce_max3A_169 : vector<256xf32> to vector<256x1xf32>
    %eq3A_171 = vector.broadcast %broadcast_in_dim3A_170 : vector<256x1xf32> to vector<256x2048xf32>
    %eq3A_172 = arith.cmpf oeq, %select_n3A_167, %eq3A_171 : vector<256x2048xf32>
    %jit3A_173 = arith.constant 2.048000e+03 : f32
    %broadcast_in_dim3A_174 = vector.broadcast %jit3A_173 : f32 to vector<256x2048xf32>
    %select_n3A_175 = arith.select %eq3A_172, %convert_element_type3A, %broadcast_in_dim3A_174 : vector<256x2048xi1>, vector<256x2048xf32>
    %reduce_min3A_176 = arith.constant dense<0x7F800000> : vector<256xf32>
    %reduce_min3A_177 = vector.multi_reduction <minimumf>, %select_n3A_175, %reduce_min3A_176 [1] : vector<256x2048xf32> to vector<256xf32>
    %convert_element_type3A_178 = arith.fptosi %reduce_min3A_177 : vector<256xf32> to vector<256xi32>
    %mul3A_179 = arith.constant 2048 : i32
    %mul3A_180 = arith.muli %arg0, %mul3A_179 : i32
    %add3A_181 = vector.broadcast %mul3A_180 : i32 to vector<256xi32>
    %add3A_182 = arith.addi %convert_element_type3A_178, %add3A_181 : vector<256xi32>
    %broadcast_in_dim3A_183 = vector.shape_cast %reduce_min3A_177 : vector<256xf32> to vector<256x1xf32>
    %eq3A_184 = vector.broadcast %broadcast_in_dim3A_183 : vector<256x1xf32> to vector<256x2048xf32>
    %eq3A_185 = arith.cmpf oeq, %convert_element_type3A, %eq3A_184 : vector<256x2048xf32>
    %jit3A_186 = arith.constant 0xFF800000 : f32
    %broadcast_in_dim3A_187 = vector.broadcast %jit3A_186 : f32 to vector<256x2048xf32>
    %select_n3A_188 = arith.select %eq3A_185, %broadcast_in_dim3A_187, %select_n3A_167 : vector<256x2048xi1>, vector<256x2048xf32>
    %reduce_max3A_189 = arith.constant dense<0xFF800000> : vector<256xf32>
    %reduce_max3A_190 = vector.multi_reduction <maximumf>, %select_n3A_188, %reduce_max3A_189 [1] : vector<256x2048xf32> to vector<256xf32>
    %broadcast_in_dim3A_191 = vector.shape_cast %reduce_max3A_190 : vector<256xf32> to vector<256x1xf32>
    %eq3A_192 = vector.broadcast %broadcast_in_dim3A_191 : vector<256x1xf32> to vector<256x2048xf32>
    %eq3A_193 = arith.cmpf oeq, %select_n3A_188, %eq3A_192 : vector<256x2048xf32>
    %jit3A_194 = arith.constant 2.048000e+03 : f32
    %broadcast_in_dim3A_195 = vector.broadcast %jit3A_194 : f32 to vector<256x2048xf32>
    %select_n3A_196 = arith.select %eq3A_193, %convert_element_type3A, %broadcast_in_dim3A_195 : vector<256x2048xi1>, vector<256x2048xf32>
    %reduce_min3A_197 = arith.constant dense<0x7F800000> : vector<256xf32>
    %reduce_min3A_198 = vector.multi_reduction <minimumf>, %select_n3A_196, %reduce_min3A_197 [1] : vector<256x2048xf32> to vector<256xf32>
    %convert_element_type3A_199 = arith.fptosi %reduce_min3A_198 : vector<256xf32> to vector<256xi32>
    %mul3A_200 = arith.constant 2048 : i32
    %mul3A_201 = arith.muli %arg0, %mul3A_200 : i32
    %add3A_202 = vector.broadcast %mul3A_201 : i32 to vector<256xi32>
    %add3A_203 = arith.addi %convert_element_type3A_199, %add3A_202 : vector<256xi32>
    %broadcast_in_dim3A_204 = vector.shape_cast %reduce_min3A_198 : vector<256xf32> to vector<256x1xf32>
    %eq3A_205 = vector.broadcast %broadcast_in_dim3A_204 : vector<256x1xf32> to vector<256x2048xf32>
    %eq3A_206 = arith.cmpf oeq, %convert_element_type3A, %eq3A_205 : vector<256x2048xf32>
    %jit3A_207 = arith.constant 0xFF800000 : f32
    %broadcast_in_dim3A_208 = vector.broadcast %jit3A_207 : f32 to vector<256x2048xf32>
    %select_n3A_209 = arith.select %eq3A_206, %broadcast_in_dim3A_208, %select_n3A_188 : vector<256x2048xi1>, vector<256x2048xf32>
    %reduce_max3A_210 = arith.constant dense<0xFF800000> : vector<256xf32>
    %reduce_max3A_211 = vector.multi_reduction <maximumf>, %select_n3A_209, %reduce_max3A_210 [1] : vector<256x2048xf32> to vector<256xf32>
    %broadcast_in_dim3A_212 = vector.shape_cast %reduce_max3A_211 : vector<256xf32> to vector<256x1xf32>
    %eq3A_213 = vector.broadcast %broadcast_in_dim3A_212 : vector<256x1xf32> to vector<256x2048xf32>
    %eq3A_214 = arith.cmpf oeq, %select_n3A_209, %eq3A_213 : vector<256x2048xf32>
    %jit3A_215 = arith.constant 2.048000e+03 : f32
    %broadcast_in_dim3A_216 = vector.broadcast %jit3A_215 : f32 to vector<256x2048xf32>
    %select_n3A_217 = arith.select %eq3A_214, %convert_element_type3A, %broadcast_in_dim3A_216 : vector<256x2048xi1>, vector<256x2048xf32>
    %reduce_min3A_218 = arith.constant dense<0x7F800000> : vector<256xf32>
    %reduce_min3A_219 = vector.multi_reduction <minimumf>, %select_n3A_217, %reduce_min3A_218 [1] : vector<256x2048xf32> to vector<256xf32>
    %convert_element_type3A_220 = arith.fptosi %reduce_min3A_219 : vector<256xf32> to vector<256xi32>
    %mul3A_221 = arith.constant 2048 : i32
    %mul3A_222 = arith.muli %arg0, %mul3A_221 : i32
    %add3A_223 = vector.broadcast %mul3A_222 : i32 to vector<256xi32>
    %add3A_224 = arith.addi %convert_element_type3A_220, %add3A_223 : vector<256xi32>
    %broadcast_in_dim3A_225 = vector.shape_cast %reduce_min3A_219 : vector<256xf32> to vector<256x1xf32>
    %eq3A_226 = vector.broadcast %broadcast_in_dim3A_225 : vector<256x1xf32> to vector<256x2048xf32>
    %eq3A_227 = arith.cmpf oeq, %convert_element_type3A, %eq3A_226 : vector<256x2048xf32>
    %jit3A_228 = arith.constant 0xFF800000 : f32
    %broadcast_in_dim3A_229 = vector.broadcast %jit3A_228 : f32 to vector<256x2048xf32>
    %select_n3A_230 = arith.select %eq3A_227, %broadcast_in_dim3A_229, %select_n3A_209 : vector<256x2048xi1>, vector<256x2048xf32>
    %reduce_max3A_231 = arith.constant dense<0xFF800000> : vector<256xf32>
    %reduce_max3A_232 = vector.multi_reduction <maximumf>, %select_n3A_230, %reduce_max3A_231 [1] : vector<256x2048xf32> to vector<256xf32>
    %broadcast_in_dim3A_233 = vector.shape_cast %reduce_max3A_232 : vector<256xf32> to vector<256x1xf32>
    %eq3A_234 = vector.broadcast %broadcast_in_dim3A_233 : vector<256x1xf32> to vector<256x2048xf32>
    %eq3A_235 = arith.cmpf oeq, %select_n3A_230, %eq3A_234 : vector<256x2048xf32>
    %jit3A_236 = arith.constant 2.048000e+03 : f32
    %broadcast_in_dim3A_237 = vector.broadcast %jit3A_236 : f32 to vector<256x2048xf32>
    %select_n3A_238 = arith.select %eq3A_235, %convert_element_type3A, %broadcast_in_dim3A_237 : vector<256x2048xi1>, vector<256x2048xf32>
    %reduce_min3A_239 = arith.constant dense<0x7F800000> : vector<256xf32>
    %reduce_min3A_240 = vector.multi_reduction <minimumf>, %select_n3A_238, %reduce_min3A_239 [1] : vector<256x2048xf32> to vector<256xf32>
    %convert_element_type3A_241 = arith.fptosi %reduce_min3A_240 : vector<256xf32> to vector<256xi32>
    %mul3A_242 = arith.constant 2048 : i32
    %mul3A_243 = arith.muli %arg0, %mul3A_242 : i32
    %add3A_244 = vector.broadcast %mul3A_243 : i32 to vector<256xi32>
    %add3A_245 = arith.addi %convert_element_type3A_241, %add3A_244 : vector<256xi32>
    %broadcast_in_dim3A_246 = vector.shape_cast %reduce_min3A_240 : vector<256xf32> to vector<256x1xf32>
    %eq3A_247 = vector.broadcast %broadcast_in_dim3A_246 : vector<256x1xf32> to vector<256x2048xf32>
    %eq3A_248 = arith.cmpf oeq, %convert_element_type3A, %eq3A_247 : vector<256x2048xf32>
    %jit3A_249 = arith.constant 0xFF800000 : f32
    %broadcast_in_dim3A_250 = vector.broadcast %jit3A_249 : f32 to vector<256x2048xf32>
    %select_n3A_251 = arith.select %eq3A_248, %broadcast_in_dim3A_250, %select_n3A_230 : vector<256x2048xi1>, vector<256x2048xf32>
    %reduce_max3A_252 = arith.constant dense<0xFF800000> : vector<256xf32>
    %reduce_max3A_253 = vector.multi_reduction <maximumf>, %select_n3A_251, %reduce_max3A_252 [1] : vector<256x2048xf32> to vector<256xf32>
    %broadcast_in_dim3A_254 = vector.shape_cast %reduce_max3A_253 : vector<256xf32> to vector<256x1xf32>
    %eq3A_255 = vector.broadcast %broadcast_in_dim3A_254 : vector<256x1xf32> to vector<256x2048xf32>
    %eq3A_256 = arith.cmpf oeq, %select_n3A_251, %eq3A_255 : vector<256x2048xf32>
    %jit3A_257 = arith.constant 2.048000e+03 : f32
    %broadcast_in_dim3A_258 = vector.broadcast %jit3A_257 : f32 to vector<256x2048xf32>
    %select_n3A_259 = arith.select %eq3A_256, %convert_element_type3A, %broadcast_in_dim3A_258 : vector<256x2048xi1>, vector<256x2048xf32>
    %reduce_min3A_260 = arith.constant dense<0x7F800000> : vector<256xf32>
    %reduce_min3A_261 = vector.multi_reduction <minimumf>, %select_n3A_259, %reduce_min3A_260 [1] : vector<256x2048xf32> to vector<256xf32>
    %convert_element_type3A_262 = arith.fptosi %reduce_min3A_261 : vector<256xf32> to vector<256xi32>
    %mul3A_263 = arith.constant 2048 : i32
    %mul3A_264 = arith.muli %arg0, %mul3A_263 : i32
    %add3A_265 = vector.broadcast %mul3A_264 : i32 to vector<256xi32>
    %add3A_266 = arith.addi %convert_element_type3A_262, %add3A_265 : vector<256xi32>
    %broadcast_in_dim3A_267 = vector.shape_cast %reduce_min3A_261 : vector<256xf32> to vector<256x1xf32>
    %eq3A_268 = vector.broadcast %broadcast_in_dim3A_267 : vector<256x1xf32> to vector<256x2048xf32>
    %eq3A_269 = arith.cmpf oeq, %convert_element_type3A, %eq3A_268 : vector<256x2048xf32>
    %jit3A_270 = arith.constant 0xFF800000 : f32
    %broadcast_in_dim3A_271 = vector.broadcast %jit3A_270 : f32 to vector<256x2048xf32>
    %select_n3A_272 = arith.select %eq3A_269, %broadcast_in_dim3A_271, %select_n3A_251 : vector<256x2048xi1>, vector<256x2048xf32>
    %reduce_max3A_273 = arith.constant dense<0xFF800000> : vector<256xf32>
    %reduce_max3A_274 = vector.multi_reduction <maximumf>, %select_n3A_272, %reduce_max3A_273 [1] : vector<256x2048xf32> to vector<256xf32>
    %broadcast_in_dim3A_275 = vector.shape_cast %reduce_max3A_274 : vector<256xf32> to vector<256x1xf32>
    %eq3A_276 = vector.broadcast %broadcast_in_dim3A_275 : vector<256x1xf32> to vector<256x2048xf32>
    %eq3A_277 = arith.cmpf oeq, %select_n3A_272, %eq3A_276 : vector<256x2048xf32>
    %jit3A_278 = arith.constant 2.048000e+03 : f32
    %broadcast_in_dim3A_279 = vector.broadcast %jit3A_278 : f32 to vector<256x2048xf32>
    %select_n3A_280 = arith.select %eq3A_277, %convert_element_type3A, %broadcast_in_dim3A_279 : vector<256x2048xi1>, vector<256x2048xf32>
    %reduce_min3A_281 = arith.constant dense<0x7F800000> : vector<256xf32>
    %reduce_min3A_282 = vector.multi_reduction <minimumf>, %select_n3A_280, %reduce_min3A_281 [1] : vector<256x2048xf32> to vector<256xf32>
    %convert_element_type3A_283 = arith.fptosi %reduce_min3A_282 : vector<256xf32> to vector<256xi32>
    %mul3A_284 = arith.constant 2048 : i32
    %mul3A_285 = arith.muli %arg0, %mul3A_284 : i32
    %add3A_286 = vector.broadcast %mul3A_285 : i32 to vector<256xi32>
    %add3A_287 = arith.addi %convert_element_type3A_283, %add3A_286 : vector<256xi32>
    %broadcast_in_dim3A_288 = vector.shape_cast %reduce_min3A_282 : vector<256xf32> to vector<256x1xf32>
    %eq3A_289 = vector.broadcast %broadcast_in_dim3A_288 : vector<256x1xf32> to vector<256x2048xf32>
    %eq3A_290 = arith.cmpf oeq, %convert_element_type3A, %eq3A_289 : vector<256x2048xf32>
    %jit3A_291 = arith.constant 0xFF800000 : f32
    %broadcast_in_dim3A_292 = vector.broadcast %jit3A_291 : f32 to vector<256x2048xf32>
    %select_n3A_293 = arith.select %eq3A_290, %broadcast_in_dim3A_292, %select_n3A_272 : vector<256x2048xi1>, vector<256x2048xf32>
    %reduce_max3A_294 = arith.constant dense<0xFF800000> : vector<256xf32>
    %reduce_max3A_295 = vector.multi_reduction <maximumf>, %select_n3A_293, %reduce_max3A_294 [1] : vector<256x2048xf32> to vector<256xf32>
    %broadcast_in_dim3A_296 = vector.shape_cast %reduce_max3A_295 : vector<256xf32> to vector<256x1xf32>
    %eq3A_297 = vector.broadcast %broadcast_in_dim3A_296 : vector<256x1xf32> to vector<256x2048xf32>
    %eq3A_298 = arith.cmpf oeq, %select_n3A_293, %eq3A_297 : vector<256x2048xf32>
    %jit3A_299 = arith.constant 2.048000e+03 : f32
    %broadcast_in_dim3A_300 = vector.broadcast %jit3A_299 : f32 to vector<256x2048xf32>
    %select_n3A_301 = arith.select %eq3A_298, %convert_element_type3A, %broadcast_in_dim3A_300 : vector<256x2048xi1>, vector<256x2048xf32>
    %reduce_min3A_302 = arith.constant dense<0x7F800000> : vector<256xf32>
    %reduce_min3A_303 = vector.multi_reduction <minimumf>, %select_n3A_301, %reduce_min3A_302 [1] : vector<256x2048xf32> to vector<256xf32>
    %convert_element_type3A_304 = arith.fptosi %reduce_min3A_303 : vector<256xf32> to vector<256xi32>
    %mul3A_305 = arith.constant 2048 : i32
    %mul3A_306 = arith.muli %arg0, %mul3A_305 : i32
    %add3A_307 = vector.broadcast %mul3A_306 : i32 to vector<256xi32>
    %add3A_308 = arith.addi %convert_element_type3A_304, %add3A_307 : vector<256xi32>
    %broadcast_in_dim3A_309 = vector.shape_cast %reduce_min3A_303 : vector<256xf32> to vector<256x1xf32>
    %eq3A_310 = vector.broadcast %broadcast_in_dim3A_309 : vector<256x1xf32> to vector<256x2048xf32>
    %eq3A_311 = arith.cmpf oeq, %convert_element_type3A, %eq3A_310 : vector<256x2048xf32>
    %jit3A_312 = arith.constant 0xFF800000 : f32
    %broadcast_in_dim3A_313 = vector.broadcast %jit3A_312 : f32 to vector<256x2048xf32>
    %select_n3A_314 = arith.select %eq3A_311, %broadcast_in_dim3A_313, %select_n3A_293 : vector<256x2048xi1>, vector<256x2048xf32>
    %reduce_max3A_315 = arith.constant dense<0xFF800000> : vector<256xf32>
    %reduce_max3A_316 = vector.multi_reduction <maximumf>, %select_n3A_314, %reduce_max3A_315 [1] : vector<256x2048xf32> to vector<256xf32>
    %broadcast_in_dim3A_317 = vector.shape_cast %reduce_max3A_316 : vector<256xf32> to vector<256x1xf32>
    %eq3A_318 = vector.broadcast %broadcast_in_dim3A_317 : vector<256x1xf32> to vector<256x2048xf32>
    %eq3A_319 = arith.cmpf oeq, %select_n3A_314, %eq3A_318 : vector<256x2048xf32>
    %jit3A_320 = arith.constant 2.048000e+03 : f32
    %broadcast_in_dim3A_321 = vector.broadcast %jit3A_320 : f32 to vector<256x2048xf32>
    %select_n3A_322 = arith.select %eq3A_319, %convert_element_type3A, %broadcast_in_dim3A_321 : vector<256x2048xi1>, vector<256x2048xf32>
    %reduce_min3A_323 = arith.constant dense<0x7F800000> : vector<256xf32>
    %reduce_min3A_324 = vector.multi_reduction <minimumf>, %select_n3A_322, %reduce_min3A_323 [1] : vector<256x2048xf32> to vector<256xf32>
    %convert_element_type3A_325 = arith.fptosi %reduce_min3A_324 : vector<256xf32> to vector<256xi32>
    %mul3A_326 = arith.constant 2048 : i32
    %mul3A_327 = arith.muli %arg0, %mul3A_326 : i32
    %add3A_328 = vector.broadcast %mul3A_327 : i32 to vector<256xi32>
    %add3A_329 = arith.addi %convert_element_type3A_325, %add3A_328 : vector<256xi32>
    %broadcast_in_dim3A_330 = vector.shape_cast %reduce_min3A_324 : vector<256xf32> to vector<256x1xf32>
    %eq3A_331 = vector.broadcast %broadcast_in_dim3A_330 : vector<256x1xf32> to vector<256x2048xf32>
    %eq3A_332 = arith.cmpf oeq, %convert_element_type3A, %eq3A_331 : vector<256x2048xf32>
    %jit3A_333 = arith.constant 0xFF800000 : f32
    %broadcast_in_dim3A_334 = vector.broadcast %jit3A_333 : f32 to vector<256x2048xf32>
    %select_n3A_335 = arith.select %eq3A_332, %broadcast_in_dim3A_334, %select_n3A_314 : vector<256x2048xi1>, vector<256x2048xf32>
    %reduce_max3A_336 = arith.constant dense<0xFF800000> : vector<256xf32>
    %reduce_max3A_337 = vector.multi_reduction <maximumf>, %select_n3A_335, %reduce_max3A_336 [1] : vector<256x2048xf32> to vector<256xf32>
    %broadcast_in_dim3A_338 = vector.shape_cast %reduce_max3A_337 : vector<256xf32> to vector<256x1xf32>
    %eq3A_339 = vector.broadcast %broadcast_in_dim3A_338 : vector<256x1xf32> to vector<256x2048xf32>
    %eq3A_340 = arith.cmpf oeq, %select_n3A_335, %eq3A_339 : vector<256x2048xf32>
    %jit3A_341 = arith.constant 2.048000e+03 : f32
    %broadcast_in_dim3A_342 = vector.broadcast %jit3A_341 : f32 to vector<256x2048xf32>
    %select_n3A_343 = arith.select %eq3A_340, %convert_element_type3A, %broadcast_in_dim3A_342 : vector<256x2048xi1>, vector<256x2048xf32>
    %reduce_min3A_344 = arith.constant dense<0x7F800000> : vector<256xf32>
    %reduce_min3A_345 = vector.multi_reduction <minimumf>, %select_n3A_343, %reduce_min3A_344 [1] : vector<256x2048xf32> to vector<256xf32>
    %convert_element_type3A_346 = arith.fptosi %reduce_min3A_345 : vector<256xf32> to vector<256xi32>
    %mul3A_347 = arith.constant 2048 : i32
    %mul3A_348 = arith.muli %arg0, %mul3A_347 : i32
    %add3A_349 = vector.broadcast %mul3A_348 : i32 to vector<256xi32>
    %add3A_350 = arith.addi %convert_element_type3A_346, %add3A_349 : vector<256xi32>
    %broadcast_in_dim3A_351 = vector.shape_cast %reduce_min3A_345 : vector<256xf32> to vector<256x1xf32>
    %eq3A_352 = vector.broadcast %broadcast_in_dim3A_351 : vector<256x1xf32> to vector<256x2048xf32>
    %eq3A_353 = arith.cmpf oeq, %convert_element_type3A, %eq3A_352 : vector<256x2048xf32>
    %jit3A_354 = arith.constant 0xFF800000 : f32
    %broadcast_in_dim3A_355 = vector.broadcast %jit3A_354 : f32 to vector<256x2048xf32>
    %select_n3A_356 = arith.select %eq3A_353, %broadcast_in_dim3A_355, %select_n3A_335 : vector<256x2048xi1>, vector<256x2048xf32>
    %reduce_max3A_357 = arith.constant dense<0xFF800000> : vector<256xf32>
    %reduce_max3A_358 = vector.multi_reduction <maximumf>, %select_n3A_356, %reduce_max3A_357 [1] : vector<256x2048xf32> to vector<256xf32>
    %broadcast_in_dim3A_359 = vector.shape_cast %reduce_max3A_358 : vector<256xf32> to vector<256x1xf32>
    %eq3A_360 = vector.broadcast %broadcast_in_dim3A_359 : vector<256x1xf32> to vector<256x2048xf32>
    %eq3A_361 = arith.cmpf oeq, %select_n3A_356, %eq3A_360 : vector<256x2048xf32>
    %jit3A_362 = arith.constant 2.048000e+03 : f32
    %broadcast_in_dim3A_363 = vector.broadcast %jit3A_362 : f32 to vector<256x2048xf32>
    %select_n3A_364 = arith.select %eq3A_361, %convert_element_type3A, %broadcast_in_dim3A_363 : vector<256x2048xi1>, vector<256x2048xf32>
    %reduce_min3A_365 = arith.constant dense<0x7F800000> : vector<256xf32>
    %reduce_min3A_366 = vector.multi_reduction <minimumf>, %select_n3A_364, %reduce_min3A_365 [1] : vector<256x2048xf32> to vector<256xf32>
    %convert_element_type3A_367 = arith.fptosi %reduce_min3A_366 : vector<256xf32> to vector<256xi32>
    %mul3A_368 = arith.constant 2048 : i32
    %mul3A_369 = arith.muli %arg0, %mul3A_368 : i32
    %add3A_370 = vector.broadcast %mul3A_369 : i32 to vector<256xi32>
    %add3A_371 = arith.addi %convert_element_type3A_367, %add3A_370 : vector<256xi32>
    %broadcast_in_dim3A_372 = vector.shape_cast %reduce_min3A_366 : vector<256xf32> to vector<256x1xf32>
    %eq3A_373 = vector.broadcast %broadcast_in_dim3A_372 : vector<256x1xf32> to vector<256x2048xf32>
    %eq3A_374 = arith.cmpf oeq, %convert_element_type3A, %eq3A_373 : vector<256x2048xf32>
    %jit3A_375 = arith.constant 0xFF800000 : f32
    %broadcast_in_dim3A_376 = vector.broadcast %jit3A_375 : f32 to vector<256x2048xf32>
    %select_n3A_377 = arith.select %eq3A_374, %broadcast_in_dim3A_376, %select_n3A_356 : vector<256x2048xi1>, vector<256x2048xf32>
    %reduce_max3A_378 = arith.constant dense<0xFF800000> : vector<256xf32>
    %reduce_max3A_379 = vector.multi_reduction <maximumf>, %select_n3A_377, %reduce_max3A_378 [1] : vector<256x2048xf32> to vector<256xf32>
    %broadcast_in_dim3A_380 = vector.shape_cast %reduce_max3A_379 : vector<256xf32> to vector<256x1xf32>
    %eq3A_381 = vector.broadcast %broadcast_in_dim3A_380 : vector<256x1xf32> to vector<256x2048xf32>
    %eq3A_382 = arith.cmpf oeq, %select_n3A_377, %eq3A_381 : vector<256x2048xf32>
    %jit3A_383 = arith.constant 2.048000e+03 : f32
    %broadcast_in_dim3A_384 = vector.broadcast %jit3A_383 : f32 to vector<256x2048xf32>
    %select_n3A_385 = arith.select %eq3A_382, %convert_element_type3A, %broadcast_in_dim3A_384 : vector<256x2048xi1>, vector<256x2048xf32>
    %reduce_min3A_386 = arith.constant dense<0x7F800000> : vector<256xf32>
    %reduce_min3A_387 = vector.multi_reduction <minimumf>, %select_n3A_385, %reduce_min3A_386 [1] : vector<256x2048xf32> to vector<256xf32>
    %convert_element_type3A_388 = arith.fptosi %reduce_min3A_387 : vector<256xf32> to vector<256xi32>
    %mul3A_389 = arith.constant 2048 : i32
    %mul3A_390 = arith.muli %arg0, %mul3A_389 : i32
    %add3A_391 = vector.broadcast %mul3A_390 : i32 to vector<256xi32>
    %add3A_392 = arith.addi %convert_element_type3A_388, %add3A_391 : vector<256xi32>
    %broadcast_in_dim3A_393 = vector.shape_cast %reduce_min3A_387 : vector<256xf32> to vector<256x1xf32>
    %eq3A_394 = vector.broadcast %broadcast_in_dim3A_393 : vector<256x1xf32> to vector<256x2048xf32>
    %eq3A_395 = arith.cmpf oeq, %convert_element_type3A, %eq3A_394 : vector<256x2048xf32>
    %jit3A_396 = arith.constant 0xFF800000 : f32
    %broadcast_in_dim3A_397 = vector.broadcast %jit3A_396 : f32 to vector<256x2048xf32>
    %select_n3A_398 = arith.select %eq3A_395, %broadcast_in_dim3A_397, %select_n3A_377 : vector<256x2048xi1>, vector<256x2048xf32>
    %reduce_max3A_399 = arith.constant dense<0xFF800000> : vector<256xf32>
    %reduce_max3A_400 = vector.multi_reduction <maximumf>, %select_n3A_398, %reduce_max3A_399 [1] : vector<256x2048xf32> to vector<256xf32>
    %broadcast_in_dim3A_401 = vector.shape_cast %reduce_max3A_400 : vector<256xf32> to vector<256x1xf32>
    %eq3A_402 = vector.broadcast %broadcast_in_dim3A_401 : vector<256x1xf32> to vector<256x2048xf32>
    %eq3A_403 = arith.cmpf oeq, %select_n3A_398, %eq3A_402 : vector<256x2048xf32>
    %jit3A_404 = arith.constant 2.048000e+03 : f32
    %broadcast_in_dim3A_405 = vector.broadcast %jit3A_404 : f32 to vector<256x2048xf32>
    %select_n3A_406 = arith.select %eq3A_403, %convert_element_type3A, %broadcast_in_dim3A_405 : vector<256x2048xi1>, vector<256x2048xf32>
    %reduce_min3A_407 = arith.constant dense<0x7F800000> : vector<256xf32>
    %reduce_min3A_408 = vector.multi_reduction <minimumf>, %select_n3A_406, %reduce_min3A_407 [1] : vector<256x2048xf32> to vector<256xf32>
    %convert_element_type3A_409 = arith.fptosi %reduce_min3A_408 : vector<256xf32> to vector<256xi32>
    %mul3A_410 = arith.constant 2048 : i32
    %mul3A_411 = arith.muli %arg0, %mul3A_410 : i32
    %add3A_412 = vector.broadcast %mul3A_411 : i32 to vector<256xi32>
    %add3A_413 = arith.addi %convert_element_type3A_409, %add3A_412 : vector<256xi32>
    %broadcast_in_dim3A_414 = vector.shape_cast %reduce_min3A_408 : vector<256xf32> to vector<256x1xf32>
    %eq3A_415 = vector.broadcast %broadcast_in_dim3A_414 : vector<256x1xf32> to vector<256x2048xf32>
    %eq3A_416 = arith.cmpf oeq, %convert_element_type3A, %eq3A_415 : vector<256x2048xf32>
    %jit3A_417 = arith.constant 0xFF800000 : f32
    %broadcast_in_dim3A_418 = vector.broadcast %jit3A_417 : f32 to vector<256x2048xf32>
    %select_n3A_419 = arith.select %eq3A_416, %broadcast_in_dim3A_418, %select_n3A_398 : vector<256x2048xi1>, vector<256x2048xf32>
    %reduce_max3A_420 = arith.constant dense<0xFF800000> : vector<256xf32>
    %reduce_max3A_421 = vector.multi_reduction <maximumf>, %select_n3A_419, %reduce_max3A_420 [1] : vector<256x2048xf32> to vector<256xf32>
    %broadcast_in_dim3A_422 = vector.shape_cast %reduce_max3A_421 : vector<256xf32> to vector<256x1xf32>
    %eq3A_423 = vector.broadcast %broadcast_in_dim3A_422 : vector<256x1xf32> to vector<256x2048xf32>
    %eq3A_424 = arith.cmpf oeq, %select_n3A_419, %eq3A_423 : vector<256x2048xf32>
    %jit3A_425 = arith.constant 2.048000e+03 : f32
    %broadcast_in_dim3A_426 = vector.broadcast %jit3A_425 : f32 to vector<256x2048xf32>
    %select_n3A_427 = arith.select %eq3A_424, %convert_element_type3A, %broadcast_in_dim3A_426 : vector<256x2048xi1>, vector<256x2048xf32>
    %reduce_min3A_428 = arith.constant dense<0x7F800000> : vector<256xf32>
    %reduce_min3A_429 = vector.multi_reduction <minimumf>, %select_n3A_427, %reduce_min3A_428 [1] : vector<256x2048xf32> to vector<256xf32>
    %convert_element_type3A_430 = arith.fptosi %reduce_min3A_429 : vector<256xf32> to vector<256xi32>
    %mul3A_431 = arith.constant 2048 : i32
    %mul3A_432 = arith.muli %arg0, %mul3A_431 : i32
    %add3A_433 = vector.broadcast %mul3A_432 : i32 to vector<256xi32>
    %add3A_434 = arith.addi %convert_element_type3A_430, %add3A_433 : vector<256xi32>
    %stack3A = vector.shape_cast %add3A_35 : vector<256xi32> to vector<256x1xi32>
    %stack3A_435 = vector.shape_cast %add3A_56 : vector<256xi32> to vector<256x1xi32>
    %stack3A_436 = vector.shape_cast %add3A_77 : vector<256xi32> to vector<256x1xi32>
    %stack3A_437 = vector.shape_cast %add3A_98 : vector<256xi32> to vector<256x1xi32>
    %stack3A_438 = vector.shape_cast %add3A_119 : vector<256xi32> to vector<256x1xi32>
    %stack3A_439 = vector.shape_cast %add3A_140 : vector<256xi32> to vector<256x1xi32>
    %stack3A_440 = vector.shape_cast %add3A_161 : vector<256xi32> to vector<256x1xi32>
    %stack3A_441 = vector.shape_cast %add3A_182 : vector<256xi32> to vector<256x1xi32>
    %stack3A_442 = vector.shape_cast %add3A_203 : vector<256xi32> to vector<256x1xi32>
    %stack3A_443 = vector.shape_cast %add3A_224 : vector<256xi32> to vector<256x1xi32>
    %stack3A_444 = vector.shape_cast %add3A_245 : vector<256xi32> to vector<256x1xi32>
    %stack3A_445 = vector.shape_cast %add3A_266 : vector<256xi32> to vector<256x1xi32>
    %stack3A_446 = vector.shape_cast %add3A_287 : vector<256xi32> to vector<256x1xi32>
    %stack3A_447 = vector.shape_cast %add3A_308 : vector<256xi32> to vector<256x1xi32>
    %stack3A_448 = vector.shape_cast %add3A_329 : vector<256xi32> to vector<256x1xi32>
    %stack3A_449 = vector.shape_cast %add3A_350 : vector<256xi32> to vector<256x1xi32>
    %stack3A_450 = vector.shape_cast %add3A_371 : vector<256xi32> to vector<256x1xi32>
    %stack3A_451 = vector.shape_cast %add3A_392 : vector<256xi32> to vector<256x1xi32>
    %stack3A_452 = vector.shape_cast %add3A_413 : vector<256xi32> to vector<256x1xi32>
    %stack3A_453 = vector.shape_cast %add3A_434 : vector<256xi32> to vector<256x1xi32>
    %stack3A_454 = tpu.concatenate %stack3A, %stack3A_435, %stack3A_436, %stack3A_437, %stack3A_438, %stack3A_439, %stack3A_440, %stack3A_441, %stack3A_442, %stack3A_443, %stack3A_444, %stack3A_445, %stack3A_446, %stack3A_447, %stack3A_448, %stack3A_449, %stack3A_450, %stack3A_451, %stack3A_452, %stack3A_453 in 1 : vector<256x1xi32>, vector<256x1xi32>, vector<256x1xi32>, vector<256x1xi32>, vector<256x1xi32>, vector<256x1xi32>, vector<256x1xi32>, vector<256x1xi32>, vector<256x1xi32>, vector<256x1xi32>, vector<256x1xi32>, vector<256x1xi32>, vector<256x1xi32>, vector<256x1xi32>, vector<256x1xi32>, vector<256x1xi32>, vector<256x1xi32>, vector<256x1xi32>, vector<256x1xi32>, vector<256x1xi32> -> vector<256x20xi32>
    %swap3A = arith.constant 0 : index
    %swap3A_455 = arith.constant 0 : index
    %swap3A_456 = arith.constant 0 : index
    %swap3A_457 = vector.load %arg6[%swap3A, %swap3A_455, %swap3A_456] : memref<1x256x20xi32, #tpu.memory_space<vmem>>, vector<1x256x20xi32>
    %swap3A_458 = vector.shape_cast %swap3A_457 : vector<1x256x20xi32> to vector<256x20xi32>
    %swap3A_459 = vector.shape_cast %stack3A_454 : vector<256x20xi32> to vector<1x256x20xi32>
    tpu.vector_store %arg6[%swap3A, %swap3A_455, %swap3A_456], %swap3A_459 {strides = array<i32>} : memref<1x256x20xi32, #tpu.memory_space<vmem>>, vector<1x256x20xi32>,
    return
  }
  func.func @transform_0(%arg0: i32, %arg1: i32) -> (i32, i32, i32) {
    %c0_i32 = arith.constant 0 : i32
    %c0_i32_0 = arith.constant 0 : i32
    return %arg0, %arg1, %c0_i32 : i32, i32, i32
  }
  func.func @transform_1(%arg0: i32, %arg1: i32) -> (i32, i32, i32) {
    %c0_i32 = arith.constant 0 : i32
    %c0_i32_0 = arith.constant 0 : i32
    %c0_i32_1 = arith.constant 0 : i32
    return %arg0, %c0_i32, %c0_i32_0 : i32, i32, i32
  }
  func.func @transform_2(%arg0: i32, %arg1: i32) -> (i32, i32, i32) {
    %c0_i32 = arith.constant 0 : i32
    %c0_i32_0 = arith.constant 0 : i32
    return %arg0, %arg1, %c0_i32 : i32, i32, i32
  }
  func.func @transform_3(%arg0: i32, %arg1: i32) -> (i32, i32, i32) {
    %c0_i32 = arith.constant 0 : i32
    %c0_i32_0 = arith.constant 0 : i32
    %c0_i32_1 = arith.constant 0 : i32
    return %arg0, %c0_i32, %c0_i32_0 : i32, i32, i32
  }
  func.func @transform_4(%arg0: i32, %arg1: i32) -> (i32, i32, i32) {
    %c0_i32 = arith.constant 0 : i32
    %c0_i32_0 = arith.constant 0 : i32
    return %arg0, %arg1, %c0_i32 : i32, i32, i32
  }
}

module attributes {stable_mosaic.version = 14 : i64} {
  func.func @_ef2_kernel(%arg0: i32, %arg1: memref<256x32xf32, #tpu.memory_space<vmem>>, %arg2: memref<256x20x32xf32, #tpu.memory_space<vmem>>, %arg3: memref<64x64xf32, #tpu.memory_space<vmem>>, %arg4: memref<256x64xf32, #tpu.memory_space<vmem>>, %arg5: memref<8x64xf32, #tpu.memory_space<vmem>>) attributes {dimension_semantics = [#tpu.dimension_semantics<arbitrary>], iteration_bounds = array<i64: 64>, scalar_prefetch = 0 : i64, scratch_operands = 0 : i64, tpu.core_type = #tpu.core_type<tc>, window_params = [{transform_indices = @transform_0, window_bounds = array<i64: 256, 32>}, {transform_indices = @transform_1, window_bounds = array<i64: 256, 20, 32>}, {pipeline_mode = #tpu.pipeline_mode<synchronous>, transform_indices = @transform_2, window_bounds = array<i64: 64, 64>}, {transform_indices = @transform_3, window_bounds = array<i64: 256, 64>}, {pipeline_mode = #tpu.pipeline_mode<synchronous>, transform_indices = @transform_4, window_bounds = array<i64: 8, 64>}]} {
    %get3A = arith.constant 0 : index
    %get3A_0 = arith.constant 0 : index
    %get3A_1 = vector.load %arg1[%get3A, %get3A_0] : memref<256x32xf32, #tpu.memory_space<vmem>>, vector<256x32xf32>
    %get3A_2 = arith.constant 0 : index
    %get3A_3 = arith.constant 0 : index
    %get3A_4 = arith.constant 0 : index
    %get3A_5 = vector.load %arg2[%get3A_2, %get3A_3, %get3A_4] : memref<256x20x32xf32, #tpu.memory_space<vmem>>, vector<256x20x32xf32>
    %reshape3A = vector.shape_cast %get3A_5 : vector<256x20x32xf32> to vector<5120x32xf32>
    %broadcast_in_dim3A = vector.shape_cast %get3A_1 : vector<256x32xf32> to vector<256x1x32xf32>
    %broadcast_in_dim3A_6 = vector.shape_cast %broadcast_in_dim3A : vector<256x1x32xf32> to vector<256x1x32xf32>
    %broadcast_in_dim3A_7 = vector.broadcast %broadcast_in_dim3A_6 : vector<256x1x32xf32> to vector<256x20x32xf32>
    %reshape3A_8 = vector.shape_cast %broadcast_in_dim3A_7 : vector<256x20x32xf32> to vector<5120x32xf32>
    %sub3A = arith.subf %reshape3A, %reshape3A_8 : vector<5120x32xf32>
    %concatenate3A = tpu.concatenate %reshape3A_8, %sub3A in 1 : vector<5120x32xf32>, vector<5120x32xf32> -> vector<5120x64xf32>
    %get3A_9 = arith.constant 0 : index
    %get3A_10 = arith.constant 0 : index
    %get3A_11 = vector.load %arg3[%get3A_9, %get3A_10] : memref<64x64xf32, #tpu.memory_space<vmem>>, vector<64x64xf32>
    %dot_general3A = arith.constant dense<0.000000e+00> : vector<5120x64xf32>
    %dot_general3A_12 = tpu.matmul %concatenate3A, %get3A_11, %dot_general3A {dimension_numbers = #tpu.dot_dimension_numbers<[1], [0], [0], [1], [0, 0, 1, 1], [], []>, transpose_lhs_hint = false} : vector<5120x64xf32>, vector<64x64xf32>, vector<5120x64xf32> -> vector<5120x64xf32>
    %reshape3A_13 = vector.shape_cast %dot_general3A_12 : vector<5120x64xf32> to vector<256x20x64xf32>
    %reduce_max3A = arith.constant dense<0xFF800000> : vector<256x64xf32>
    %reduce_max3A_14 = vector.multi_reduction <maximumf>, %reshape3A_13, %reduce_max3A [1] : vector<256x20x64xf32> to vector<256x64xf32>
    %swap3A = arith.constant 0 : index
    %swap3A_15 = arith.constant 0 : index
    %swap3A_16 = vector.load %arg4[%swap3A, %swap3A_15] : memref<256x64xf32, #tpu.memory_space<vmem>>, vector<256x64xf32>
    tpu.vector_store %arg4[%swap3A, %swap3A_15], %reduce_max3A_14 {strides = array<i32>} : memref<256x64xf32, #tpu.memory_space<vmem>>, vector<256x64xf32>,
    %broadcast_in_dim3A_17 = arith.constant 0.000000e+00 : f32
    %broadcast_in_dim3A_18 = vector.broadcast %broadcast_in_dim3A_17 : f32 to vector<64xf32>
    %reduce_sum3A = arith.constant dense<0.000000e+00> : vector<64xf32>
    %reduce_sum3A_19 = vector.multi_reduction <add>, %dot_general3A_12, %reduce_sum3A [0] : vector<5120x64xf32> to vector<64xf32>
    %mul3A = arith.mulf %dot_general3A_12, %dot_general3A_12 : vector<5120x64xf32>
    %reduce_sum3A_20 = arith.constant dense<0.000000e+00> : vector<64xf32>
    %reduce_sum3A_21 = vector.multi_reduction <add>, %mul3A, %reduce_sum3A_20 [0] : vector<5120x64xf32> to vector<64xf32>
    %stack3A = vector.shape_cast %reduce_sum3A_19 : vector<64xf32> to vector<1x64xf32>
    %stack3A_22 = vector.shape_cast %reduce_sum3A_21 : vector<64xf32> to vector<1x64xf32>
    %stack3A_23 = vector.shape_cast %broadcast_in_dim3A_18 : vector<64xf32> to vector<1x64xf32>
    %stack3A_24 = vector.shape_cast %broadcast_in_dim3A_18 : vector<64xf32> to vector<1x64xf32>
    %stack3A_25 = vector.shape_cast %broadcast_in_dim3A_18 : vector<64xf32> to vector<1x64xf32>
    %stack3A_26 = vector.shape_cast %broadcast_in_dim3A_18 : vector<64xf32> to vector<1x64xf32>
    %stack3A_27 = vector.shape_cast %broadcast_in_dim3A_18 : vector<64xf32> to vector<1x64xf32>
    %stack3A_28 = vector.shape_cast %broadcast_in_dim3A_18 : vector<64xf32> to vector<1x64xf32>
    %stack3A_29 = tpu.concatenate %stack3A, %stack3A_22, %stack3A_23, %stack3A_24, %stack3A_25, %stack3A_26, %stack3A_27, %stack3A_28 in 0 : vector<1x64xf32>, vector<1x64xf32>, vector<1x64xf32>, vector<1x64xf32>, vector<1x64xf32>, vector<1x64xf32>, vector<1x64xf32>, vector<1x64xf32> -> vector<8x64xf32>
    %eq3A = arith.constant 0 : i32
    %eq3A_30 = arith.cmpi eq, %arg0, %eq3A : i32
    %convert_element_type3A = arith.extui %eq3A_30 : i1 to i32
    %cond3A = arith.constant 0 : i32
    %cond3A_31 = arith.cmpi ne, %convert_element_type3A, %cond3A : i32
    scf.if %cond3A_31 {
      %swap3A_36 = arith.constant 0 : index
      %swap3A_37 = arith.constant 0 : index
      %swap3A_38 = vector.load %arg5[%swap3A_36, %swap3A_37] : memref<8x64xf32, #tpu.memory_space<vmem>>, vector<8x64xf32>
      tpu.vector_store %arg5[%swap3A_36, %swap3A_37], %stack3A_29 {strides = array<i32>} : memref<8x64xf32, #tpu.memory_space<vmem>>, vector<8x64xf32>,
    } else {
    }
    %ne3A = arith.constant 0 : i32
    %ne3A_32 = arith.cmpi ne, %arg0, %ne3A : i32
    %convert_element_type3A_33 = arith.extui %ne3A_32 : i1 to i32
    %cond3A_34 = arith.constant 0 : i32
    %cond3A_35 = arith.cmpi ne, %convert_element_type3A_33, %cond3A_34 : i32
    scf.if %cond3A_35 {
      %get3A_36 = arith.constant 0 : index
      %get3A_37 = arith.constant 0 : index
      %get3A_38 = vector.load %arg5[%get3A_36, %get3A_37] : memref<8x64xf32, #tpu.memory_space<vmem>>, vector<8x64xf32>
      %add3A = arith.addf %get3A_38, %stack3A_29 : vector<8x64xf32>
      %swap3A_39 = arith.constant 0 : index
      %swap3A_40 = arith.constant 0 : index
      %swap3A_41 = vector.load %arg5[%swap3A_39, %swap3A_40] : memref<8x64xf32, #tpu.memory_space<vmem>>, vector<8x64xf32>
      tpu.vector_store %arg5[%swap3A_39, %swap3A_40], %add3A {strides = array<i32>} : memref<8x64xf32, #tpu.memory_space<vmem>>, vector<8x64xf32>,
    } else {
    }
    return
  }
  func.func @transform_0(%arg0: i32) -> (i32, i32) {
    %c0_i32 = arith.constant 0 : i32
    %c0_i32_0 = arith.constant 0 : i32
    return %arg0, %c0_i32 : i32, i32
  }
  func.func @transform_1(%arg0: i32) -> (i32, i32, i32) {
    %c0_i32 = arith.constant 0 : i32
    %c0_i32_0 = arith.constant 0 : i32
    %c0_i32_1 = arith.constant 0 : i32
    return %arg0, %c0_i32, %c0_i32_0 : i32, i32, i32
  }
  func.func @transform_2(%arg0: i32) -> (i32, i32) {
    %c0_i32 = arith.constant 0 : i32
    %c0_i32_0 = arith.constant 0 : i32
    %c0_i32_1 = arith.constant 0 : i32
    return %c0_i32, %c0_i32_0 : i32, i32
  }
  func.func @transform_3(%arg0: i32) -> (i32, i32) {
    %c0_i32 = arith.constant 0 : i32
    %c0_i32_0 = arith.constant 0 : i32
    return %arg0, %c0_i32 : i32, i32
  }
  func.func @transform_4(%arg0: i32) -> (i32, i32) {
    %c0_i32 = arith.constant 0 : i32
    %c0_i32_0 = arith.constant 0 : i32
    %c0_i32_1 = arith.constant 0 : i32
    return %c0_i32, %c0_i32_0 : i32, i32
  }
}

module attributes {stable_mosaic.version = 14 : i64} {
  func.func @_f2_kernel(%arg0: i32, %arg1: memref<1024x32xf32, #tpu.memory_space<vmem>>, %arg2: memref<1024x64xf32, #tpu.memory_space<vmem>>, %arg3: memref<8x64xf32, #tpu.memory_space<vmem>>, %arg4: memref<1024x64xf32, #tpu.memory_space<vmem>>, %arg5: memref<8x64xf32, #tpu.memory_space<vmem>>, %arg6: memref<1x64xf32, #tpu.memory_space<vmem>>, %arg7: memref<1x64xf32, #tpu.memory_space<vmem>>, %arg8: memref<1x64xf32, #tpu.memory_space<vmem>>, %arg9: memref<1x64xf32, #tpu.memory_space<vmem>>, %arg10: memref<96x96xf32, #tpu.memory_space<vmem>>, %arg11: memref<1024x96xf32, #tpu.memory_space<vmem>>, %arg12: memref<8x96xf32, #tpu.memory_space<vmem>>) attributes {dimension_semantics = [#tpu.dimension_semantics<arbitrary>], iteration_bounds = array<i64: 16>, scalar_prefetch = 0 : i64, scratch_operands = 0 : i64, tpu.core_type = #tpu.core_type<tc>, window_params = [{transform_indices = @transform_0, window_bounds = array<i64: 1024, 32>}, {transform_indices = @transform_1, window_bounds = array<i64: 1024, 64>}, {pipeline_mode = #tpu.pipeline_mode<synchronous>, transform_indices = @transform_2, window_bounds = array<i64: 8, 64>}, {transform_indices = @transform_3, window_bounds = array<i64: 1024, 64>}, {pipeline_mode = #tpu.pipeline_mode<synchronous>, transform_indices = @transform_4, window_bounds = array<i64: 8, 64>}, {pipeline_mode = #tpu.pipeline_mode<synchronous>, transform_indices = @transform_5, window_bounds = array<i64: 1, 64>}, {pipeline_mode = #tpu.pipeline_mode<synchronous>, transform_indices = @transform_6, window_bounds = array<i64: 1, 64>}, {pipeline_mode = #tpu.pipeline_mode<synchronous>, transform_indices = @transform_7, window_bounds = array<i64: 1, 64>}, {pipeline_mode = #tpu.pipeline_mode<synchronous>, transform_indices = @transform_8, window_bounds = array<i64: 1, 64>}, {pipeline_mode = #tpu.pipeline_mode<synchronous>, transform_indices = @transform_9, window_bounds = array<i64: 96, 96>}, {transform_indices = @transform_10, window_bounds = array<i64: 1024, 96>}, {pipeline_mode = #tpu.pipeline_mode<synchronous>, transform_indices = @transform_11, window_bounds = array<i64: 8, 96>}]} {
    %get3A = arith.constant 0 : index
    %get3A_0 = arith.constant 0 : index
    %get3A_1 = vector.load %arg3[%get3A, %get3A_0] : memref<8x64xf32, #tpu.memory_space<vmem>>, vector<8x64xf32>
    %slice3A = vector.extract_strided_slice %get3A_1 {offsets = [0, 0], sizes = [1, 64], strides = [1, 1]} : vector<8x64xf32> to vector<1x64xf32>
    %squeeze3A = vector.shape_cast %slice3A : vector<1x64xf32> to vector<64xf32>
    %div3A = arith.constant 3.276800e+05 : f32
    %div3A_2 = vector.broadcast %div3A : f32 to vector<64xf32>
    %div3A_3 = arith.divf %squeeze3A, %div3A_2 : vector<64xf32>
    %slice3A_4 = vector.extract_strided_slice %get3A_1 {offsets = [1, 0], sizes = [1, 64], strides = [1, 1]} : vector<8x64xf32> to vector<1x64xf32>
    %squeeze3A_5 = vector.shape_cast %slice3A_4 : vector<1x64xf32> to vector<64xf32>
    %div3A_6 = arith.constant 3.276800e+05 : f32
    %div3A_7 = vector.broadcast %div3A_6 : f32 to vector<64xf32>
    %div3A_8 = arith.divf %squeeze3A_5, %div3A_7 : vector<64xf32>
    %mul3A = arith.mulf %div3A_3, %div3A_3 : vector<64xf32>
    %sub3A = arith.subf %div3A_8, %mul3A : vector<64xf32>
    %get3A_9 = arith.constant 0 : index
    %get3A_10 = arith.constant 0 : index
    %get3A_11 = vector.load %arg5[%get3A_9, %get3A_10] : memref<8x64xf32, #tpu.memory_space<vmem>>, vector<8x64xf32>
    %slice3A_12 = vector.extract_strided_slice %get3A_11 {offsets = [0, 0], sizes = [1, 64], strides = [1, 1]} : vector<8x64xf32> to vector<1x64xf32>
    %squeeze3A_13 = vector.shape_cast %slice3A_12 : vector<1x64xf32> to vector<64xf32>
    %div3A_14 = arith.constant 1.638400e+04 : f32
    %div3A_15 = vector.broadcast %div3A_14 : f32 to vector<64xf32>
    %div3A_16 = arith.divf %squeeze3A_13, %div3A_15 : vector<64xf32>
    %slice3A_17 = vector.extract_strided_slice %get3A_11 {offsets = [1, 0], sizes = [1, 64], strides = [1, 1]} : vector<8x64xf32> to vector<1x64xf32>
    %squeeze3A_18 = vector.shape_cast %slice3A_17 : vector<1x64xf32> to vector<64xf32>
    %div3A_19 = arith.constant 1.638400e+04 : f32
    %div3A_20 = vector.broadcast %div3A_19 : f32 to vector<64xf32>
    %div3A_21 = arith.divf %squeeze3A_18, %div3A_20 : vector<64xf32>
    %mul3A_22 = arith.mulf %div3A_16, %div3A_16 : vector<64xf32>
    %sub3A_23 = arith.subf %div3A_21, %mul3A_22 : vector<64xf32>
    %get3A_24 = arith.constant 0 : index
    %get3A_25 = arith.constant 0 : index
    %get3A_26 = vector.load %arg2[%get3A_24, %get3A_25] : memref<1024x64xf32, #tpu.memory_space<vmem>>, vector<1024x64xf32>
    %broadcast_in_dim3A = vector.shape_cast %div3A_3 : vector<64xf32> to vector<1x64xf32>
    %sub3A_27 = vector.broadcast %broadcast_in_dim3A : vector<1x64xf32> to vector<1024x64xf32>
    %sub3A_28 = arith.subf %get3A_26, %sub3A_27 : vector<1024x64xf32>
    %add3A = arith.constant 9.99999974E-6 : f32
    %add3A_29 = vector.broadcast %add3A : f32 to vector<64xf32>
    %add3A_30 = arith.addf %sub3A, %add3A_29 : vector<64xf32>
    %sqrt3A = math.sqrt %add3A_30 : vector<64xf32>
    %broadcast_in_dim3A_31 = vector.shape_cast %sqrt3A : vector<64xf32> to vector<1x64xf32>
    %div3A_32 = vector.broadcast %broadcast_in_dim3A_31 : vector<1x64xf32> to vector<1024x64xf32>
    %div3A_33 = arith.divf %sub3A_28, %div3A_32 : vector<1024x64xf32>
    %get3A_34 = arith.constant 0 : index
    %get3A_35 = arith.constant 0 : index
    %get3A_36 = vector.load %arg6[%get3A_34, %get3A_35] : memref<1x64xf32, #tpu.memory_space<vmem>>, vector<1x64xf32>
    %mul3A_37 = vector.broadcast %get3A_36 : vector<1x64xf32> to vector<1024x64xf32>
    %mul3A_38 = arith.mulf %div3A_33, %mul3A_37 : vector<1024x64xf32>
    %get3A_39 = arith.constant 0 : index
    %get3A_40 = arith.constant 0 : index
    %get3A_41 = vector.load %arg7[%get3A_39, %get3A_40] : memref<1x64xf32, #tpu.memory_space<vmem>>, vector<1x64xf32>
    %add3A_42 = vector.broadcast %get3A_41 : vector<1x64xf32> to vector<1024x64xf32>
    %add3A_43 = arith.addf %mul3A_38, %add3A_42 : vector<1024x64xf32>
    %ge3A = arith.constant 0.000000e+00 : f32
    %ge3A_44 = vector.broadcast %ge3A : f32 to vector<1024x64xf32>
    %ge3A_45 = arith.cmpf oge, %add3A_43, %ge3A_44 : vector<1024x64xf32>
    %mul3A_46 = arith.constant 2.000000e-01 : f32
    %mul3A_47 = vector.broadcast %mul3A_46 : f32 to vector<1024x64xf32>
    %mul3A_48 = arith.mulf %mul3A_47, %add3A_43 : vector<1024x64xf32>
    %select_n3A = arith.select %ge3A_45, %add3A_43, %mul3A_48 : vector<1024x64xi1>, vector<1024x64xf32>
    %get3A_49 = arith.constant 0 : index
    %get3A_50 = arith.constant 0 : index
    %get3A_51 = vector.load %arg4[%get3A_49, %get3A_50] : memref<1024x64xf32, #tpu.memory_space<vmem>>, vector<1024x64xf32>
    %broadcast_in_dim3A_52 = vector.shape_cast %div3A_16 : vector<64xf32> to vector<1x64xf32>
    %sub3A_53 = vector.broadcast %broadcast_in_dim3A_52 : vector<1x64xf32> to vector<1024x64xf32>
    %sub3A_54 = arith.subf %get3A_51, %sub3A_53 : vector<1024x64xf32>
    %add3A_55 = arith.constant 9.99999974E-6 : f32
    %add3A_56 = vector.broadcast %add3A_55 : f32 to vector<64xf32>
    %add3A_57 = arith.addf %sub3A_23, %add3A_56 : vector<64xf32>
    %sqrt3A_58 = math.sqrt %add3A_57 : vector<64xf32>
    %broadcast_in_dim3A_59 = vector.shape_cast %sqrt3A_58 : vector<64xf32> to vector<1x64xf32>
    %div3A_60 = vector.broadcast %broadcast_in_dim3A_59 : vector<1x64xf32> to vector<1024x64xf32>
    %div3A_61 = arith.divf %sub3A_54, %div3A_60 : vector<1024x64xf32>
    %get3A_62 = arith.constant 0 : index
    %get3A_63 = arith.constant 0 : index
    %get3A_64 = vector.load %arg8[%get3A_62, %get3A_63] : memref<1x64xf32, #tpu.memory_space<vmem>>, vector<1x64xf32>
    %mul3A_65 = vector.broadcast %get3A_64 : vector<1x64xf32> to vector<1024x64xf32>
    %mul3A_66 = arith.mulf %div3A_61, %mul3A_65 : vector<1024x64xf32>
    %get3A_67 = arith.constant 0 : index
    %get3A_68 = arith.constant 0 : index
    %get3A_69 = vector.load %arg9[%get3A_67, %get3A_68] : memref<1x64xf32, #tpu.memory_space<vmem>>, vector<1x64xf32>
    %add3A_70 = vector.broadcast %get3A_69 : vector<1x64xf32> to vector<1024x64xf32>
    %add3A_71 = arith.addf %mul3A_66, %add3A_70 : vector<1024x64xf32>
    %add3A_72 = arith.addf %select_n3A, %add3A_71 : vector<1024x64xf32>
    %get3A_73 = arith.constant 0 : index
    %get3A_74 = arith.constant 0 : index
    %get3A_75 = vector.load %arg1[%get3A_73, %get3A_74] : memref<1024x32xf32, #tpu.memory_space<vmem>>, vector<1024x32xf32>
    %concatenate3A = tpu.concatenate %get3A_75, %add3A_72 in 1 : vector<1024x32xf32>, vector<1024x64xf32> -> vector<1024x96xf32>
    %get3A_76 = arith.constant 0 : index
    %get3A_77 = arith.constant 0 : index
    %get3A_78 = vector.load %arg10[%get3A_76, %get3A_77] : memref<96x96xf32, #tpu.memory_space<vmem>>, vector<96x96xf32>
    %dot_general3A = arith.constant dense<0.000000e+00> : vector<1024x96xf32>
    %dot_general3A_79 = tpu.matmul %concatenate3A, %get3A_78, %dot_general3A {dimension_numbers = #tpu.dot_dimension_numbers<[1], [0], [0], [1], [0, 0, 1, 1], [], []>, transpose_lhs_hint = false} : vector<1024x96xf32>, vector<96x96xf32>, vector<1024x96xf32> -> vector<1024x96xf32>
    %swap3A = arith.constant 0 : index
    %swap3A_80 = arith.constant 0 : index
    %swap3A_81 = vector.load %arg11[%swap3A, %swap3A_80] : memref<1024x96xf32, #tpu.memory_space<vmem>>, vector<1024x96xf32>
    tpu.vector_store %arg11[%swap3A, %swap3A_80], %dot_general3A_79 {strides = array<i32>} : memref<1024x96xf32, #tpu.memory_space<vmem>>, vector<1024x96xf32>,
    %broadcast_in_dim3A_82 = arith.constant 0.000000e+00 : f32
    %broadcast_in_dim3A_83 = vector.broadcast %broadcast_in_dim3A_82 : f32 to vector<96xf32>
    %reduce_sum3A = arith.constant dense<0.000000e+00> : vector<96xf32>
    %reduce_sum3A_84 = vector.multi_reduction <add>, %dot_general3A_79, %reduce_sum3A [0] : vector<1024x96xf32> to vector<96xf32>
    %mul3A_85 = arith.mulf %dot_general3A_79, %dot_general3A_79 : vector<1024x96xf32>
    %reduce_sum3A_86 = arith.constant dense<0.000000e+00> : vector<96xf32>
    %reduce_sum3A_87 = vector.multi_reduction <add>, %mul3A_85, %reduce_sum3A_86 [0] : vector<1024x96xf32> to vector<96xf32>
    %stack3A = vector.shape_cast %reduce_sum3A_84 : vector<96xf32> to vector<1x96xf32>
    %stack3A_88 = vector.shape_cast %reduce_sum3A_87 : vector<96xf32> to vector<1x96xf32>
    %stack3A_89 = vector.shape_cast %broadcast_in_dim3A_83 : vector<96xf32> to vector<1x96xf32>
    %stack3A_90 = vector.shape_cast %broadcast_in_dim3A_83 : vector<96xf32> to vector<1x96xf32>
    %stack3A_91 = vector.shape_cast %broadcast_in_dim3A_83 : vector<96xf32> to vector<1x96xf32>
    %stack3A_92 = vector.shape_cast %broadcast_in_dim3A_83 : vector<96xf32> to vector<1x96xf32>
    %stack3A_93 = vector.shape_cast %broadcast_in_dim3A_83 : vector<96xf32> to vector<1x96xf32>
    %stack3A_94 = vector.shape_cast %broadcast_in_dim3A_83 : vector<96xf32> to vector<1x96xf32>
    %stack3A_95 = tpu.concatenate %stack3A, %stack3A_88, %stack3A_89, %stack3A_90, %stack3A_91, %stack3A_92, %stack3A_93, %stack3A_94 in 0 : vector<1x96xf32>, vector<1x96xf32>, vector<1x96xf32>, vector<1x96xf32>, vector<1x96xf32>, vector<1x96xf32>, vector<1x96xf32>, vector<1x96xf32> -> vector<8x96xf32>
    %eq3A = arith.constant 0 : i32
    %eq3A_96 = arith.cmpi eq, %arg0, %eq3A : i32
    %convert_element_type3A = arith.extui %eq3A_96 : i1 to i32
    %cond3A = arith.constant 0 : i32
    %cond3A_97 = arith.cmpi ne, %convert_element_type3A, %cond3A : i32
    scf.if %cond3A_97 {
      %swap3A_102 = arith.constant 0 : index
      %swap3A_103 = arith.constant 0 : index
      %swap3A_104 = vector.load %arg12[%swap3A_102, %swap3A_103] : memref<8x96xf32, #tpu.memory_space<vmem>>, vector<8x96xf32>
      tpu.vector_store %arg12[%swap3A_102, %swap3A_103], %stack3A_95 {strides = array<i32>} : memref<8x96xf32, #tpu.memory_space<vmem>>, vector<8x96xf32>,
    } else {
    }
    %ne3A = arith.constant 0 : i32
    %ne3A_98 = arith.cmpi ne, %arg0, %ne3A : i32
    %convert_element_type3A_99 = arith.extui %ne3A_98 : i1 to i32
    %cond3A_100 = arith.constant 0 : i32
    %cond3A_101 = arith.cmpi ne, %convert_element_type3A_99, %cond3A_100 : i32
    scf.if %cond3A_101 {
      %get3A_102 = arith.constant 0 : index
      %get3A_103 = arith.constant 0 : index
      %get3A_104 = vector.load %arg12[%get3A_102, %get3A_103] : memref<8x96xf32, #tpu.memory_space<vmem>>, vector<8x96xf32>
      %add3A_105 = arith.addf %get3A_104, %stack3A_95 : vector<8x96xf32>
      %swap3A_106 = arith.constant 0 : index
      %swap3A_107 = arith.constant 0 : index
      %swap3A_108 = vector.load %arg12[%swap3A_106, %swap3A_107] : memref<8x96xf32, #tpu.memory_space<vmem>>, vector<8x96xf32>
      tpu.vector_store %arg12[%swap3A_106, %swap3A_107], %add3A_105 {strides = array<i32>} : memref<8x96xf32, #tpu.memory_space<vmem>>, vector<8x96xf32>,
    } else {
    }
    return
  }
  func.func @transform_0(%arg0: i32) -> (i32, i32) {
    %c0_i32 = arith.constant 0 : i32
    %c0_i32_0 = arith.constant 0 : i32
    return %arg0, %c0_i32 : i32, i32
  }
  func.func @transform_1(%arg0: i32) -> (i32, i32) {
    %c0_i32 = arith.constant 0 : i32
    %c0_i32_0 = arith.constant 0 : i32
    return %arg0, %c0_i32 : i32, i32
  }
  func.func @transform_2(%arg0: i32) -> (i32, i32) {
    %c0_i32 = arith.constant 0 : i32
    %c0_i32_0 = arith.constant 0 : i32
    %c0_i32_1 = arith.constant 0 : i32
    return %c0_i32, %c0_i32_0 : i32, i32
  }
  func.func @transform_3(%arg0: i32) -> (i32, i32) {
    %c0_i32 = arith.constant 0 : i32
    %c0_i32_0 = arith.constant 0 : i32
    return %arg0, %c0_i32 : i32, i32
  }
  func.func @transform_4(%arg0: i32) -> (i32, i32) {
    %c0_i32 = arith.constant 0 : i32
    %c0_i32_0 = arith.constant 0 : i32
    %c0_i32_1 = arith.constant 0 : i32
    return %c0_i32, %c0_i32_0 : i32, i32
  }
  func.func @transform_5(%arg0: i32) -> (i32, i32) {
    %c0_i32 = arith.constant 0 : i32
    %c0_i32_0 = arith.constant 0 : i32
    %c0_i32_1 = arith.constant 0 : i32
    return %c0_i32, %c0_i32_0 : i32, i32
  }
  func.func @transform_6(%arg0: i32) -> (i32, i32) {
    %c0_i32 = arith.constant 0 : i32
    %c0_i32_0 = arith.constant 0 : i32
    %c0_i32_1 = arith.constant 0 : i32
    return %c0_i32, %c0_i32_0 : i32, i32
  }
  func.func @transform_7(%arg0: i32) -> (i32, i32) {
    %c0_i32 = arith.constant 0 : i32
    %c0_i32_0 = arith.constant 0 : i32
    %c0_i32_1 = arith.constant 0 : i32
    return %c0_i32, %c0_i32_0 : i32, i32
  }
  func.func @transform_8(%arg0: i32) -> (i32, i32) {
    %c0_i32 = arith.constant 0 : i32
    %c0_i32_0 = arith.constant 0 : i32
    %c0_i32_1 = arith.constant 0 : i32
    return %c0_i32, %c0_i32_0 : i32, i32
  }
  func.func @transform_9(%arg0: i32) -> (i32, i32) {
    %c0_i32 = arith.constant 0 : i32
    %c0_i32_0 = arith.constant 0 : i32
    %c0_i32_1 = arith.constant 0 : i32
    return %c0_i32, %c0_i32_0 : i32, i32
  }
  func.func @transform_10(%arg0: i32) -> (i32, i32) {
    %c0_i32 = arith.constant 0 : i32
    %c0_i32_0 = arith.constant 0 : i32
    return %arg0, %c0_i32 : i32, i32
  }
  func.func @transform_11(%arg0: i32) -> (i32, i32) {
    %c0_i32 = arith.constant 0 : i32
    %c0_i32_0 = arith.constant 0 : i32
    %c0_i32_1 = arith.constant 0 : i32
    return %c0_i32, %c0_i32_0 : i32, i32
  }
}

module attributes {stable_mosaic.version = 14 : i64} {
  func.func @_pool_kernel(%arg0: i32, %arg1: i32, %arg2: memref<1x1024x96xf32, #tpu.memory_space<vmem>>, %arg3: memref<8x96xf32, #tpu.memory_space<vmem>>, %arg4: memref<1x96xf32, #tpu.memory_space<vmem>>, %arg5: memref<1x96xf32, #tpu.memory_space<vmem>>, %arg6: memref<8x96xf32, #tpu.memory_space<vmem>>, %arg7: memref<8x96xf32, #tpu.memory_space<vmem>>) attributes {dimension_semantics = [#tpu.dimension_semantics<arbitrary>, #tpu.dimension_semantics<arbitrary>], iteration_bounds = array<i64: 8, 2>, scalar_prefetch = 0 : i64, scratch_operands = 0 : i64, tpu.core_type = #tpu.core_type<tc>, window_params = [{transform_indices = @transform_0, window_bounds = array<i64: 1, 1024, 96>}, {pipeline_mode = #tpu.pipeline_mode<synchronous>, transform_indices = @transform_1, window_bounds = array<i64: 8, 96>}, {pipeline_mode = #tpu.pipeline_mode<synchronous>, transform_indices = @transform_2, window_bounds = array<i64: 1, 96>}, {pipeline_mode = #tpu.pipeline_mode<synchronous>, transform_indices = @transform_3, window_bounds = array<i64: 1, 96>}, {pipeline_mode = #tpu.pipeline_mode<synchronous>, transform_indices = @transform_4, window_bounds = array<i64: 8, 96>}, {pipeline_mode = #tpu.pipeline_mode<synchronous>, transform_indices = @transform_5, window_bounds = array<i64: 8, 96>}]} {
    %get3A = arith.constant 0 : index
    %get3A_0 = arith.constant 0 : index
    %get3A_1 = vector.load %arg3[%get3A, %get3A_0] : memref<8x96xf32, #tpu.memory_space<vmem>>, vector<8x96xf32>
    %slice3A = vector.extract_strided_slice %get3A_1 {offsets = [0, 0], sizes = [1, 96], strides = [1, 1]} : vector<8x96xf32> to vector<1x96xf32>
    %squeeze3A = vector.shape_cast %slice3A : vector<1x96xf32> to vector<96xf32>
    %div3A = arith.constant 1.638400e+04 : f32
    %div3A_2 = vector.broadcast %div3A : f32 to vector<96xf32>
    %div3A_3 = arith.divf %squeeze3A, %div3A_2 : vector<96xf32>
    %slice3A_4 = vector.extract_strided_slice %get3A_1 {offsets = [1, 0], sizes = [1, 96], strides = [1, 1]} : vector<8x96xf32> to vector<1x96xf32>
    %squeeze3A_5 = vector.shape_cast %slice3A_4 : vector<1x96xf32> to vector<96xf32>
    %div3A_6 = arith.constant 1.638400e+04 : f32
    %div3A_7 = vector.broadcast %div3A_6 : f32 to vector<96xf32>
    %div3A_8 = arith.divf %squeeze3A_5, %div3A_7 : vector<96xf32>
    %mul3A = arith.mulf %div3A_3, %div3A_3 : vector<96xf32>
    %sub3A = arith.subf %div3A_8, %mul3A : vector<96xf32>
    %get3A_9 = arith.constant 0 : index
    %get3A_10 = arith.constant 0 : index
    %get3A_11 = arith.constant 0 : index
    %get3A_12 = vector.load %arg2[%get3A_9, %get3A_10, %get3A_11] : memref<1x1024x96xf32, #tpu.memory_space<vmem>>, vector<1x1024x96xf32>
    %get3A_13 = vector.shape_cast %get3A_12 : vector<1x1024x96xf32> to vector<1024x96xf32>
    %broadcast_in_dim3A = vector.shape_cast %div3A_3 : vector<96xf32> to vector<1x96xf32>
    %sub3A_14 = vector.broadcast %broadcast_in_dim3A : vector<1x96xf32> to vector<1024x96xf32>
    %sub3A_15 = arith.subf %get3A_13, %sub3A_14 : vector<1024x96xf32>
    %add3A = arith.constant 9.99999974E-6 : f32
    %add3A_16 = vector.broadcast %add3A : f32 to vector<96xf32>
    %add3A_17 = arith.addf %sub3A, %add3A_16 : vector<96xf32>
    %sqrt3A = math.sqrt %add3A_17 : vector<96xf32>
    %broadcast_in_dim3A_18 = vector.shape_cast %sqrt3A : vector<96xf32> to vector<1x96xf32>
    %div3A_19 = vector.broadcast %broadcast_in_dim3A_18 : vector<1x96xf32> to vector<1024x96xf32>
    %div3A_20 = arith.divf %sub3A_15, %div3A_19 : vector<1024x96xf32>
    %get3A_21 = arith.constant 0 : index
    %get3A_22 = arith.constant 0 : index
    %get3A_23 = vector.load %arg4[%get3A_21, %get3A_22] : memref<1x96xf32, #tpu.memory_space<vmem>>, vector<1x96xf32>
    %mul3A_24 = vector.broadcast %get3A_23 : vector<1x96xf32> to vector<1024x96xf32>
    %mul3A_25 = arith.mulf %div3A_20, %mul3A_24 : vector<1024x96xf32>
    %get3A_26 = arith.constant 0 : index
    %get3A_27 = arith.constant 0 : index
    %get3A_28 = vector.load %arg5[%get3A_26, %get3A_27] : memref<1x96xf32, #tpu.memory_space<vmem>>, vector<1x96xf32>
    %add3A_29 = vector.broadcast %get3A_28 : vector<1x96xf32> to vector<1024x96xf32>
    %add3A_30 = arith.addf %mul3A_25, %add3A_29 : vector<1024x96xf32>
    %ge3A = arith.constant 0.000000e+00 : f32
    %ge3A_31 = vector.broadcast %ge3A : f32 to vector<1024x96xf32>
    %ge3A_32 = arith.cmpf oge, %add3A_30, %ge3A_31 : vector<1024x96xf32>
    %mul3A_33 = arith.constant 2.000000e-01 : f32
    %mul3A_34 = vector.broadcast %mul3A_33 : f32 to vector<1024x96xf32>
    %mul3A_35 = arith.mulf %mul3A_34, %add3A_30 : vector<1024x96xf32>
    %select_n3A = arith.select %ge3A_32, %add3A_30, %mul3A_35 : vector<1024x96xi1>, vector<1024x96xf32>
    %reduce_max3A = arith.constant dense<0xFF800000> : vector<96xf32>
    %reduce_max3A_36 = vector.multi_reduction <maximumf>, %select_n3A, %reduce_max3A [0] : vector<1024x96xf32> to vector<96xf32>
    %broadcast_in_dim3A_37 = vector.shape_cast %reduce_max3A_36 : vector<96xf32> to vector<1x96xf32>
    %reduce_sum3A = arith.constant dense<0.000000e+00> : vector<96xf32>
    %reduce_sum3A_38 = vector.multi_reduction <add>, %select_n3A, %reduce_sum3A [0] : vector<1024x96xf32> to vector<96xf32>
    %broadcast_in_dim3A_39 = vector.shape_cast %reduce_sum3A_38 : vector<96xf32> to vector<1x96xf32>
    %eq3A = arith.constant 0 : i32
    %eq3A_40 = arith.cmpi eq, %arg0, %eq3A : i32
    %eq3A_41 = arith.constant 0 : i32
    %eq3A_42 = arith.cmpi eq, %arg1, %eq3A_41 : i32
    %and3A = arith.andi %eq3A_40, %eq3A_42 : i1
    %convert_element_type3A = arith.extui %and3A : i1 to i32
    %cond3A = arith.constant 0 : i32
    %cond3A_43 = arith.cmpi ne, %convert_element_type3A, %cond3A : i32
    scf.if %cond3A_43 {
      %broadcast_in_dim3A_56 = arith.constant 0xFF800000 : f32
      %broadcast_in_dim3A_57 = vector.broadcast %broadcast_in_dim3A_56 : f32 to vector<8x96xf32>
      %swap3A_58 = arith.constant 0 : index
      %swap3A_59 = arith.constant 0 : index
      %swap3A_60 = vector.load %arg6[%swap3A_58, %swap3A_59] : memref<8x96xf32, #tpu.memory_space<vmem>>, vector<8x96xf32>
      tpu.vector_store %arg6[%swap3A_58, %swap3A_59], %broadcast_in_dim3A_57 {strides = array<i32>} : memref<8x96xf32, #tpu.memory_space<vmem>>, vector<8x96xf32>,
      %broadcast_in_dim3A_61 = arith.constant 0.000000e+00 : f32
      %broadcast_in_dim3A_62 = vector.broadcast %broadcast_in_dim3A_61 : f32 to vector<8x96xf32>
      %swap3A_63 = arith.constant 0 : index
      %swap3A_64 = arith.constant 0 : index
      %swap3A_65 = vector.load %arg7[%swap3A_63, %swap3A_64] : memref<8x96xf32, #tpu.memory_space<vmem>>, vector<8x96xf32>
      tpu.vector_store %arg7[%swap3A_63, %swap3A_64], %broadcast_in_dim3A_62 {strides = array<i32>} : memref<8x96xf32, #tpu.memory_space<vmem>>, vector<8x96xf32>,
    } else {
    }
    %get3A_44 = arith.index_cast %arg0 : i32 to index
    %get3A_45 = arith.constant 0 : index
    %get3A_46 = vector.load %arg6[%get3A_44, %get3A_45] : memref<8x96xf32, #tpu.memory_space<vmem>>, vector<1x96xf32>
    %max3A = arith.maximumf %get3A_46, %broadcast_in_dim3A_37 : vector<1x96xf32>
    %swap3A = arith.index_cast %arg0 : i32 to index
    %swap3A_47 = arith.constant 0 : index
    %swap3A_48 = vector.load %arg6[%swap3A, %swap3A_47] : memref<8x96xf32, #tpu.memory_space<vmem>>, vector<1x96xf32>
    tpu.vector_store %arg6[%swap3A, %swap3A_47], %max3A {strides = array<i32>} : memref<8x96xf32, #tpu.memory_space<vmem>>, vector<1x96xf32>,
    %get3A_49 = arith.index_cast %arg0 : i32 to index
    %get3A_50 = arith.constant 0 : index
    %get3A_51 = vector.load %arg7[%get3A_49, %get3A_50] : memref<8x96xf32, #tpu.memory_space<vmem>>, vector<1x96xf32>
    %add3A_52 = arith.addf %get3A_51, %broadcast_in_dim3A_39 : vector<1x96xf32>
    %swap3A_53 = arith.index_cast %arg0 : i32 to index
    %swap3A_54 = arith.constant 0 : index
    %swap3A_55 = vector.load %arg7[%swap3A_53, %swap3A_54] : memref<8x96xf32, #tpu.memory_space<vmem>>, vector<1x96xf32>
    tpu.vector_store %arg7[%swap3A_53, %swap3A_54], %add3A_52 {strides = array<i32>} : memref<8x96xf32, #tpu.memory_space<vmem>>, vector<1x96xf32>,
    return
  }
  func.func @transform_0(%arg0: i32, %arg1: i32) -> (i32, i32, i32) {
    %c0_i32 = arith.constant 0 : i32
    %c0_i32_0 = arith.constant 0 : i32
    return %arg0, %arg1, %c0_i32 : i32, i32, i32
  }
  func.func @transform_1(%arg0: i32, %arg1: i32) -> (i32, i32) {
    %c0_i32 = arith.constant 0 : i32
    %c0_i32_0 = arith.constant 0 : i32
    %c0_i32_1 = arith.constant 0 : i32
    return %c0_i32, %c0_i32_0 : i32, i32
  }
  func.func @transform_2(%arg0: i32, %arg1: i32) -> (i32, i32) {
    %c0_i32 = arith.constant 0 : i32
    %c0_i32_0 = arith.constant 0 : i32
    %c0_i32_1 = arith.constant 0 : i32
    return %c0_i32, %c0_i32_0 : i32, i32
  }
  func.func @transform_3(%arg0: i32, %arg1: i32) -> (i32, i32) {
    %c0_i32 = arith.constant 0 : i32
    %c0_i32_0 = arith.constant 0 : i32
    %c0_i32_1 = arith.constant 0 : i32
    return %c0_i32, %c0_i32_0 : i32, i32
  }
  func.func @transform_4(%arg0: i32, %arg1: i32) -> (i32, i32) {
    %c0_i32 = arith.constant 0 : i32
    %c0_i32_0 = arith.constant 0 : i32
    %c0_i32_1 = arith.constant 0 : i32
    return %c0_i32, %c0_i32_0 : i32, i32
  }
  func.func @transform_5(%arg0: i32, %arg1: i32) -> (i32, i32) {
    %c0_i32 = arith.constant 0 : i32
    %c0_i32_0 = arith.constant 0 : i32
    %c0_i32_1 = arith.constant 0 : i32
    return %c0_i32, %c0_i32_0 : i32, i32
  }
}

module attributes {stable_mosaic.version = 14 : i64} {
  func.func @_tail_kernel(%arg0: memref<8x96xf32, #tpu.memory_space<vmem>>, %arg1: memref<8x96xf32, #tpu.memory_space<vmem>>, %arg2: memref<8x6xf32, #tpu.memory_space<vmem>>, %arg3: memref<198x128xf32, #tpu.memory_space<vmem>>, %arg4: memref<1x128xf32, #tpu.memory_space<vmem>>, %arg5: memref<1x128xf32, #tpu.memory_space<vmem>>, %arg6: memref<1x128xf32, #tpu.memory_space<vmem>>, %arg7: memref<128x256xf32, #tpu.memory_space<vmem>>, %arg8: memref<1x256xf32, #tpu.memory_space<vmem>>, %arg9: memref<8x256xf32, #tpu.memory_space<vmem>>) attributes {dimension_semantics = [], scalar_prefetch = 0 : i64, scratch_operands = 0 : i64, tpu.core_type = #tpu.core_type<tc>} {
    %get3A = arith.constant 0 : index
    %get3A_0 = arith.constant 0 : index
    %get3A_1 = vector.load %arg0[%get3A, %get3A_0] : memref<8x96xf32, #tpu.memory_space<vmem>>, vector<8x96xf32>
    %get3A_2 = arith.constant 0 : index
    %get3A_3 = arith.constant 0 : index
    %get3A_4 = vector.load %arg1[%get3A_2, %get3A_3] : memref<8x96xf32, #tpu.memory_space<vmem>>, vector<8x96xf32>
    %div3A = arith.constant 2.048000e+03 : f32
    %div3A_5 = vector.broadcast %div3A : f32 to vector<8x96xf32>
    %div3A_6 = arith.divf %get3A_4, %div3A_5 : vector<8x96xf32>
    %get3A_7 = arith.constant 0 : index
    %get3A_8 = arith.constant 0 : index
    %get3A_9 = vector.load %arg2[%get3A_7, %get3A_8] : memref<8x6xf32, #tpu.memory_space<vmem>>, vector<8x6xf32>
    %concatenate3A = tpu.concatenate %get3A_1, %div3A_6, %get3A_9 in 1 : vector<8x96xf32>, vector<8x96xf32>, vector<8x6xf32> -> vector<8x198xf32>
    %get3A_10 = arith.constant 0 : index
    %get3A_11 = arith.constant 0 : index
    %get3A_12 = vector.load %arg3[%get3A_10, %get3A_11] : memref<198x128xf32, #tpu.memory_space<vmem>>, vector<198x128xf32>
    %dot_general3A = arith.constant dense<0.000000e+00> : vector<8x128xf32>
    %dot_general3A_13 = tpu.matmul %concatenate3A, %get3A_12, %dot_general3A {dimension_numbers = #tpu.dot_dimension_numbers<[1], [0], [0], [1], [0, 0, 1, 1], [], []>, transpose_lhs_hint = false} : vector<8x198xf32>, vector<198x128xf32>, vector<8x128xf32> -> vector<8x128xf32>
    %get3A_14 = arith.constant 0 : index
    %get3A_15 = arith.constant 0 : index
    %get3A_16 = vector.load %arg4[%get3A_14, %get3A_15] : memref<1x128xf32, #tpu.memory_space<vmem>>, vector<1x128xf32>
    %add3A = vector.broadcast %get3A_16 : vector<1x128xf32> to vector<8x128xf32>
    %add3A_17 = arith.addf %dot_general3A_13, %add3A : vector<8x128xf32>
    %reduce_sum3A = arith.constant dense<0.000000e+00> : vector<128xf32>
    %reduce_sum3A_18 = vector.multi_reduction <add>, %add3A_17, %reduce_sum3A [0] : vector<8x128xf32> to vector<128xf32>
    %broadcast_in_dim3A = vector.shape_cast %reduce_sum3A_18 : vector<128xf32> to vector<1x128xf32>
    %div3A_19 = arith.constant 8.000000e+00 : f32
    %div3A_20 = vector.broadcast %div3A_19 : f32 to vector<1x128xf32>
    %div3A_21 = arith.divf %broadcast_in_dim3A, %div3A_20 : vector<1x128xf32>
    %sub3A = vector.broadcast %div3A_21 : vector<1x128xf32> to vector<8x128xf32>
    %sub3A_22 = arith.subf %add3A_17, %sub3A : vector<8x128xf32>
    %sub3A_23 = vector.broadcast %div3A_21 : vector<1x128xf32> to vector<8x128xf32>
    %sub3A_24 = arith.subf %add3A_17, %sub3A_23 : vector<8x128xf32>
    %mul3A = arith.mulf %sub3A_22, %sub3A_24 : vector<8x128xf32>
    %reduce_sum3A_25 = arith.constant dense<0.000000e+00> : vector<128xf32>
    %reduce_sum3A_26 = vector.multi_reduction <add>, %mul3A, %reduce_sum3A_25 [0] : vector<8x128xf32> to vector<128xf32>
    %broadcast_in_dim3A_27 = vector.shape_cast %reduce_sum3A_26 : vector<128xf32> to vector<1x128xf32>
    %div3A_28 = arith.constant 8.000000e+00 : f32
    %div3A_29 = vector.broadcast %div3A_28 : f32 to vector<1x128xf32>
    %div3A_30 = arith.divf %broadcast_in_dim3A_27, %div3A_29 : vector<1x128xf32>
    %sub3A_31 = vector.broadcast %div3A_21 : vector<1x128xf32> to vector<8x128xf32>
    %sub3A_32 = arith.subf %add3A_17, %sub3A_31 : vector<8x128xf32>
    %add3A_33 = arith.constant 9.99999974E-6 : f32
    %add3A_34 = vector.broadcast %add3A_33 : f32 to vector<1x128xf32>
    %add3A_35 = arith.addf %div3A_30, %add3A_34 : vector<1x128xf32>
    %sqrt3A = math.sqrt %add3A_35 : vector<1x128xf32>
    %div3A_36 = vector.broadcast %sqrt3A : vector<1x128xf32> to vector<8x128xf32>
    %div3A_37 = arith.divf %sub3A_32, %div3A_36 : vector<8x128xf32>
    %get3A_38 = arith.constant 0 : index
    %get3A_39 = arith.constant 0 : index
    %get3A_40 = vector.load %arg5[%get3A_38, %get3A_39] : memref<1x128xf32, #tpu.memory_space<vmem>>, vector<1x128xf32>
    %mul3A_41 = vector.broadcast %get3A_40 : vector<1x128xf32> to vector<8x128xf32>
    %mul3A_42 = arith.mulf %div3A_37, %mul3A_41 : vector<8x128xf32>
    %get3A_43 = arith.constant 0 : index
    %get3A_44 = arith.constant 0 : index
    %get3A_45 = vector.load %arg6[%get3A_43, %get3A_44] : memref<1x128xf32, #tpu.memory_space<vmem>>, vector<1x128xf32>
    %add3A_46 = vector.broadcast %get3A_45 : vector<1x128xf32> to vector<8x128xf32>
    %add3A_47 = arith.addf %mul3A_42, %add3A_46 : vector<8x128xf32>
    %ge3A = arith.constant 0.000000e+00 : f32
    %ge3A_48 = vector.broadcast %ge3A : f32 to vector<8x128xf32>
    %ge3A_49 = arith.cmpf oge, %add3A_47, %ge3A_48 : vector<8x128xf32>
    %mul3A_50 = arith.constant 2.000000e-01 : f32
    %mul3A_51 = vector.broadcast %mul3A_50 : f32 to vector<8x128xf32>
    %mul3A_52 = arith.mulf %mul3A_51, %add3A_47 : vector<8x128xf32>
    %select_n3A = arith.select %ge3A_49, %add3A_47, %mul3A_52 : vector<8x128xi1>, vector<8x128xf32>
    %get3A_53 = arith.constant 0 : index
    %get3A_54 = arith.constant 0 : index
    %get3A_55 = vector.load %arg7[%get3A_53, %get3A_54] : memref<128x256xf32, #tpu.memory_space<vmem>>, vector<128x256xf32>
    %dot_general3A_56 = arith.constant dense<0.000000e+00> : vector<8x256xf32>
    %dot_general3A_57 = tpu.matmul %select_n3A, %get3A_55, %dot_general3A_56 {dimension_numbers = #tpu.dot_dimension_numbers<[1], [0], [0], [1], [0, 0, 1, 1], [], []>, transpose_lhs_hint = false} : vector<8x128xf32>, vector<128x256xf32>, vector<8x256xf32> -> vector<8x256xf32>
    %get3A_58 = arith.constant 0 : index
    %get3A_59 = arith.constant 0 : index
    %get3A_60 = vector.load %arg8[%get3A_58, %get3A_59] : memref<1x256xf32, #tpu.memory_space<vmem>>, vector<1x256xf32>
    %add3A_61 = vector.broadcast %get3A_60 : vector<1x256xf32> to vector<8x256xf32>
    %add3A_62 = arith.addf %dot_general3A_57, %add3A_61 : vector<8x256xf32>
    %tanh3A = math.tanh %add3A_62 : vector<8x256xf32>
    %swap3A = arith.constant 0 : index
    %swap3A_63 = arith.constant 0 : index
    %swap3A_64 = vector.load %arg9[%swap3A, %swap3A_63] : memref<8x256xf32, #tpu.memory_space<vmem>>, vector<8x256xf32>
    tpu.vector_store %arg9[%swap3A, %swap3A_63], %tanh3A {strides = array<i32>} : memref<8x256xf32, #tpu.memory_space<vmem>>, vector<8x256xf32>,
    return
  }
}

</mosaic_0001>

<sc_bundles>
// kernel: kernel.13.cloned.1.call-start
scs
__scs_entry_jumppad:
0x0: {  	(pc) =	sbr.rel $0x88, $3  }
0x1: {  	(tag) =	ssettag $0x0;
	lr =	simm.s32 $0x1  }
0x2: {  	[smem:$0x3F8E] =	sst lr;
	_ =	strace $0xD0000000  }
0x3: {  	_ = 	snop  }
0x4: {  	_ = 	snop  }
0x5: {  	_ = 	snop  }
0x6: {  	_ = 	snop  }
0x7: {  	_ = 	snop  }
__scs_overlays_trampoline_lowered:
0x8: {  	[smem:$0x3F9D] =	sst s0  }
0x9: {  	[smem:$0x3F9E] =	sst s1  }
0xa: {  	[smem:$0x3F9F] =	sst s2  }
0xb: {  	[smem:$0x3FA0] =	sst s3  }
0xc: {  	[smem:$0x3FA1] =	sst s4  }
0xd: {  	[smem:$0x3FA2] =	sst s5  }
0xe: {  	[smem:$0x3FA3] =	sst s6  }
0xf: {  	[smem:$0x3FA4] =	sst s7  }
0x10: {  	[smem:$0x3FA5] =	sst s8  }
0x11: {  	[smem:$0x3FA6] =	sst s9;
	s0 =	simm.s32 @!p0 $0x0  }
0x12: {  	s1 =	sld [smem:$0x3F8C];
	s0 =	simm.s32 @p0 $0x1  }
0x13: {  	[smem:$0x3FA7] =	sst s0;
	s0 =	simm.s32 @!p1 $0x0  }
0x14: {  	s2 =	sld [smem:$0x3F8B];
	s0 =	simm.s32 @p1 $0x1  }
0x15: {  	[smem:$0x3FA8] =	sst s0;
	s0 =	simm.s32 @!p2 $0x0  }
0x16: {  	s3 =	sld [smem:$0x3FDB];
	s0 =	simm.s32 @p2 $0x1  }
0x17: {  	s4 =	simm.s32 $0x1BF5;
	[smem:$0x3FAA] =	sst s0  }
0x18: {  	s0 =	sld [smem:$0x3F8D];
	_ =	swait.ge [sflag:s4], $0x0  }
0x19: {  	s7 =	sld [smem:$0x3F8E]  }
0x1a: {  	s8 =	sadd.s32 $0xFFFFE003, lr  }
0x1b: {  	s9 =	sadd.s32 $0xFFFFFEF7, lr;
	s5 =	simm.s32 $0xFFFFFFFF;
	p2 =	slt.u32 s8, $0xFFFFF086  }
0x1c: {  	p1 =	slt.u32 s9, $0xF7A;
	s5 =	simm.s32 @!p2 $0x0  }
0x1d: {  	s5 =	simm.s32 @p1 $0x1;
	p0 =	seq.s32 s7, s2  }
0x1e: {  	s7 =	smul.u32 @!p0 $0xF7A, s2;
	p2 =	seq.s32 @!p0 s5, $0x0  }
0x1f: {  	s9 =	smul.u32 $0xF7A, s1;
	s8 =	simm.s32 @!p0 $0x1BF5;
	p2 =	por !p2, p0  }
0x20: {  	[sflag:s8] =	ssyncset.s32 @!p0 $0xFFFFF086;
	s6 =	sadd.s32 @!p0 s3, s7;
	s7 =	simm.s32 @!p0 $0x108  }
0x21: {  	s3 =	sadd.s32 s3, s9;
	s6 =	sadd.s32 @!p0 $0x88, s6;
	s7 =	simm.s32 @p2 $0x1082  }
0x22: {  	[simem:s7], [sflag:s8] =	dma.local @!p0 [hbm:s6], $0xF7A  }
0x23: {  	s9 =	sor.u32 $0xD0000000, s2;
	s6 =	simm.s32 $0x108;
	_ =	swait.ge @!p0 [sflag:s8], $0x0  }
0x24: {  	s3 =	sadd.s32 $0x88, s3;
	s6 =	simm.s32 @!p1 $0x1082;
	[sflag:s4] =	ssyncset.s32 $0xFFFFF086  }
0x25: {  	[simem:s6], [sflag:s4] =	dma.local [hbm:s3], $0xF7A  }
0x26: {  	[smem:$0x3F8E] =	sst s1;
	(tag) =	ssettag s2;
	_ =	strace s9  }
0x27: {  	s1 =	sld [smem:$0x3F9E]  }
0x28: {  	s2 =	sld [smem:$0x3F9F]  }
0x29: {  	s4 =	sld [smem:$0x3FA1]  }
0x2a: {  	p0 =	seq.s32 s5, $0x0;
	s5 =	sld [smem:$0x3FA2]  }
0x2b: {  	s6 =	sld [smem:$0x3FA3]  }
0x2c: {  	s7 =	sld [smem:$0x3FA4]  }
0x2d: {  	s3 =	simm.s32 $0x108;
	s8 =	sld [smem:$0x3FA5]  }
0x2e: {  	s3 =	simm.s32 @!p0 $0x1082;
	s9 =	sld [smem:$0x3FA6]  }
0x2f: {  	lr =	sadd.s32 s0, s3;
	s0 =	sld [smem:$0x3F9D]  }
0x30: {  	s3 =	sld [smem:$0x3FA0]  }
0x31: {  	[smem:$0x3FA9] =	sst s10  }
0x32: {  	s10 =	sld [smem:$0x3FA7];
	_ =	sdelay $0x3  }
0x33: {  	p0 =	seq.s32 s10, $0x1;
	s10 =	sld [smem:$0x3FA9];
	_ =	sdelay $0x3  }
0x34: {  	[smem:$0x3FA9] =	sst s10  }
0x35: {  	s10 =	sld [smem:$0x3FA8];
	_ =	sdelay $0x3  }
0x36: {  	p1 =	seq.s32 s10, $0x1;
	s10 =	sld [smem:$0x3FA9];
	_ =	sdelay $0x3  }
0x37: {  	[smem:$0x3FA9] =	sst s10  }
0x38: {  	s10 =	sld [smem:$0x3FAA]  }
0x39: {  	_ = 	snop;
	(pc) =	sbr.ind lr, $3  }
0x3a: {  	_ = 	snop  }
0x3b: {  	_ = 	snop  }
0x3c: {  	p2 =	seq.s32 s10, $0x1;
	s10 =	sld [smem:$0x3FA9]  }
0x3d: {  	_ =	shalt  }
0x3e: {  	_ =	shalt  }
0x3f: {  	_ =	shalt  }
0x40: {  	_ =	shalt  }
0x41: {  	_ =	shalt  }
0x42: {  	_ =	shalt  }
0x43: {  	_ =	shalt  }
0x44: {  	_ =	shalt  }
0x45: {  	_ =	shalt  }
0x46: {  	_ =	shalt  }
0x47: {  	_ =	shalt  }
0x48: {  	_ =	shalt  }
0x49: {  	_ =	shalt  }
0x4a: {  	_ =	shalt  }
0x4b: {  	_ =	shalt  }
0x4c: {  	_ =	shalt  }
0x4d: {  	_ =	shalt  }
0x4e: {  	_ =	shalt  }
0x4f: {  	_ =	shalt  }
0x50: {  	_ =	shalt  }
0x51: {  	_ =	shalt  }
0x52: {  	_ =	shalt  }
0x53: {  	_ =	shalt  }
0x54: {  	_ =	shalt  }
0x55: {  	_ =	shalt  }
0x56: {  	_ =	shalt  }
0x57: {  	_ =	shalt  }
0x58: {  	_ =	shalt  }
0x59: {  	_ =	shalt  }
0x5a: {  	_ =	shalt  }
0x5b: {  	_ =	shalt  }
0x5c: {  	_ =	shalt  }
0x5d: {  	_ =	shalt  }
0x5e: {  	_ =	shalt  }
0x5f: {  	_ =	shalt  }
0x60: {  	_ =	shalt  }
0x61: {  	_ =	shalt  }
0x62: {  	_ =	shalt  }
0x63: {  	_ =	shalt  }
0x64: {  	_ =	shalt  }
0x65: {  	_ =	shalt  }
0x66: {  	_ =	shalt  }
0x67: {  	_ =	shalt  }
0x68: {  	_ =	shalt  }
0x69: {  	_ =	shalt  }
0x6a: {  	_ =	shalt  }
0x6b: {  	_ =	shalt  }
0x6c: {  	_ =	shalt  }
0x6d: {  	_ =	shalt  }
0x6e: {  	_ =	shalt  }
0x6f: {  	_ =	shalt  }
0x70: {  	_ =	shalt  }
0x71: {  	_ =	shalt  }
0x72: {  	_ =	shalt  }
0x73: {  	_ =	shalt  }
0x74: {  	_ =	shalt  }
0x75: {  	_ =	shalt  }
0x76: {  	_ =	shalt  }
0x77: {  	_ =	shalt  }
0x78: {  	_ =	shalt  }
0x79: {  	_ =	shalt  }
0x7a: {  	_ =	shalt  }
0x7b: {  	_ =	shalt  }
0x7c: {  	_ =	shalt  }
0x7d: {  	_ =	shalt  }
0x7e: {  	_ =	shalt  }
0x7f: {  	_ =	shalt  }
0x80: {  	_ =	shalt  }
0x81: {  	_ =	shalt  }
0x82: {  	_ =	shalt  }
0x83: {  	_ =	shalt  }
0x84: {  	_ =	shalt  }
0x85: {  	_ =	shalt  }
0x86: {  	_ =	shalt  }
0x87: {  	_ =	shalt  }
.Lfunc_end0:
.L_simem_size_0:
called_computation_lowered:
.L_overlay_start_0:
0x88: {  	s2 =	sld [smem:$0x3FD9]  }
0x89: {  	s3 =	sld [smem:$0x3FFE];
	_ =	sdelay $0x1  }
0x8a: {  	s1 =	srdreg.scid  }
0x8b: {  	s0 =	sand.u32 $0x1, s1  }
0x8c: {  	s16 =	sshll.u32 s0, $0xA;
	s2 =	sadd.s32 s3, s2  }
0x8d: {  	s2 =	sadd.s32 s2, s16  }
0x8e: {  	[smem:$0x3FB5] =	sst s2  }
0x8f: {  	_ = 	snop  }
0x90: {  	(tm) =	ssettm $0x1  }
0x91: {  	s17 =	sld [smem:$0x3FFB];
	_ =	sdelay $0x3  }
0x92: {  	_ =	strace s17  }
0x93: {  	s2 =	sld [smem:$0x3FFC];
	_ =	sdelay $0x3  }
0x94: {  	_ =	strace s2  }
0x95: {  	s2 =	sld [smem:$0x3FFD];
	_ =	sdelay $0x3  }
0x96: {  	_ =	strace s2  }
0x97: {  	_ =	strace $0x8FFFFFFF  }
0x98: {  	s18 =	sld [smem:$0x3FDB];
	_ =	sdelay $0x1  }
0x99: {  	s19 =	simm.s32 $_scs_section_size  }
0x9a: {  	s4 =	simm.s32 $_size__tile_overlayer_lowered;
	s5 =	simm.s32 $_tile_overlayer_lowered  }
0x9b: {  	s22 =	simm.s32 $0x1BFF;
	s21 =	sshll.u32 s5, $0x1;
	s2 =	sadd.s32 s19, s18  }
0x9c: {  	s6 =	simm.s32 $0x0;
	s20 =	sshll.u32 s4, $0x1;
	s4 =	sadd.s32 s21, s2  }
0x9d: {  	[timem:s6], [sflag:s22] =	dma.local [hbm:s4], s20  }
0x9e: {  	_ =	swait.ge [sflag:s22], s20  }
0x9f: {  	s3 =	ssub.s32 $0x0, s20;
	[sflag:s22] =	ssyncset.done $0x0  }
0xa0: {  	[sflag:s22] =	ssyncadd.s32 s3;
	_ =	sdelay $0x1  }
0xa1: {  	s23 =	simm.s32 $0x1B8B  }
0xa2: {  	_ =	swait.ge [sflag:s23], $0x1  }
0xa3: {  	[sflag:s23] =	ssyncset.done $0x0  }
0xa4: {  	s25 =	simm.s32 $0x1B8E;
	s24 =	sld [smem:$0x3FFE];
	[sflag:s23] =	ssyncadd.s32 $0xFFFFFFFF  }
0xa5: {  	s26 =	simm.s32 $execute0_lowered;
	[smem:$0x3FD2] =	sst s25  }
0xa6: {  	s4 =	sshll.u32 s26, $0x1;
	_ =	strace $0x80000046;
	[dreg:$0x1] =	wrdreg $0xFFFFFFFF  }
0xa7: {  	s28 =	simm.s32 $_size_execute0_lowered;
	s2 =	sadd.s32 s2, s4;
	[dreg:$0x0] =	wrdreg $0x0  }
0xa8: {  	s4 =	sshll.u32 s28, $0x1;
	[dreg:$0x2] =	wrdreg s2  }
0xa9: {  	[dreg:$0x3] =	wrdreg s4  }
0xaa: {  	[dreg:$0x4] =	wrdreg $0xC0  }
0xab: {  	_ =	task [dreg:s6], $0x5FFFF  }
0xac: {  	[dreg:$0x1] =	wrdreg $0xFFFFFFFF  }
0xad: {  	[dreg:$0x0] =	wrdreg $0x60  }
0xae: {  	[dreg:$0x2] =	wrdreg s24  }
0xaf: {  	[dreg:$0x3] =	wrdreg $0x9  }
0xb0: {  	_ =	task.clear_ibuf [dreg:s6], $0x4FFFF;
	_ =	strace $0x90000046  }
0xb1: {  	s29 =	simm.s32 $0x9;
	_ =	strace $0x80000048  }
0xb2: {  	_ =	swait.ge [sflag:s29], $0x1  }
0xb3: {  	[sflag:s29] =	ssyncadd.s32 $0xFFFFFFFF  }
0xb4: {  	_ =	strace $0x90000048  }
0xb5: {  	_ =	sfence  }
0xb6: {  	s30 =	sld [smem:$0x0];
	_ =	sdelay $0x2  }
0xb7: {  	s31 =	sshll.u32 s1, $0xD;
	s1 =	sshrl.u32 s1, $0x2  }
0xb8: {  	s3 =	sand.u32 $0x4000, s31;
	s1 =	sadd.s32 s1, s30  }
0xb9: {  	s0 =	sor.u32 s3, s0;
	s1 =	sshll.u32 s1, $0x11  }
0xba: {  	s0 =	sor.u32 s1, s0  }
0xbb: {  	s0 =	sadd.s32 $0x8F2B, s0  }
0xbc: {  	[sflag:s0] =	ssyncadd.remote.s32 $0x1  }
0xbd: {  	_ =	sfence.sel $0xFFFF  }
0xbe: {  	[dreg:$0x0] =	wrdreg $0xFFFFFFFF;
	(pc) =	sbr.abs _section_cstart, $3  }
0xbf: {  	[dreg:$0x1] =	wrdreg $0xFFFFFFFF  }
0xc0: {  	_ =	task.clear_ibuf [dreg:s6], $0x2FFFF;
	_ =	strace $0x9FFFFFFF  }
0xc1: {  	(tm) =	ssettm $0x7FFFFFFF  }
tec
execute0_lowered:
.L_overlay_start_1:
0x0: {  	(tag) =	ssettag $0x1  }
0x1: {  	s1 =	srdreg.scid  }
0x2: {  	s0 =	stileid.u32;
	s4 =	rddreg [dreg:$0x0]  }
0x3: {  	s2 =	simm.s32 $0x0;
	s14 =	simm.s32 $0x1;
	s15 =	simm.s32 $0x2  }
0x4: {  	s16 =	simm.s32 $0x27B0;
	s17 =	simm.s32 $0x0;
	s10 =	smul.u32 $0x5000, s0  }
0x5: {  	s6 =	sand.u32 $0x1, s1;
	s3 =	sshll.u32 s0, $0x1;
	s29 =	smul.u32 $0xA000, s0  }
0x6: {  	s1 =	rddreg [dreg:$0x1];
	s5 =	sor.u32 s6, s3;
	s28 =	smul.u32 $0x2800, s6  }
0x7: {  	[smem:$0x7FF] =	sst s2;
	s11 =	sadd.s32 $0x12C00, s4;
	s7 =	smul.u32 $0x2800, s5  }
0x8: {  	_ =	strace $0x80000047;
	s8 =	ssub.s32 $0x2, s6;
	s9 =	smul.u32 $0x5000, s5  }
0x9: {  	s3 =	sadd.s32 $0xC00, s4;
	s12 =	smul.u32 $0x5000, s6;
	s26 =	sshrl.u32 s8, $0x1  }
0xa: {  	s30 =	sadd.s32 s29, s11;
	s7 =	sshrl.u32 s7, $0x3;
	s9 =	sadd.s32 s11, s9  }
0xb: {  	s25 =	sadd.s32 s7, s4;
	s7 =	ssub.s32 s8, s26;
	s8 =	sadd.s32 s28, s10  }
0xc: {  	s6 =	sadd.s32 $0x4EC0, s9;
	s10 =	simm.s32 $0x3;
	s4 =	sadd.s32 $0x8C00, s25  }
0xd: {  	s5 =	smax.u32 s7, $0x1;
	s13 =	sshll.u32 s8, $0x1;
	s7 =	sadd.s32 $0x4F60, s9  }
0xe: {  	s8 =	sadd.s32 s12, s30;
	s12 =	simm.s32 $0x50;
	s31 =	sadd.s32 s13, s11  }
0xf: {  	s11 =	simm.s32 $0x2800;
	s13 =	simm.s32 $0x2D00;
	s9 =	sadd.s32 $0xA0, s31  }
.LBB2_1:
0x10: {  	[tilespmem:s2], [sflag:$0x3] =	stream.linear.gather [hbm4b:s4+s2], $0x2800, $0x38;
	[tilespmem:$0x3200] =	vst v63  }
0x11: {  	_ =	swait.ge [sflag:s10], $0x2800  }
0x12: {  	[sflag:s10] =	ssyncset.done $0x0  }
0x13: {  	[sflag:s10] =	ssyncadd.s32 $0xFFFFD800  }
0x14: {  	[tilespmem:s11], [sflag:$0x1] =	stream.indirect.gather [hbm4b:s3+s12], $0x10, s2, s12, $0xb8;
	[tilespmem:$0x3200] =	vst v63  }
0x15: {  	_ = 	snop  }
0x16: {  	[tilespmem:s13], [sflag:$0x2] =	stream.indirect.gather [hbm4b:s3+s12], $0x10, s12, s12, $0xb8;
	[tilespmem:$0x3200] =	vst v63  }
0x17: {  	_ =	swait.ge [sflag:s14], $0x500  }
0x18: {  	[sflag:s14] =	ssyncset.done $0x0  }
0x19: {  	s18 =	sadd.s32 $0x0, s8;
	[sflag:s14] =	ssyncadd.s32 $0xFFFFFB00  }
0x1a: {  	[hbm4b:s18+s2] =	stream.linear.scatter [tilespmem:s11], [sflag:$0x3], $0x500, $0x38;
	[tilespmem:$0x3200] =	vst v63  }
0x1b: {  	_ =	swait.ge [sflag:s10], $0x500  }
0x1c: {  	[sflag:s10] =	ssyncset.done $0x0  }
0x1d: {  	s30 =	simm.s32 $0xA0;
	[sflag:s10] =	ssyncadd.s32 $0xFFFFFB00  }
0x1e: {  	[tilespmem:s11], [sflag:$0x1] =	stream.indirect.gather [hbm4b:s3+s12], $0x10, s30, s12, $0xb8;
	[tilespmem:$0x3200] =	vst v63  }
0x1f: {  	_ =	swait.ge [sflag:s15], $0x500  }
0x20: {  	[sflag:s15] =	ssyncset.done $0x0  }
0x21: {  	s31 =	sadd.s32 $0x0, s9;
	[sflag:s15] =	ssyncadd.s32 $0xFFFFFB00  }
0x22: {  	[hbm4b:s31+s2] =	stream.linear.scatter [tilespmem:s13], [sflag:$0x3], $0x500, $0x38;
	[tilespmem:$0x3200] =	vst v63  }
0x23: {  	_ =	swait.ge [sflag:s10], $0x500  }
0x24: {  	s19 =	simm.s32 $0x50;
	s18 =	simm.s32 $0x140;
	[sflag:s10] =	ssyncset.done $0x0  }
.LBB2_2:
0x25: {  	p0 =	sne.s32 s18, $0x4D80;
	[sflag:s10] =	ssyncadd.s32 $0xFFFFFB00;
	s19 =	sadd.s32 $0xA0, s19  }
0x26: {  	[tilespmem:s13], [sflag:$0x2] =	stream.indirect.gather [hbm4b:s3+s12], $0x10, s19, s12, $0xb8;
	[tilespmem:$0x3200] =	vst v63  }
0x27: {  	s20 =	smov.u32 s18;
	s18 =	sadd.s32 $0x140, s18;
	_ =	swait.ge [sflag:s14], $0x500  }
0x28: {  	[sflag:s14] =	ssyncset.done $0x0  }
0x29: {  	s21 =	sadd.s32 s20, s8;
	[sflag:s14] =	ssyncadd.s32 $0xFFFFFB00  }
0x2a: {  	[hbm4b:s21+s2] =	stream.linear.scatter [tilespmem:s11], [sflag:$0x3], $0x500, $0x38;
	[tilespmem:$0x3200] =	vst v63  }
0x2b: {  	_ =	swait.ge [sflag:s10], $0x500  }
0x2c: {  	[sflag:s10] =	ssyncset.done $0x0  }
0x2d: {  	s21 =	sadd.s32 $0x50, s19;
	[sflag:s10] =	ssyncadd.s32 $0xFFFFFB00  }
0x2e: {  	[tilespmem:s11], [sflag:$0x1] =	stream.indirect.gather [hbm4b:s3+s12], $0x10, s21, s12, $0xb8;
	[tilespmem:$0x3200] =	vst v63  }
0x2f: {  	_ =	swait.ge [sflag:s15], $0x500  }
.Ltmp0:
0x30: {  	[sflag:s15] =	ssyncset.done $0x0;
	(pc) =	sbr.rel @p0 .LBB2_2-.Ltmp0, $4  }
0x31: {  	s20 =	sadd.s32 s20, s9;
	[sflag:s15] =	ssyncadd.s32 $0xFFFFFB00  }
0x32: {  	[hbm4b:s20+s2] =	stream.linear.scatter [tilespmem:s13], [sflag:$0x3], $0x500, $0x38;
	[tilespmem:$0x3200] =	vst v63  }
0x33: {  	_ =	swait.ge [sflag:s10], $0x500  }
0x34: {  	[sflag:s10] =	ssyncset.done $0x0  }
0x35: {  	[sflag:s10] =	ssyncadd.s32 $0xFFFFFB00  }
0x36: {  	[tilespmem:s13], [sflag:$0x2] =	stream.indirect.gather [hbm4b:s3+s12], $0x10, s16, s12, $0xb8;
	[tilespmem:$0x3200] =	vst v63  }
0x37: {  	_ =	swait.ge [sflag:s14], $0x500  }
0x38: {  	[sflag:s14] =	ssyncset.done $0x0  }
0x39: {  	[sflag:s14] =	ssyncadd.s32 $0xFFFFFB00  }
0x3a: {  	[hbm4b:s6+s2] =	stream.linear.scatter [tilespmem:s11], [sflag:$0x3], $0x500, $0x38;
	[tilespmem:$0x3200] =	vst v63  }
0x3b: {  	_ =	swait.ge [sflag:s10], $0x500  }
0x3c: {  	[sflag:s10] =	ssyncset.done $0x0  }
0x3d: {  	[sflag:s10] =	ssyncadd.s32 $0xFFFFFB00  }
0x3e: {  	s17 =	sadd.s32 $0x1, s17;
	_ =	swait.ge [sflag:s15], $0x500  }
0x3f: {  	p0 =	sne.s32 s17, s5;
	[sflag:s15] =	ssyncset.done $0x0  }
.Ltmp1:
0x40: {  	[sflag:s15] =	ssyncadd.s32 $0xFFFFFB00;
	(pc) =	sbr.rel @p0 .LBB2_1-.Ltmp1, $4  }
0x41: {  	[hbm4b:s7+s2] =	stream.linear.scatter [tilespmem:s13], [sflag:$0x3], $0x500, $0x38;
	[tilespmem:$0x3200] =	vst v63  }
0x42: {  	_ =	swait.ge [sflag:s10], $0x500  }
0x43: {  	[sflag:s10] =	ssyncset.done $0x0  }
0x44: {  	[sflag:s10] =	ssyncadd.s32 $0xFFFFFB00  }
0x45: {  	_ =	sfence.sel $0x180000  }
0x46: {  	[bflag:$0x0] =	sbarrier.arrive $0xFFFF  }
0x47: {  	p0 =	sne.s32 s0, $0x0;
	_ =	strace $0x90000047  }
0x48: {  	s0 =	sadd.s32 @!p0 $0x100000, s1;
	[bflag:$0x2] =	sbarrier.arrive $0xFFFF  }
0x49: {  	[sflag:s0] =	ssyncadd.tile.s32 @!p0 $0x1;
	_ =	shalt  }
.Lfunc_end2:
_tile_overlayer_lowered:
.L_overlay_start_2:
0x4a: {  	(tag) =	ssettag $0x2  }
0x4b: {  	s0 =	rddreg [dreg:$0x0];
	s2 =	stileid.u32  }
0x4c: {  	s1 =	rddreg [dreg:$0x1];
	p0 =	sne.s32 s2, $0x0  }
0x4d: {  	s3 =	rddreg [dreg:$0x2];
	[bflag:$0x3] =	sbarrier.arrive $0xFFFF;
	s2 =	simm.s32 @!p0 $0x1C03  }
0x4e: {  	[timem:s3], [sflag:s2] =	dma.local @!p0 [hbm:s0], s1  }
0x4f: {  	s0 =	simm.s32 @!p0 $0x3  }
0x50: {  	_ =	swait.ge @!p0 [sflag:s0], s1  }
0x51: {  	s1 =	ssub.s32 @!p0 $0x0, s1;
	[sflag:s0] =	ssyncset.done @!p0 $0x0  }
0x52: {  	[sflag:s0] =	ssyncadd.s32 @!p0 s1  }
0x53: {  	[bflag:$0x3] =	sbarrier.arrive $0xFFFF  }
0x54: {  	_ =	shalt  }

// kernel: kernel.16.cloned.1.call-start
scs
__scs_entry_jumppad:
0x0: {  	(pc) =	sbr.rel $0x88, $3  }
0x1: {  	(tag) =	ssettag $0x0;
	lr =	simm.s32 $0x1  }
0x2: {  	[smem:$0x3F8E] =	sst lr;
	_ =	strace $0xD0000000  }
0x3: {  	_ = 	snop  }
0x4: {  	_ = 	snop  }
0x5: {  	_ = 	snop  }
0x6: {  	_ = 	snop  }
0x7: {  	_ = 	snop  }
__scs_overlays_trampoline_lowered:
0x8: {  	[smem:$0x3F9D] =	sst s0  }
0x9: {  	[smem:$0x3F9E] =	sst s1  }
0xa: {  	[smem:$0x3F9F] =	sst s2  }
0xb: {  	[smem:$0x3FA0] =	sst s3  }
0xc: {  	[smem:$0x3FA1] =	sst s4  }
0xd: {  	[smem:$0x3FA2] =	sst s5  }
0xe: {  	[smem:$0x3FA3] =	sst s6  }
0xf: {  	[smem:$0x3FA4] =	sst s7  }
0x10: {  	[smem:$0x3FA5] =	sst s8  }
0x11: {  	[smem:$0x3FA6] =	sst s9;
	s0 =	simm.s32 @!p0 $0x0  }
0x12: {  	s1 =	sld [smem:$0x3F8C];
	s0 =	simm.s32 @p0 $0x1  }
0x13: {  	[smem:$0x3FA7] =	sst s0;
	s0 =	simm.s32 @!p1 $0x0  }
0x14: {  	s2 =	sld [smem:$0x3F8B];
	s0 =	simm.s32 @p1 $0x1  }
0x15: {  	[smem:$0x3FA8] =	sst s0;
	s0 =	simm.s32 @!p2 $0x0  }
0x16: {  	s3 =	sld [smem:$0x3FDB];
	s0 =	simm.s32 @p2 $0x1  }
0x17: {  	s4 =	simm.s32 $0x1BF5;
	[smem:$0x3FAA] =	sst s0  }
0x18: {  	s0 =	sld [smem:$0x3F8D];
	_ =	swait.ge [sflag:s4], $0x0  }
0x19: {  	s7 =	sld [smem:$0x3F8E]  }
0x1a: {  	s8 =	sadd.s32 $0xFFFFE003, lr  }
0x1b: {  	s9 =	sadd.s32 $0xFFFFFEF7, lr;
	s5 =	simm.s32 $0xFFFFFFFF;
	p2 =	slt.u32 s8, $0xFFFFF086  }
0x1c: {  	p1 =	slt.u32 s9, $0xF7A;
	s5 =	simm.s32 @!p2 $0x0  }
0x1d: {  	s5 =	simm.s32 @p1 $0x1;
	p0 =	seq.s32 s7, s2  }
0x1e: {  	s7 =	smul.u32 @!p0 $0xF7A, s2;
	p2 =	seq.s32 @!p0 s5, $0x0  }
0x1f: {  	s9 =	smul.u32 $0xF7A, s1;
	s8 =	simm.s32 @!p0 $0x1BF5;
	p2 =	por !p2, p0  }
0x20: {  	[sflag:s8] =	ssyncset.s32 @!p0 $0xFFFFF086;
	s6 =	sadd.s32 @!p0 s3, s7;
	s7 =	simm.s32 @!p0 $0x108  }
0x21: {  	s3 =	sadd.s32 s3, s9;
	s6 =	sadd.s32 @!p0 $0x88, s6;
	s7 =	simm.s32 @p2 $0x1082  }
0x22: {  	[simem:s7], [sflag:s8] =	dma.local @!p0 [hbm:s6], $0xF7A  }
0x23: {  	s9 =	sor.u32 $0xD0000000, s2;
	s6 =	simm.s32 $0x108;
	_ =	swait.ge @!p0 [sflag:s8], $0x0  }
0x24: {  	s3 =	sadd.s32 $0x88, s3;
	s6 =	simm.s32 @!p1 $0x1082;
	[sflag:s4] =	ssyncset.s32 $0xFFFFF086  }
0x25: {  	[simem:s6], [sflag:s4] =	dma.local [hbm:s3], $0xF7A  }
0x26: {  	[smem:$0x3F8E] =	sst s1;
	(tag) =	ssettag s2;
	_ =	strace s9  }
0x27: {  	s1 =	sld [smem:$0x3F9E]  }
0x28: {  	s2 =	sld [smem:$0x3F9F]  }
0x29: {  	s4 =	sld [smem:$0x3FA1]  }
0x2a: {  	p0 =	seq.s32 s5, $0x0;
	s5 =	sld [smem:$0x3FA2]  }
0x2b: {  	s6 =	sld [smem:$0x3FA3]  }
0x2c: {  	s7 =	sld [smem:$0x3FA4]  }
0x2d: {  	s3 =	simm.s32 $0x108;
	s8 =	sld [smem:$0x3FA5]  }
0x2e: {  	s3 =	simm.s32 @!p0 $0x1082;
	s9 =	sld [smem:$0x3FA6]  }
0x2f: {  	lr =	sadd.s32 s0, s3;
	s0 =	sld [smem:$0x3F9D]  }
0x30: {  	s3 =	sld [smem:$0x3FA0]  }
0x31: {  	[smem:$0x3FA9] =	sst s10  }
0x32: {  	s10 =	sld [smem:$0x3FA7];
	_ =	sdelay $0x3  }
0x33: {  	p0 =	seq.s32 s10, $0x1;
	s10 =	sld [smem:$0x3FA9];
	_ =	sdelay $0x3  }
0x34: {  	[smem:$0x3FA9] =	sst s10  }
0x35: {  	s10 =	sld [smem:$0x3FA8];
	_ =	sdelay $0x3  }
0x36: {  	p1 =	seq.s32 s10, $0x1;
	s10 =	sld [smem:$0x3FA9];
	_ =	sdelay $0x3  }
0x37: {  	[smem:$0x3FA9] =	sst s10  }
0x38: {  	s10 =	sld [smem:$0x3FAA]  }
0x39: {  	_ = 	snop;
	(pc) =	sbr.ind lr, $3  }
0x3a: {  	_ = 	snop  }
0x3b: {  	_ = 	snop  }
0x3c: {  	p2 =	seq.s32 s10, $0x1;
	s10 =	sld [smem:$0x3FA9]  }
0x3d: {  	_ =	shalt  }
0x3e: {  	_ =	shalt  }
0x3f: {  	_ =	shalt  }
0x40: {  	_ =	shalt  }
0x41: {  	_ =	shalt  }
0x42: {  	_ =	shalt  }
0x43: {  	_ =	shalt  }
0x44: {  	_ =	shalt  }
0x45: {  	_ =	shalt  }
0x46: {  	_ =	shalt  }
0x47: {  	_ =	shalt  }
0x48: {  	_ =	shalt  }
0x49: {  	_ =	shalt  }
0x4a: {  	_ =	shalt  }
0x4b: {  	_ =	shalt  }
0x4c: {  	_ =	shalt  }
0x4d: {  	_ =	shalt  }
0x4e: {  	_ =	shalt  }
0x4f: {  	_ =	shalt  }
0x50: {  	_ =	shalt  }
0x51: {  	_ =	shalt  }
0x52: {  	_ =	shalt  }
0x53: {  	_ =	shalt  }
0x54: {  	_ =	shalt  }
0x55: {  	_ =	shalt  }
0x56: {  	_ =	shalt  }
0x57: {  	_ =	shalt  }
0x58: {  	_ =	shalt  }
0x59: {  	_ =	shalt  }
0x5a: {  	_ =	shalt  }
0x5b: {  	_ =	shalt  }
0x5c: {  	_ =	shalt  }
0x5d: {  	_ =	shalt  }
0x5e: {  	_ =	shalt  }
0x5f: {  	_ =	shalt  }
0x60: {  	_ =	shalt  }
0x61: {  	_ =	shalt  }
0x62: {  	_ =	shalt  }
0x63: {  	_ =	shalt  }
0x64: {  	_ =	shalt  }
0x65: {  	_ =	shalt  }
0x66: {  	_ =	shalt  }
0x67: {  	_ =	shalt  }
0x68: {  	_ =	shalt  }
0x69: {  	_ =	shalt  }
0x6a: {  	_ =	shalt  }
0x6b: {  	_ =	shalt  }
0x6c: {  	_ =	shalt  }
0x6d: {  	_ =	shalt  }
0x6e: {  	_ =	shalt  }
0x6f: {  	_ =	shalt  }
0x70: {  	_ =	shalt  }
0x71: {  	_ =	shalt  }
0x72: {  	_ =	shalt  }
0x73: {  	_ =	shalt  }
0x74: {  	_ =	shalt  }
0x75: {  	_ =	shalt  }
0x76: {  	_ =	shalt  }
0x77: {  	_ =	shalt  }
0x78: {  	_ =	shalt  }
0x79: {  	_ =	shalt  }
0x7a: {  	_ =	shalt  }
0x7b: {  	_ =	shalt  }
0x7c: {  	_ =	shalt  }
0x7d: {  	_ =	shalt  }
0x7e: {  	_ =	shalt  }
0x7f: {  	_ =	shalt  }
0x80: {  	_ =	shalt  }
0x81: {  	_ =	shalt  }
0x82: {  	_ =	shalt  }
0x83: {  	_ =	shalt  }
0x84: {  	_ =	shalt  }
0x85: {  	_ =	shalt  }
0x86: {  	_ =	shalt  }
0x87: {  	_ =	shalt  }
.Lfunc_end0:
.L_simem_size_0:
called_computation.1_lowered:
.L_overlay_start_0:
0x88: {  	s2 =	sld [smem:$0x3FD9]  }
0x89: {  	s3 =	sld [smem:$0x3FFE];
	_ =	sdelay $0x1  }
0x8a: {  	s1 =	srdreg.scid  }
0x8b: {  	s0 =	sand.u32 $0x1, s1  }
0x8c: {  	s16 =	sshll.u32 s0, $0xA;
	s2 =	sadd.s32 s3, s2  }
0x8d: {  	s2 =	sadd.s32 s2, s16  }
0x8e: {  	[smem:$0x3FB5] =	sst s2  }
0x8f: {  	_ = 	snop  }
0x90: {  	(tm) =	ssettm $0x1  }
0x91: {  	s17 =	sld [smem:$0x3FFB];
	_ =	sdelay $0x3  }
0x92: {  	_ =	strace s17  }
0x93: {  	s2 =	sld [smem:$0x3FFC];
	_ =	sdelay $0x3  }
0x94: {  	_ =	strace s2  }
0x95: {  	s2 =	sld [smem:$0x3FFD];
	_ =	sdelay $0x3  }
0x96: {  	_ =	strace s2  }
0x97: {  	_ =	strace $0x8FFFFFFF  }
0x98: {  	s18 =	sld [smem:$0x3FDB];
	_ =	sdelay $0x1  }
0x99: {  	s19 =	simm.s32 $_scs_section_size  }
0x9a: {  	s4 =	simm.s32 $_size__tile_overlayer_lowered;
	s5 =	simm.s32 $_tile_overlayer_lowered  }
0x9b: {  	s22 =	simm.s32 $0x1BFF;
	s21 =	sshll.u32 s5, $0x1;
	s2 =	sadd.s32 s19, s18  }
0x9c: {  	s6 =	simm.s32 $0x0;
	s20 =	sshll.u32 s4, $0x1;
	s4 =	sadd.s32 s21, s2  }
0x9d: {  	[timem:s6], [sflag:s22] =	dma.local [hbm:s4], s20  }
0x9e: {  	_ =	swait.ge [sflag:s22], s20  }
0x9f: {  	s3 =	ssub.s32 $0x0, s20;
	[sflag:s22] =	ssyncset.done $0x0  }
0xa0: {  	[sflag:s22] =	ssyncadd.s32 s3;
	_ =	sdelay $0x1  }
0xa1: {  	s23 =	simm.s32 $0x1B8B  }
0xa2: {  	_ =	swait.ge [sflag:s23], $0x1  }
0xa3: {  	[sflag:s23] =	ssyncset.done $0x0  }
0xa4: {  	s25 =	simm.s32 $0x1B8E;
	s24 =	sld [smem:$0x3FFE];
	[sflag:s23] =	ssyncadd.s32 $0xFFFFFFFF  }
0xa5: {  	s26 =	simm.s32 $execute0_lowered;
	[smem:$0x3FD2] =	sst s25  }
0xa6: {  	s4 =	sshll.u32 s26, $0x1;
	_ =	strace $0x80000049;
	[dreg:$0x1] =	wrdreg $0xFFFFFFFF  }
0xa7: {  	s28 =	simm.s32 $_size_execute0_lowered;
	s2 =	sadd.s32 s2, s4;
	[dreg:$0x0] =	wrdreg $0x0  }
0xa8: {  	s4 =	sshll.u32 s28, $0x1;
	[dreg:$0x2] =	wrdreg s2  }
0xa9: {  	[dreg:$0x3] =	wrdreg s4  }
0xaa: {  	[dreg:$0x4] =	wrdreg $0xC0  }
0xab: {  	_ =	task [dreg:s6], $0x5FFFF  }
0xac: {  	[dreg:$0x1] =	wrdreg $0xFFFFFFFF  }
0xad: {  	[dreg:$0x0] =	wrdreg $0x60  }
0xae: {  	[dreg:$0x2] =	wrdreg s24  }
0xaf: {  	[dreg:$0x3] =	wrdreg $0x9  }
0xb0: {  	_ =	task.clear_ibuf [dreg:s6], $0x4FFFF;
	_ =	strace $0x90000049  }
0xb1: {  	s29 =	simm.s32 $0x9;
	_ =	strace $0x8000004B  }
0xb2: {  	_ =	swait.ge [sflag:s29], $0x1  }
0xb3: {  	[sflag:s29] =	ssyncadd.s32 $0xFFFFFFFF  }
0xb4: {  	_ =	strace $0x9000004B  }
0xb5: {  	_ =	sfence  }
0xb6: {  	s30 =	sld [smem:$0x0];
	_ =	sdelay $0x2  }
0xb7: {  	s31 =	sshll.u32 s1, $0xD;
	s1 =	sshrl.u32 s1, $0x2  }
0xb8: {  	s3 =	sand.u32 $0x4000, s31;
	s1 =	sadd.s32 s1, s30  }
0xb9: {  	s0 =	sor.u32 s3, s0;
	s1 =	sshll.u32 s1, $0x11  }
0xba: {  	s0 =	sor.u32 s1, s0  }
0xbb: {  	s0 =	sadd.s32 $0x8F2B, s0  }
0xbc: {  	[sflag:s0] =	ssyncadd.remote.s32 $0x1  }
0xbd: {  	_ =	sfence.sel $0xFFFF  }
0xbe: {  	[dreg:$0x0] =	wrdreg $0xFFFFFFFF;
	(pc) =	sbr.abs _section_cstart, $3  }
0xbf: {  	[dreg:$0x1] =	wrdreg $0xFFFFFFFF  }
0xc0: {  	_ =	task.clear_ibuf [dreg:s6], $0x2FFFF;
	_ =	strace $0x9FFFFFFF  }
0xc1: {  	(tm) =	ssettm $0x7FFFFFFF  }
tec
execute0_lowered:
.L_overlay_start_1:
0x0: {  	(tag) =	ssettag $0x1  }
0x1: {  	s1 =	srdreg.scid  }
0x2: {  	s0 =	stileid.u32;
	s4 =	rddreg [dreg:$0x0]  }
0x3: {  	s2 =	simm.s32 $0x0;
	s14 =	simm.s32 $0x1;
	s15 =	simm.s32 $0x2  }
0x4: {  	s16 =	simm.s32 $0x27B0;
	s17 =	simm.s32 $0x0;
	s10 =	smul.u32 $0x5000, s0  }
0x5: {  	s6 =	sand.u32 $0x1, s1;
	s3 =	sshll.u32 s0, $0x1;
	s29 =	smul.u32 $0x14000, s0  }
0x6: {  	s1 =	rddreg [dreg:$0x1];
	s5 =	sor.u32 s6, s3;
	s28 =	smul.u32 $0x2800, s6  }
0x7: {  	[smem:$0x7FF] =	sst s2;
	s11 =	sadd.s32 $0x5AE00, s4;
	s7 =	smul.u32 $0x2800, s5  }
0x8: {  	_ =	strace $0x8000004A;
	s8 =	ssub.s32 $0x2, s6;
	s9 =	smul.u32 $0xA000, s5  }
0x9: {  	s3 =	sadd.s32 $0x40E00, s4;
	s12 =	smul.u32 $0xA000, s6;
	s26 =	sshrl.u32 s8, $0x1  }
0xa: {  	s30 =	sadd.s32 s29, s11;
	s7 =	sshrl.u32 s7, $0x3;
	s9 =	sadd.s32 s11, s9  }
0xb: {  	s25 =	sadd.s32 s7, s4;
	s7 =	ssub.s32 s8, s26;
	s8 =	sadd.s32 s28, s10  }
0xc: {  	s6 =	sadd.s32 $0x9D80, s9;
	s10 =	simm.s32 $0x3;
	s4 =	sadd.s32 $0x50E00, s25  }
0xd: {  	s5 =	smax.u32 s7, $0x1;
	s13 =	sshll.u32 s8, $0x2;
	s7 =	sadd.s32 $0x9EC0, s9  }
0xe: {  	s8 =	sadd.s32 s12, s30;
	s12 =	simm.s32 $0x2800;
	s31 =	sadd.s32 s13, s11  }
0xf: {  	s11 =	simm.s32 $0x50;
	s13 =	simm.s32 $0x3200;
	s9 =	sadd.s32 $0x140, s31  }
.LBB2_1:
0x10: {  	[tilespmem:s2], [sflag:$0x3] =	stream.linear.gather [hbm4b:s4+s2], $0x2800, $0x38;
	[tilespmem:$0x3C00] =	vst v63  }
0x11: {  	_ =	swait.ge [sflag:s10], $0x2800  }
0x12: {  	[sflag:s10] =	ssyncset.done $0x0  }
0x13: {  	[sflag:s10] =	ssyncadd.s32 $0xFFFFD800  }
0x14: {  	[tilespmem:s12], [sflag:$0x1] =	stream.indirect.gather [hbm4b:s3+s11], $0x20, s2, s11, $0xb8;
	[tilespmem:$0x3C00] =	vst v63  }
0x15: {  	s18 =	simm.s32 $0x50  }
0x16: {  	[tilespmem:s13], [sflag:$0x2] =	stream.indirect.gather [hbm4b:s3+s11], $0x20, s18, s11, $0xb8;
	[tilespmem:$0x3C00] =	vst v63  }
0x17: {  	_ =	swait.ge [sflag:s14], $0xA00  }
0x18: {  	[sflag:s14] =	ssyncset.done $0x0  }
0x19: {  	s29 =	sadd.s32 $0x0, s8;
	[sflag:s14] =	ssyncadd.s32 $0xFFFFF600  }
0x1a: {  	[hbm4b:s29+s2] =	stream.linear.scatter [tilespmem:s12], [sflag:$0x3], $0xA00, $0x38;
	[tilespmem:$0x3C00] =	vst v63  }
0x1b: {  	_ =	swait.ge [sflag:s10], $0xA00  }
0x1c: {  	[sflag:s10] =	ssyncset.done $0x0  }
0x1d: {  	s30 =	simm.s32 $0xA0;
	[sflag:s10] =	ssyncadd.s32 $0xFFFFF600  }
0x1e: {  	[tilespmem:s12], [sflag:$0x1] =	stream.indirect.gather [hbm4b:s3+s11], $0x20, s30, s11, $0xb8;
	[tilespmem:$0x3C00] =	vst v63  }
0x1f: {  	_ =	swait.ge [sflag:s15], $0xA00  }
0x20: {  	[sflag:s15] =	ssyncset.done $0x0  }
0x21: {  	s31 =	sadd.s32 $0x0, s9;
	[sflag:s15] =	ssyncadd.s32 $0xFFFFF600  }
0x22: {  	[hbm4b:s31+s2] =	stream.linear.scatter [tilespmem:s13], [sflag:$0x3], $0xA00, $0x38;
	[tilespmem:$0x3C00] =	vst v63  }
0x23: {  	s20 =	simm.s32 $0x500;
	_ =	swait.ge [sflag:s10], $0xA00  }
0x24: {  	s19 =	simm.s32 $0xA0;
	s18 =	simm.s32 $0x280;
	[sflag:s10] =	ssyncset.done $0x0  }
.LBB2_2:
0x25: {  	s21 =	sadd.s32 $0x50, s19  }
0x26: {  	[sflag:s10] =	ssyncadd.s32 $0xFFFFF600;
	s22 =	smov.u32 s20;
	s23 =	sadd.s32 $0x280, s20  }
0x27: {  	[tilespmem:s13], [sflag:$0x2] =	stream.indirect.gather [hbm4b:s3+s11], $0x20, s21, s11, $0xb8;
	[tilespmem:$0x3C00] =	vst v63  }
0x28: {  	p0 =	sne.s32 s20, $0x9B00;
	_ =	swait.ge [sflag:s14], $0xA00  }
0x29: {  	[sflag:s14] =	ssyncset.done $0x0  }
0x2a: {  	s20 =	sadd.s32 s18, s8;
	[sflag:s14] =	ssyncadd.s32 $0xFFFFF600  }
0x2b: {  	[hbm4b:s20+s2] =	stream.linear.scatter [tilespmem:s12], [sflag:$0x3], $0xA00, $0x38;
	[tilespmem:$0x3C00] =	vst v63  }
0x2c: {  	_ =	swait.ge [sflag:s10], $0xA00  }
0x2d: {  	[sflag:s10] =	ssyncset.done $0x0  }
0x2e: {  	s19 =	sadd.s32 $0xA0, s19;
	[sflag:s10] =	ssyncadd.s32 $0xFFFFF600  }
0x2f: {  	[tilespmem:s12], [sflag:$0x1] =	stream.indirect.gather [hbm4b:s3+s11], $0x20, s19, s11, $0xb8;
	[tilespmem:$0x3C00] =	vst v63  }
0x30: {  	_ =	swait.ge [sflag:s15], $0xA00  }
.Ltmp0:
0x31: {  	[sflag:s15] =	ssyncset.done $0x0;
	(pc) =	sbr.rel @p0 .LBB2_2-.Ltmp0, $4  }
0x32: {  	s19 =	sadd.s32 s18, s9;
	s18 =	smov.u32 s22;
	[sflag:s15] =	ssyncadd.s32 $0xFFFFF600  }
0x33: {  	[hbm4b:s19+s2] =	stream.linear.scatter [tilespmem:s13], [sflag:$0x3], $0xA00, $0x38;
	[tilespmem:$0x3C00] =	vst v63  }
0x34: {  	_ =	swait.ge [sflag:s10], $0xA00  }
0x35: {  	s20 =	smov.u32 s23;
	s19 =	sshra.s32 s18, $0x2;
	[sflag:s10] =	ssyncset.done $0x0  }
0x36: {  	s20 =	sadd.s32 $0x50, s19;
	[sflag:s10] =	ssyncadd.s32 $0xFFFFF600  }
0x37: {  	[tilespmem:s13], [sflag:$0x2] =	stream.indirect.gather [hbm4b:s3+s11], $0x20, s20, s11, $0xb8;
	[tilespmem:$0x3C00] =	vst v63  }
0x38: {  	_ =	swait.ge [sflag:s14], $0xA00  }
0x39: {  	[sflag:s14] =	ssyncset.done $0x0  }
0x3a: {  	s29 =	sadd.s32 s18, s8;
	[sflag:s14] =	ssyncadd.s32 $0xFFFFF600  }
0x3b: {  	[hbm4b:s29+s2] =	stream.linear.scatter [tilespmem:s12], [sflag:$0x3], $0xA00, $0x38;
	[tilespmem:$0x3C00] =	vst v63  }
0x3c: {  	_ =	swait.ge [sflag:s10], $0xA00  }
0x3d: {  	[sflag:s10] =	ssyncset.done $0x0  }
0x3e: {  	s30 =	sadd.s32 $0xA0, s19;
	[sflag:s10] =	ssyncadd.s32 $0xFFFFF600  }
0x3f: {  	[tilespmem:s12], [sflag:$0x1] =	stream.indirect.gather [hbm4b:s3+s11], $0x20, s30, s11, $0xb8;
	[tilespmem:$0x3C00] =	vst v63  }
0x40: {  	_ =	swait.ge [sflag:s15], $0xA00  }
0x41: {  	[sflag:s15] =	ssyncset.done $0x0  }
0x42: {  	s31 =	sadd.s32 s18, s9;
	[sflag:s15] =	ssyncadd.s32 $0xFFFFF600  }
0x43: {  	[hbm4b:s31+s2] =	stream.linear.scatter [tilespmem:s13], [sflag:$0x3], $0xA00, $0x38;
	[tilespmem:$0x3C00] =	vst v63  }
0x44: {  	_ =	swait.ge [sflag:s10], $0xA00  }
0x45: {  	[sflag:s10] =	ssyncset.done $0x0  }
0x46: {  	[sflag:s10] =	ssyncadd.s32 $0xFFFFF600  }
0x47: {  	[tilespmem:s13], [sflag:$0x2] =	stream.indirect.gather [hbm4b:s3+s11], $0x20, s16, s11, $0xb8;
	[tilespmem:$0x3C00] =	vst v63  }
0x48: {  	_ =	swait.ge [sflag:s14], $0xA00  }
0x49: {  	[sflag:s14] =	ssyncset.done $0x0  }
0x4a: {  	[sflag:s14] =	ssyncadd.s32 $0xFFFFF600  }
0x4b: {  	[hbm4b:s6+s2] =	stream.linear.scatter [tilespmem:s12], [sflag:$0x3], $0xA00, $0x38;
	[tilespmem:$0x3C00] =	vst v63  }
0x4c: {  	_ =	swait.ge [sflag:s10], $0xA00  }
0x4d: {  	[sflag:s10] =	ssyncset.done $0x0  }
0x4e: {  	[sflag:s10] =	ssyncadd.s32 $0xFFFFF600  }
0x4f: {  	s17 =	sadd.s32 $0x1, s17;
	_ =	swait.ge [sflag:s15], $0xA00  }
0x50: {  	p0 =	sne.s32 s17, s5;
	[sflag:s15] =	ssyncset.done $0x0  }
.Ltmp1:
0x51: {  	[sflag:s15] =	ssyncadd.s32 $0xFFFFF600;
	(pc) =	sbr.rel @p0 .LBB2_1-.Ltmp1, $4  }
0x52: {  	[hbm4b:s7+s2] =	stream.linear.scatter [tilespmem:s13], [sflag:$0x3], $0xA00, $0x38;
	[tilespmem:$0x3C00] =	vst v63  }
0x53: {  	_ =	swait.ge [sflag:s10], $0xA00  }
0x54: {  	[sflag:s10] =	ssyncset.done $0x0  }
0x55: {  	[sflag:s10] =	ssyncadd.s32 $0xFFFFF600  }
0x56: {  	_ =	sfence.sel $0x180000  }
0x57: {  	[bflag:$0x0] =	sbarrier.arrive $0xFFFF  }
0x58: {  	p0 =	sne.s32 s0, $0x0;
	_ =	strace $0x9000004A  }
0x59: {  	s0 =	sadd.s32 @!p0 $0x100000, s1;
	[bflag:$0x2] =	sbarrier.arrive $0xFFFF  }
0x5a: {  	[sflag:s0] =	ssyncadd.tile.s32 @!p0 $0x1;
	_ =	shalt  }
.Lfunc_end2:
_tile_overlayer_lowered:
.L_overlay_start_2:
0x5b: {  	(tag) =	ssettag $0x2  }
0x5c: {  	s0 =	rddreg [dreg:$0x0];
	s2 =	stileid.u32  }
0x5d: {  	s1 =	rddreg [dreg:$0x1];
	p0 =	sne.s32 s2, $0x0  }
0x5e: {  	s3 =	rddreg [dreg:$0x2];
	[bflag:$0x3] =	sbarrier.arrive $0xFFFF;
	s2 =	simm.s32 @!p0 $0x1C03  }
0x5f: {  	[timem:s3], [sflag:s2] =	dma.local @!p0 [hbm:s0], s1  }
0x60: {  	s0 =	simm.s32 @!p0 $0x3  }
0x61: {  	_ =	swait.ge @!p0 [sflag:s0], s1  }
0x62: {  	s1 =	ssub.s32 @!p0 $0x0, s1;
	[sflag:s0] =	ssyncset.done @!p0 $0x0  }
0x63: {  	[sflag:s0] =	ssyncadd.s32 @!p0 s1  }
0x64: {  	[bflag:$0x3] =	sbarrier.arrive $0xFFFF  }
0x65: {  	_ =	shalt  }

</sc_bundles>
